<compile_context>
chip_gen: v7x
topology: tpu7x:2x2x1
jax: 0.10.2.dev20260603
libtpu: 0.0.44.dev20260713+nightly
codegen_flags: <defaults>
</compile_context>

<pallas_src>
import functools

import jax
import jax.numpy as jnp
from jax import lax
from jax.experimental import pallas as pl
from jax.experimental.pallas import tpu as pltpu
from jax.experimental.pallas import tpu_sc as plsc


_BN = 1536
_BK = 512
_BR = 512
_LANES = 128


_K = 8192
_NKS = _K // _BK


def _argmin_body(f_ref, ct_ref, out_ref, ctm2_s, csq_s):
    n = pl.program_id(0)

    @pl.when(n == 0)
    def _():
        ct = ct_ref[...]
        csq = jnp.sum(ct * ct, axis=0, keepdims=True)
        ctm2_s[...] = ct * (-2.0)
        csq_s[...] = jnp.broadcast_to(csq, (8, _K))

    f = f_ref[...]
    f_sq = jnp.sum(f * f, axis=1, keepdims=True)

    for r in range(_BN // _BR):
        rs = slice(r * _BR, (r + 1) * _BR)
        fr = f[rs, :]
        fsq_r = f_sq[rs, :]
        rmin = jnp.full((_BR, _LANES), jnp.inf, jnp.float32)
        rarg = jnp.zeros((_BR, _LANES), jnp.int32)
        for kb in range(_NKS):
            ksl = slice(kb * _BK, (kb + 1) * _BK)
            t = jnp.dot(fr, ctm2_s[:, ksl],
                        preferred_element_type=jnp.float32)
            csq_k = csq_s[0:1, ksl]
            for j in range(_BK // _LANES):
                sl = slice(j * _LANES, (j + 1) * _LANES)
                d2 = (fsq_r + csq_k[:, sl]) + t[:, sl]
                chunk = kb * (_BK // _LANES) + j
                lt = d2 < rmin
                rmin = jnp.minimum(d2, rmin)
                rarg = jnp.where(lt, chunk, rarg)
        gm = jnp.min(rmin, axis=1, keepdims=True)
        lane = lax.broadcasted_iota(jnp.int32, (_BR, _LANES), 1)
        fullidx = rarg * _LANES + lane
        cand = jnp.where(rmin == gm, fullidx, jnp.int32(2**30))
        out_ref[rs, :] = jnp.min(cand, axis=1, keepdims=True)


def _nearest_indices(features, ct):
    n, d = features.shape
    grid = (n // _BN,)
    return pl.pallas_call(
        _argmin_body,
        grid=grid,
        in_specs=[
            pl.BlockSpec((_BN, d), lambda i: (i, 0)),
            pl.BlockSpec((d, _K), lambda i: (0, 0)),
        ],
        out_specs=pl.BlockSpec((_BN, 1), lambda i: (i, 0)),
        out_shape=jax.ShapeDtypeStruct((n, 1), jnp.int32),
        scratch_shapes=[
            pltpu.VMEM((d, _K), jnp.float32),
            pltpu.VMEM((8, _K), jnp.float32),
        ],
        compiler_params=pltpu.CompilerParams(
            dimension_semantics=("arbitrary",),
        ),
    )(features, ct)



_NC = 2
_NS = 16
_NW = _NC * _NS
_CHUNK = 128


def _make_sc_gather(n, d):
    rows_per_w = n // (_NW * _CHUNK)
    b_per_w = rows_per_w * _CHUNK
    mesh = plsc.VectorSubcoreMesh(core_axis_name="c", subcore_axis_name="s")

    @functools.partial(
        pl.kernel,
        mesh=mesh,
        out_type=jax.ShapeDtypeStruct((n, d), jnp.float32),
        scratch_types=[
            pltpu.VMEM((rows_per_w, _CHUNK), jnp.int32),
            pltpu.VMEM((b_per_w, d), jnp.float32),
            pltpu.SemaphoreType.DMA,
        ],
        compiler_params=pltpu.CompilerParams(use_tc_tiling_on_sc=False),
    )
    def gather(codes_hbm, idx_hbm, out_hbm, idx_v, rows_v, sem):
        wid = lax.axis_index("s") * _NC + lax.axis_index("c")
        pltpu.sync_copy(idx_hbm.at[wid], idx_v)
        copies = [
            pltpu.async_copy(
                codes_hbm.at[idx_v.at[j]],
                rows_v.at[pl.ds(j * _CHUNK, _CHUNK)],
                sem,
            )
            for j in range(rows_per_w)
        ]
        for c in copies:
            c.wait()
        pltpu.sync_copy(rows_v, out_hbm.at[pl.ds(wid * b_per_w, b_per_w)])

    return gather


def kernel(features, codes):
    n, d = features.shape
    ct = codes.T
    idx = _nearest_indices(features, ct)
    idx2 = idx.reshape(_NW, n // (_NW * _CHUNK), _CHUNK)
    return _make_sc_gather(n, d)(codes, idx2)

# --- scband reference (transcript-rebuilt; emitter-appended) ---
"""Pipeline reference for scband-codebook-5574867550330 (READ-ONLY COPY).

The authoritative reference and input builder live on the scoring server;
editing this copy changes nothing except your own understanding.
"""

import jax, jax.numpy as jnp
import numpy as np


def setup_inputs(seed: int = 0) -> dict:
    key = jax.random.key(seed)
    k1, k2 = jax.random.split(key)
    features = jax.random.normal(k1, (36864, 64), dtype=jnp.float32)
    codes = jax.random.normal(k2, (8192, 64), dtype=jnp.float32)
    return {"features": features, "codes": codes}


def reference(features, codes):
    # torch.cdist(features, codes): pairwise euclidean distances [N, K]
    f_sq = jnp.sum(features * features, axis=1, keepdims=True)  # [N, 1]
    c_sq = jnp.sum(codes * codes, axis=1)[None, :]              # [1, K]
    d2 = f_sq + c_sq - 2.0 * (features @ codes.T)
    dists = jnp.sqrt(jnp.maximum(d2, 0.0))
    # argmin over codebook dim, then gather the nearest codes
    indices = jnp.argmin(dists, axis=1)                         # [N]
    return jnp.take(codes, indices, axis=0)                     # [N, D]

if __name__ == "__main__":
    import jax
    _d = setup_inputs()
    print(jax.jit(kernel)(*tuple(_d.values())))

</pallas_src>

<mosaic_0001>
#map = affine_map<(d0, d1) -> (0, 0)>
#map1 = affine_map<(d0, d1) -> (0, 0, 0)>
module attributes {stable_mosaic.version = 14 : i64} {
  func.func @gather(%arg0: i32, %arg1: i32, %arg2: memref<8192x64xf32, #tpu.memory_space<hbm>>, %arg3: memref<32x9x128xi32, #tpu.memory_space<hbm>>, %arg4: memref<36864x64xf32, #tpu.memory_space<hbm>>, %arg5: memref<9x128xi32, #tpu.memory_space<vmem>>, %arg6: memref<1152x64xf32, #tpu.memory_space<vmem>>, %arg7: memref<!tpu.dma_semaphore, #tpu.memory_space<semaphore_mem>>) attributes {dimension_semantics = [#tpu.dimension_semantics<core_parallel>, #tpu.dimension_semantics<subcore_parallel>], iteration_bounds = array<i64: 2, 16>, scalar_prefetch = 0 : i64, scratch_operands = 3 : i64, tpu.core_type = #tpu.core_type<sc_vector_subcore>, window_params = [{transform_indices = #map}, {transform_indices = #map1}, {transform_indices = #map}]} {
    %mul3A = arith.constant 2 : i32
    %mul3A_0 = arith.muli %arg1, %mul3A : i32
    %add3A = arith.addi %mul3A_0, %arg0 : i32
    "tpu.region"() ({
      %run_scoped3A = tpu.sem_alloc : memref<!tpu.dma_semaphore, #tpu.memory_space<semaphore_mem>>
      %dma_start3A_181 = arith.constant 0 : i32
      %dma_start3A_182 = arith.constant 0 : i32
      %dma_start3A_183 = tpu.memref_slice %arg3[%add3A, %dma_start3A_181, %dma_start3A_182] : memref<32x9x128xi32, #tpu.memory_space<hbm>> -> memref<1x9x128xi32, #tpu.memory_space<hbm>>
      %dma_start3A_184 = tpu.memref_squeeze %dma_start3A_183 : memref<1x9x128xi32, #tpu.memory_space<hbm>> -> memref<9x128xi32, #tpu.memory_space<hbm>>
      %dma_start3A_185 = arith.constant 0 : i32
      %dma_start3A_186 = arith.constant 0 : i32
      %dma_start3A_187 = tpu.memref_slice %arg3[%add3A, %dma_start3A_185, %dma_start3A_186] : memref<32x9x128xi32, #tpu.memory_space<hbm>> -> memref<1x9x128xi32, #tpu.memory_space<hbm>>
      %dma_start3A_188 = tpu.memref_squeeze %dma_start3A_187 : memref<1x9x128xi32, #tpu.memory_space<hbm>> -> memref<9x128xi32, #tpu.memory_space<hbm>>
      tpu.enqueue_dma source(%dma_start3A_188 : memref<9x128xi32, #tpu.memory_space<hbm>>) target(%arg5 : memref<9x128xi32, #tpu.memory_space<vmem>>) target_semaphore(%run_scoped3A : memref<!tpu.dma_semaphore, #tpu.memory_space<semaphore_mem>>)
      %dma_wait3A_189 = arith.constant 0 : i32
      %dma_wait3A_190 = arith.constant 0 : i32
      %dma_wait3A_191 = tpu.memref_slice %arg3[%add3A, %dma_wait3A_189, %dma_wait3A_190] : memref<32x9x128xi32, #tpu.memory_space<hbm>> -> memref<1x9x128xi32, #tpu.memory_space<hbm>>
      %dma_wait3A_192 = tpu.memref_squeeze %dma_wait3A_191 : memref<1x9x128xi32, #tpu.memory_space<hbm>> -> memref<9x128xi32, #tpu.memory_space<hbm>>
      %dma_wait3A_193 = arith.constant 0 : i32
      %dma_wait3A_194 = arith.constant 0 : i32
      %dma_wait3A_195 = tpu.memref_slice %arg3[%add3A, %dma_wait3A_193, %dma_wait3A_194] : memref<32x9x128xi32, #tpu.memory_space<hbm>> -> memref<1x9x128xi32, #tpu.memory_space<hbm>>
      %dma_wait3A_196 = tpu.memref_squeeze %dma_wait3A_195 : memref<1x9x128xi32, #tpu.memory_space<hbm>> -> memref<9x128xi32, #tpu.memory_space<hbm>>
      tpu.wait_dma2 semaphore(%run_scoped3A : memref<!tpu.dma_semaphore, #tpu.memory_space<semaphore_mem>>) src(%dma_wait3A_196 : memref<9x128xi32, #tpu.memory_space<hbm>>) dst(%arg5 : memref<9x128xi32, #tpu.memory_space<vmem>>)
      tpu.yield
    }) : () -> ()
    %dma_start3A = arith.constant 0 : i32
    %dma_start3A_1 = arith.constant 0 : i32
    %dma_start3A_2 = arith.constant 0 : i32
    %dma_start3A_3 = tpu.memref_slice %arg6[%dma_start3A_1, %dma_start3A_2] : memref<1152x64xf32, #tpu.memory_space<vmem>> -> memref<128x64xf32, #tpu.memory_space<vmem>>
    %dma_start3A_4 = arith.constant 0 : i32
    %dma_start3A_5 = tpu.memref_slice %arg5[%dma_start3A, %dma_start3A_4] : memref<9x128xi32, #tpu.memory_space<vmem>> -> memref<1x128xi32, #tpu.memory_space<vmem>>
    %dma_start3A_6 = tpu.memref_squeeze %dma_start3A_5 : memref<1x128xi32, #tpu.memory_space<vmem>> -> memref<128xi32, #tpu.memory_space<vmem>>
    %dma_start3A_7 = arith.constant 0 : i32
    %dma_start3A_8 = arith.constant 0 : i32
    %dma_start3A_9 = tpu.memref_slice %arg2[%dma_start3A_7, %dma_start3A_8] : memref<8192x64xf32, #tpu.memory_space<hbm>> -> memref<8192x64xf32, #tpu.memory_space<hbm>>
    tpu.enqueue_indirect_dma source(%dma_start3A_9 : memref<8192x64xf32, #tpu.memory_space<hbm>>) target(%dma_start3A_3 : memref<128x64xf32, #tpu.memory_space<vmem>>) offsets(%dma_start3A_6 : memref<128xi32, #tpu.memory_space<vmem>>) semaphore(%arg7 : memref<!tpu.dma_semaphore, #tpu.memory_space<semaphore_mem>>)
    %dma_start3A_10 = arith.constant 1 : i32
    %dma_start3A_11 = arith.constant 128 : i32
    %dma_start3A_12 = arith.constant 0 : i32
    %dma_start3A_13 = tpu.memref_slice %arg6[%dma_start3A_11, %dma_start3A_12] : memref<1152x64xf32, #tpu.memory_space<vmem>> -> memref<128x64xf32, #tpu.memory_space<vmem>>
    %dma_start3A_14 = arith.constant 0 : i32
    %dma_start3A_15 = tpu.memref_slice %arg5[%dma_start3A_10, %dma_start3A_14] : memref<9x128xi32, #tpu.memory_space<vmem>> -> memref<1x128xi32, #tpu.memory_space<vmem>>
    %dma_start3A_16 = tpu.memref_squeeze %dma_start3A_15 : memref<1x128xi32, #tpu.memory_space<vmem>> -> memref<128xi32, #tpu.memory_space<vmem>>
    %dma_start3A_17 = arith.constant 0 : i32
    %dma_start3A_18 = arith.constant 0 : i32
    %dma_start3A_19 = tpu.memref_slice %arg2[%dma_start3A_17, %dma_start3A_18] : memref<8192x64xf32, #tpu.memory_space<hbm>> -> memref<8192x64xf32, #tpu.memory_space<hbm>>
    tpu.enqueue_indirect_dma source(%dma_start3A_19 : memref<8192x64xf32, #tpu.memory_space<hbm>>) target(%dma_start3A_13 : memref<128x64xf32, #tpu.memory_space<vmem>>) offsets(%dma_start3A_16 : memref<128xi32, #tpu.memory_space<vmem>>) semaphore(%arg7 : memref<!tpu.dma_semaphore, #tpu.memory_space<semaphore_mem>>)
    %dma_start3A_20 = arith.constant 2 : i32
    %dma_start3A_21 = arith.constant 256 : i32
    %dma_start3A_22 = arith.constant 0 : i32
    %dma_start3A_23 = tpu.memref_slice %arg6[%dma_start3A_21, %dma_start3A_22] : memref<1152x64xf32, #tpu.memory_space<vmem>> -> memref<128x64xf32, #tpu.memory_space<vmem>>
    %dma_start3A_24 = arith.constant 0 : i32
    %dma_start3A_25 = tpu.memref_slice %arg5[%dma_start3A_20, %dma_start3A_24] : memref<9x128xi32, #tpu.memory_space<vmem>> -> memref<1x128xi32, #tpu.memory_space<vmem>>
    %dma_start3A_26 = tpu.memref_squeeze %dma_start3A_25 : memref<1x128xi32, #tpu.memory_space<vmem>> -> memref<128xi32, #tpu.memory_space<vmem>>
    %dma_start3A_27 = arith.constant 0 : i32
    %dma_start3A_28 = arith.constant 0 : i32
    %dma_start3A_29 = tpu.memref_slice %arg2[%dma_start3A_27, %dma_start3A_28] : memref<8192x64xf32, #tpu.memory_space<hbm>> -> memref<8192x64xf32, #tpu.memory_space<hbm>>
    tpu.enqueue_indirect_dma source(%dma_start3A_29 : memref<8192x64xf32, #tpu.memory_space<hbm>>) target(%dma_start3A_23 : memref<128x64xf32, #tpu.memory_space<vmem>>) offsets(%dma_start3A_26 : memref<128xi32, #tpu.memory_space<vmem>>) semaphore(%arg7 : memref<!tpu.dma_semaphore, #tpu.memory_space<semaphore_mem>>)
    %dma_start3A_30 = arith.constant 3 : i32
    %dma_start3A_31 = arith.constant 384 : i32
    %dma_start3A_32 = arith.constant 0 : i32
    %dma_start3A_33 = tpu.memref_slice %arg6[%dma_start3A_31, %dma_start3A_32] : memref<1152x64xf32, #tpu.memory_space<vmem>> -> memref<128x64xf32, #tpu.memory_space<vmem>>
    %dma_start3A_34 = arith.constant 0 : i32
    %dma_start3A_35 = tpu.memref_slice %arg5[%dma_start3A_30, %dma_start3A_34] : memref<9x128xi32, #tpu.memory_space<vmem>> -> memref<1x128xi32, #tpu.memory_space<vmem>>
    %dma_start3A_36 = tpu.memref_squeeze %dma_start3A_35 : memref<1x128xi32, #tpu.memory_space<vmem>> -> memref<128xi32, #tpu.memory_space<vmem>>
    %dma_start3A_37 = arith.constant 0 : i32
    %dma_start3A_38 = arith.constant 0 : i32
    %dma_start3A_39 = tpu.memref_slice %arg2[%dma_start3A_37, %dma_start3A_38] : memref<8192x64xf32, #tpu.memory_space<hbm>> -> memref<8192x64xf32, #tpu.memory_space<hbm>>
    tpu.enqueue_indirect_dma source(%dma_start3A_39 : memref<8192x64xf32, #tpu.memory_space<hbm>>) target(%dma_start3A_33 : memref<128x64xf32, #tpu.memory_space<vmem>>) offsets(%dma_start3A_36 : memref<128xi32, #tpu.memory_space<vmem>>) semaphore(%arg7 : memref<!tpu.dma_semaphore, #tpu.memory_space<semaphore_mem>>)
    %dma_start3A_40 = arith.constant 4 : i32
    %dma_start3A_41 = arith.constant 512 : i32
    %dma_start3A_42 = arith.constant 0 : i32
    %dma_start3A_43 = tpu.memref_slice %arg6[%dma_start3A_41, %dma_start3A_42] : memref<1152x64xf32, #tpu.memory_space<vmem>> -> memref<128x64xf32, #tpu.memory_space<vmem>>
    %dma_start3A_44 = arith.constant 0 : i32
    %dma_start3A_45 = tpu.memref_slice %arg5[%dma_start3A_40, %dma_start3A_44] : memref<9x128xi32, #tpu.memory_space<vmem>> -> memref<1x128xi32, #tpu.memory_space<vmem>>
    %dma_start3A_46 = tpu.memref_squeeze %dma_start3A_45 : memref<1x128xi32, #tpu.memory_space<vmem>> -> memref<128xi32, #tpu.memory_space<vmem>>
    %dma_start3A_47 = arith.constant 0 : i32
    %dma_start3A_48 = arith.constant 0 : i32
    %dma_start3A_49 = tpu.memref_slice %arg2[%dma_start3A_47, %dma_start3A_48] : memref<8192x64xf32, #tpu.memory_space<hbm>> -> memref<8192x64xf32, #tpu.memory_space<hbm>>
    tpu.enqueue_indirect_dma source(%dma_start3A_49 : memref<8192x64xf32, #tpu.memory_space<hbm>>) target(%dma_start3A_43 : memref<128x64xf32, #tpu.memory_space<vmem>>) offsets(%dma_start3A_46 : memref<128xi32, #tpu.memory_space<vmem>>) semaphore(%arg7 : memref<!tpu.dma_semaphore, #tpu.memory_space<semaphore_mem>>)
    %dma_start3A_50 = arith.constant 5 : i32
    %dma_start3A_51 = arith.constant 640 : i32
    %dma_start3A_52 = arith.constant 0 : i32
    %dma_start3A_53 = tpu.memref_slice %arg6[%dma_start3A_51, %dma_start3A_52] : memref<1152x64xf32, #tpu.memory_space<vmem>> -> memref<128x64xf32, #tpu.memory_space<vmem>>
    %dma_start3A_54 = arith.constant 0 : i32
    %dma_start3A_55 = tpu.memref_slice %arg5[%dma_start3A_50, %dma_start3A_54] : memref<9x128xi32, #tpu.memory_space<vmem>> -> memref<1x128xi32, #tpu.memory_space<vmem>>
    %dma_start3A_56 = tpu.memref_squeeze %dma_start3A_55 : memref<1x128xi32, #tpu.memory_space<vmem>> -> memref<128xi32, #tpu.memory_space<vmem>>
    %dma_start3A_57 = arith.constant 0 : i32
    %dma_start3A_58 = arith.constant 0 : i32
    %dma_start3A_59 = tpu.memref_slice %arg2[%dma_start3A_57, %dma_start3A_58] : memref<8192x64xf32, #tpu.memory_space<hbm>> -> memref<8192x64xf32, #tpu.memory_space<hbm>>
    tpu.enqueue_indirect_dma source(%dma_start3A_59 : memref<8192x64xf32, #tpu.memory_space<hbm>>) target(%dma_start3A_53 : memref<128x64xf32, #tpu.memory_space<vmem>>) offsets(%dma_start3A_56 : memref<128xi32, #tpu.memory_space<vmem>>) semaphore(%arg7 : memref<!tpu.dma_semaphore, #tpu.memory_space<semaphore_mem>>)
    %dma_start3A_60 = arith.constant 6 : i32
    %dma_start3A_61 = arith.constant 768 : i32
    %dma_start3A_62 = arith.constant 0 : i32
    %dma_start3A_63 = tpu.memref_slice %arg6[%dma_start3A_61, %dma_start3A_62] : memref<1152x64xf32, #tpu.memory_space<vmem>> -> memref<128x64xf32, #tpu.memory_space<vmem>>
    %dma_start3A_64 = arith.constant 0 : i32
    %dma_start3A_65 = tpu.memref_slice %arg5[%dma_start3A_60, %dma_start3A_64] : memref<9x128xi32, #tpu.memory_space<vmem>> -> memref<1x128xi32, #tpu.memory_space<vmem>>
    %dma_start3A_66 = tpu.memref_squeeze %dma_start3A_65 : memref<1x128xi32, #tpu.memory_space<vmem>> -> memref<128xi32, #tpu.memory_space<vmem>>
    %dma_start3A_67 = arith.constant 0 : i32
    %dma_start3A_68 = arith.constant 0 : i32
    %dma_start3A_69 = tpu.memref_slice %arg2[%dma_start3A_67, %dma_start3A_68] : memref<8192x64xf32, #tpu.memory_space<hbm>> -> memref<8192x64xf32, #tpu.memory_space<hbm>>
    tpu.enqueue_indirect_dma source(%dma_start3A_69 : memref<8192x64xf32, #tpu.memory_space<hbm>>) target(%dma_start3A_63 : memref<128x64xf32, #tpu.memory_space<vmem>>) offsets(%dma_start3A_66 : memref<128xi32, #tpu.memory_space<vmem>>) semaphore(%arg7 : memref<!tpu.dma_semaphore, #tpu.memory_space<semaphore_mem>>)
    %dma_start3A_70 = arith.constant 7 : i32
    %dma_start3A_71 = arith.constant 896 : i32
    %dma_start3A_72 = arith.constant 0 : i32
    %dma_start3A_73 = tpu.memref_slice %arg6[%dma_start3A_71, %dma_start3A_72] : memref<1152x64xf32, #tpu.memory_space<vmem>> -> memref<128x64xf32, #tpu.memory_space<vmem>>
    %dma_start3A_74 = arith.constant 0 : i32
    %dma_start3A_75 = tpu.memref_slice %arg5[%dma_start3A_70, %dma_start3A_74] : memref<9x128xi32, #tpu.memory_space<vmem>> -> memref<1x128xi32, #tpu.memory_space<vmem>>
    %dma_start3A_76 = tpu.memref_squeeze %dma_start3A_75 : memref<1x128xi32, #tpu.memory_space<vmem>> -> memref<128xi32, #tpu.memory_space<vmem>>
    %dma_start3A_77 = arith.constant 0 : i32
    %dma_start3A_78 = arith.constant 0 : i32
    %dma_start3A_79 = tpu.memref_slice %arg2[%dma_start3A_77, %dma_start3A_78] : memref<8192x64xf32, #tpu.memory_space<hbm>> -> memref<8192x64xf32, #tpu.memory_space<hbm>>
    tpu.enqueue_indirect_dma source(%dma_start3A_79 : memref<8192x64xf32, #tpu.memory_space<hbm>>) target(%dma_start3A_73 : memref<128x64xf32, #tpu.memory_space<vmem>>) offsets(%dma_start3A_76 : memref<128xi32, #tpu.memory_space<vmem>>) semaphore(%arg7 : memref<!tpu.dma_semaphore, #tpu.memory_space<semaphore_mem>>)
    %dma_start3A_80 = arith.constant 8 : i32
    %dma_start3A_81 = arith.constant 1024 : i32
    %dma_start3A_82 = arith.constant 0 : i32
    %dma_start3A_83 = tpu.memref_slice %arg6[%dma_start3A_81, %dma_start3A_82] : memref<1152x64xf32, #tpu.memory_space<vmem>> -> memref<128x64xf32, #tpu.memory_space<vmem>>
    %dma_start3A_84 = arith.constant 0 : i32
    %dma_start3A_85 = tpu.memref_slice %arg5[%dma_start3A_80, %dma_start3A_84] : memref<9x128xi32, #tpu.memory_space<vmem>> -> memref<1x128xi32, #tpu.memory_space<vmem>>
    %dma_start3A_86 = tpu.memref_squeeze %dma_start3A_85 : memref<1x128xi32, #tpu.memory_space<vmem>> -> memref<128xi32, #tpu.memory_space<vmem>>
    %dma_start3A_87 = arith.constant 0 : i32
    %dma_start3A_88 = arith.constant 0 : i32
    %dma_start3A_89 = tpu.memref_slice %arg2[%dma_start3A_87, %dma_start3A_88] : memref<8192x64xf32, #tpu.memory_space<hbm>> -> memref<8192x64xf32, #tpu.memory_space<hbm>>
    tpu.enqueue_indirect_dma source(%dma_start3A_89 : memref<8192x64xf32, #tpu.memory_space<hbm>>) target(%dma_start3A_83 : memref<128x64xf32, #tpu.memory_space<vmem>>) offsets(%dma_start3A_86 : memref<128xi32, #tpu.memory_space<vmem>>) semaphore(%arg7 : memref<!tpu.dma_semaphore, #tpu.memory_space<semaphore_mem>>)
    %dma_wait3A = arith.constant 0 : i32
    %dma_wait3A_90 = arith.constant 0 : i32
    %dma_wait3A_91 = arith.constant 0 : i32
    %dma_wait3A_92 = tpu.memref_slice %arg6[%dma_wait3A_90, %dma_wait3A_91] : memref<1152x64xf32, #tpu.memory_space<vmem>> -> memref<128x64xf32, #tpu.memory_space<vmem>>
    %dma_wait3A_93 = arith.constant 0 : i32
    %dma_wait3A_94 = tpu.memref_slice %arg5[%dma_wait3A, %dma_wait3A_93] : memref<9x128xi32, #tpu.memory_space<vmem>> -> memref<1x128xi32, #tpu.memory_space<vmem>>
    %dma_wait3A_95 = tpu.memref_squeeze %dma_wait3A_94 : memref<1x128xi32, #tpu.memory_space<vmem>> -> memref<128xi32, #tpu.memory_space<vmem>>
    %dma_wait3A_96 = arith.constant 0 : i32
    %dma_wait3A_97 = arith.constant 0 : i32
    %dma_wait3A_98 = tpu.memref_slice %arg2[%dma_wait3A_96, %dma_wait3A_97] : memref<8192x64xf32, #tpu.memory_space<hbm>> -> memref<8192x64xf32, #tpu.memory_space<hbm>>
    tpu.wait_indirect_dma semaphore(%arg7 : memref<!tpu.dma_semaphore, #tpu.memory_space<semaphore_mem>>) src(%dma_wait3A_98 : memref<8192x64xf32, #tpu.memory_space<hbm>>) dst(%dma_wait3A_92 : memref<128x64xf32, #tpu.memory_space<vmem>>)
    %dma_wait3A_99 = arith.constant 1 : i32
    %dma_wait3A_100 = arith.constant 128 : i32
    %dma_wait3A_101 = arith.constant 0 : i32
    %dma_wait3A_102 = tpu.memref_slice %arg6[%dma_wait3A_100, %dma_wait3A_101] : memref<1152x64xf32, #tpu.memory_space<vmem>> -> memref<128x64xf32, #tpu.memory_space<vmem>>
    %dma_wait3A_103 = arith.constant 0 : i32
    %dma_wait3A_104 = tpu.memref_slice %arg5[%dma_wait3A_99, %dma_wait3A_103] : memref<9x128xi32, #tpu.memory_space<vmem>> -> memref<1x128xi32, #tpu.memory_space<vmem>>
    %dma_wait3A_105 = tpu.memref_squeeze %dma_wait3A_104 : memref<1x128xi32, #tpu.memory_space<vmem>> -> memref<128xi32, #tpu.memory_space<vmem>>
    %dma_wait3A_106 = arith.constant 0 : i32
    %dma_wait3A_107 = arith.constant 0 : i32
    %dma_wait3A_108 = tpu.memref_slice %arg2[%dma_wait3A_106, %dma_wait3A_107] : memref<8192x64xf32, #tpu.memory_space<hbm>> -> memref<8192x64xf32, #tpu.memory_space<hbm>>
    tpu.wait_indirect_dma semaphore(%arg7 : memref<!tpu.dma_semaphore, #tpu.memory_space<semaphore_mem>>) src(%dma_wait3A_108 : memref<8192x64xf32, #tpu.memory_space<hbm>>) dst(%dma_wait3A_102 : memref<128x64xf32, #tpu.memory_space<vmem>>)
    %dma_wait3A_109 = arith.constant 2 : i32
    %dma_wait3A_110 = arith.constant 256 : i32
    %dma_wait3A_111 = arith.constant 0 : i32
    %dma_wait3A_112 = tpu.memref_slice %arg6[%dma_wait3A_110, %dma_wait3A_111] : memref<1152x64xf32, #tpu.memory_space<vmem>> -> memref<128x64xf32, #tpu.memory_space<vmem>>
    %dma_wait3A_113 = arith.constant 0 : i32
    %dma_wait3A_114 = tpu.memref_slice %arg5[%dma_wait3A_109, %dma_wait3A_113] : memref<9x128xi32, #tpu.memory_space<vmem>> -> memref<1x128xi32, #tpu.memory_space<vmem>>
    %dma_wait3A_115 = tpu.memref_squeeze %dma_wait3A_114 : memref<1x128xi32, #tpu.memory_space<vmem>> -> memref<128xi32, #tpu.memory_space<vmem>>
    %dma_wait3A_116 = arith.constant 0 : i32
    %dma_wait3A_117 = arith.constant 0 : i32
    %dma_wait3A_118 = tpu.memref_slice %arg2[%dma_wait3A_116, %dma_wait3A_117] : memref<8192x64xf32, #tpu.memory_space<hbm>> -> memref<8192x64xf32, #tpu.memory_space<hbm>>
    tpu.wait_indirect_dma semaphore(%arg7 : memref<!tpu.dma_semaphore, #tpu.memory_space<semaphore_mem>>) src(%dma_wait3A_118 : memref<8192x64xf32, #tpu.memory_space<hbm>>) dst(%dma_wait3A_112 : memref<128x64xf32, #tpu.memory_space<vmem>>)
    %dma_wait3A_119 = arith.constant 3 : i32
    %dma_wait3A_120 = arith.constant 384 : i32
    %dma_wait3A_121 = arith.constant 0 : i32
    %dma_wait3A_122 = tpu.memref_slice %arg6[%dma_wait3A_120, %dma_wait3A_121] : memref<1152x64xf32, #tpu.memory_space<vmem>> -> memref<128x64xf32, #tpu.memory_space<vmem>>
    %dma_wait3A_123 = arith.constant 0 : i32
    %dma_wait3A_124 = tpu.memref_slice %arg5[%dma_wait3A_119, %dma_wait3A_123] : memref<9x128xi32, #tpu.memory_space<vmem>> -> memref<1x128xi32, #tpu.memory_space<vmem>>
    %dma_wait3A_125 = tpu.memref_squeeze %dma_wait3A_124 : memref<1x128xi32, #tpu.memory_space<vmem>> -> memref<128xi32, #tpu.memory_space<vmem>>
    %dma_wait3A_126 = arith.constant 0 : i32
    %dma_wait3A_127 = arith.constant 0 : i32
    %dma_wait3A_128 = tpu.memref_slice %arg2[%dma_wait3A_126, %dma_wait3A_127] : memref<8192x64xf32, #tpu.memory_space<hbm>> -> memref<8192x64xf32, #tpu.memory_space<hbm>>
    tpu.wait_indirect_dma semaphore(%arg7 : memref<!tpu.dma_semaphore, #tpu.memory_space<semaphore_mem>>) src(%dma_wait3A_128 : memref<8192x64xf32, #tpu.memory_space<hbm>>) dst(%dma_wait3A_122 : memref<128x64xf32, #tpu.memory_space<vmem>>)
    %dma_wait3A_129 = arith.constant 4 : i32
    %dma_wait3A_130 = arith.constant 512 : i32
    %dma_wait3A_131 = arith.constant 0 : i32
    %dma_wait3A_132 = tpu.memref_slice %arg6[%dma_wait3A_130, %dma_wait3A_131] : memref<1152x64xf32, #tpu.memory_space<vmem>> -> memref<128x64xf32, #tpu.memory_space<vmem>>
    %dma_wait3A_133 = arith.constant 0 : i32
    %dma_wait3A_134 = tpu.memref_slice %arg5[%dma_wait3A_129, %dma_wait3A_133] : memref<9x128xi32, #tpu.memory_space<vmem>> -> memref<1x128xi32, #tpu.memory_space<vmem>>
    %dma_wait3A_135 = tpu.memref_squeeze %dma_wait3A_134 : memref<1x128xi32, #tpu.memory_space<vmem>> -> memref<128xi32, #tpu.memory_space<vmem>>
    %dma_wait3A_136 = arith.constant 0 : i32
    %dma_wait3A_137 = arith.constant 0 : i32
    %dma_wait3A_138 = tpu.memref_slice %arg2[%dma_wait3A_136, %dma_wait3A_137] : memref<8192x64xf32, #tpu.memory_space<hbm>> -> memref<8192x64xf32, #tpu.memory_space<hbm>>
    tpu.wait_indirect_dma semaphore(%arg7 : memref<!tpu.dma_semaphore, #tpu.memory_space<semaphore_mem>>) src(%dma_wait3A_138 : memref<8192x64xf32, #tpu.memory_space<hbm>>) dst(%dma_wait3A_132 : memref<128x64xf32, #tpu.memory_space<vmem>>)
    %dma_wait3A_139 = arith.constant 5 : i32
    %dma_wait3A_140 = arith.constant 640 : i32
    %dma_wait3A_141 = arith.constant 0 : i32
    %dma_wait3A_142 = tpu.memref_slice %arg6[%dma_wait3A_140, %dma_wait3A_141] : memref<1152x64xf32, #tpu.memory_space<vmem>> -> memref<128x64xf32, #tpu.memory_space<vmem>>
    %dma_wait3A_143 = arith.constant 0 : i32
    %dma_wait3A_144 = tpu.memref_slice %arg5[%dma_wait3A_139, %dma_wait3A_143] : memref<9x128xi32, #tpu.memory_space<vmem>> -> memref<1x128xi32, #tpu.memory_space<vmem>>
    %dma_wait3A_145 = tpu.memref_squeeze %dma_wait3A_144 : memref<1x128xi32, #tpu.memory_space<vmem>> -> memref<128xi32, #tpu.memory_space<vmem>>
    %dma_wait3A_146 = arith.constant 0 : i32
    %dma_wait3A_147 = arith.constant 0 : i32
    %dma_wait3A_148 = tpu.memref_slice %arg2[%dma_wait3A_146, %dma_wait3A_147] : memref<8192x64xf32, #tpu.memory_space<hbm>> -> memref<8192x64xf32, #tpu.memory_space<hbm>>
    tpu.wait_indirect_dma semaphore(%arg7 : memref<!tpu.dma_semaphore, #tpu.memory_space<semaphore_mem>>) src(%dma_wait3A_148 : memref<8192x64xf32, #tpu.memory_space<hbm>>) dst(%dma_wait3A_142 : memref<128x64xf32, #tpu.memory_space<vmem>>)
    %dma_wait3A_149 = arith.constant 6 : i32
    %dma_wait3A_150 = arith.constant 768 : i32
    %dma_wait3A_151 = arith.constant 0 : i32
    %dma_wait3A_152 = tpu.memref_slice %arg6[%dma_wait3A_150, %dma_wait3A_151] : memref<1152x64xf32, #tpu.memory_space<vmem>> -> memref<128x64xf32, #tpu.memory_space<vmem>>
    %dma_wait3A_153 = arith.constant 0 : i32
    %dma_wait3A_154 = tpu.memref_slice %arg5[%dma_wait3A_149, %dma_wait3A_153] : memref<9x128xi32, #tpu.memory_space<vmem>> -> memref<1x128xi32, #tpu.memory_space<vmem>>
    %dma_wait3A_155 = tpu.memref_squeeze %dma_wait3A_154 : memref<1x128xi32, #tpu.memory_space<vmem>> -> memref<128xi32, #tpu.memory_space<vmem>>
    %dma_wait3A_156 = arith.constant 0 : i32
    %dma_wait3A_157 = arith.constant 0 : i32
    %dma_wait3A_158 = tpu.memref_slice %arg2[%dma_wait3A_156, %dma_wait3A_157] : memref<8192x64xf32, #tpu.memory_space<hbm>> -> memref<8192x64xf32, #tpu.memory_space<hbm>>
    tpu.wait_indirect_dma semaphore(%arg7 : memref<!tpu.dma_semaphore, #tpu.memory_space<semaphore_mem>>) src(%dma_wait3A_158 : memref<8192x64xf32, #tpu.memory_space<hbm>>) dst(%dma_wait3A_152 : memref<128x64xf32, #tpu.memory_space<vmem>>)
    %dma_wait3A_159 = arith.constant 7 : i32
    %dma_wait3A_160 = arith.constant 896 : i32
    %dma_wait3A_161 = arith.constant 0 : i32
    %dma_wait3A_162 = tpu.memref_slice %arg6[%dma_wait3A_160, %dma_wait3A_161] : memref<1152x64xf32, #tpu.memory_space<vmem>> -> memref<128x64xf32, #tpu.memory_space<vmem>>
    %dma_wait3A_163 = arith.constant 0 : i32
    %dma_wait3A_164 = tpu.memref_slice %arg5[%dma_wait3A_159, %dma_wait3A_163] : memref<9x128xi32, #tpu.memory_space<vmem>> -> memref<1x128xi32, #tpu.memory_space<vmem>>
    %dma_wait3A_165 = tpu.memref_squeeze %dma_wait3A_164 : memref<1x128xi32, #tpu.memory_space<vmem>> -> memref<128xi32, #tpu.memory_space<vmem>>
    %dma_wait3A_166 = arith.constant 0 : i32
    %dma_wait3A_167 = arith.constant 0 : i32
    %dma_wait3A_168 = tpu.memref_slice %arg2[%dma_wait3A_166, %dma_wait3A_167] : memref<8192x64xf32, #tpu.memory_space<hbm>> -> memref<8192x64xf32, #tpu.memory_space<hbm>>
    tpu.wait_indirect_dma semaphore(%arg7 : memref<!tpu.dma_semaphore, #tpu.memory_space<semaphore_mem>>) src(%dma_wait3A_168 : memref<8192x64xf32, #tpu.memory_space<hbm>>) dst(%dma_wait3A_162 : memref<128x64xf32, #tpu.memory_space<vmem>>)
    %dma_wait3A_169 = arith.constant 8 : i32
    %dma_wait3A_170 = arith.constant 1024 : i32
    %dma_wait3A_171 = arith.constant 0 : i32
    %dma_wait3A_172 = tpu.memref_slice %arg6[%dma_wait3A_170, %dma_wait3A_171] : memref<1152x64xf32, #tpu.memory_space<vmem>> -> memref<128x64xf32, #tpu.memory_space<vmem>>
    %dma_wait3A_173 = arith.constant 0 : i32
    %dma_wait3A_174 = tpu.memref_slice %arg5[%dma_wait3A_169, %dma_wait3A_173] : memref<9x128xi32, #tpu.memory_space<vmem>> -> memref<1x128xi32, #tpu.memory_space<vmem>>
    %dma_wait3A_175 = tpu.memref_squeeze %dma_wait3A_174 : memref<1x128xi32, #tpu.memory_space<vmem>> -> memref<128xi32, #tpu.memory_space<vmem>>
    %dma_wait3A_176 = arith.constant 0 : i32
    %dma_wait3A_177 = arith.constant 0 : i32
    %dma_wait3A_178 = tpu.memref_slice %arg2[%dma_wait3A_176, %dma_wait3A_177] : memref<8192x64xf32, #tpu.memory_space<hbm>> -> memref<8192x64xf32, #tpu.memory_space<hbm>>
    tpu.wait_indirect_dma semaphore(%arg7 : memref<!tpu.dma_semaphore, #tpu.memory_space<semaphore_mem>>) src(%dma_wait3A_178 : memref<8192x64xf32, #tpu.memory_space<hbm>>) dst(%dma_wait3A_172 : memref<128x64xf32, #tpu.memory_space<vmem>>)
    %mul3A_179 = arith.constant 1152 : i32
    %mul3A_180 = arith.muli %add3A, %mul3A_179 : i32
    "tpu.region"() ({
      %run_scoped3A = tpu.sem_alloc : memref<!tpu.dma_semaphore, #tpu.memory_space<semaphore_mem>>
      %dma_start3A_181 = arith.constant 0 : i32
      %dma_start3A_182 = tpu.memref_slice %arg4[%mul3A_180, %dma_start3A_181] : memref<36864x64xf32, #tpu.memory_space<hbm>> -> memref<1152x64xf32, #tpu.memory_space<hbm>>
      %dma_start3A_183 = arith.constant 0 : i32
      %dma_start3A_184 = tpu.memref_slice %arg4[%mul3A_180, %dma_start3A_183] : memref<36864x64xf32, #tpu.memory_space<hbm>> -> memref<1152x64xf32, #tpu.memory_space<hbm>>
      tpu.enqueue_dma source(%arg6 : memref<1152x64xf32, #tpu.memory_space<vmem>>) target(%dma_start3A_184 : memref<1152x64xf32, #tpu.memory_space<hbm>>) target_semaphore(%run_scoped3A : memref<!tpu.dma_semaphore, #tpu.memory_space<semaphore_mem>>)
      %dma_wait3A_185 = arith.constant 0 : i32
      %dma_wait3A_186 = tpu.memref_slice %arg4[%mul3A_180, %dma_wait3A_185] : memref<36864x64xf32, #tpu.memory_space<hbm>> -> memref<1152x64xf32, #tpu.memory_space<hbm>>
      %dma_wait3A_187 = arith.constant 0 : i32
      %dma_wait3A_188 = tpu.memref_slice %arg4[%mul3A_180, %dma_wait3A_187] : memref<36864x64xf32, #tpu.memory_space<hbm>> -> memref<1152x64xf32, #tpu.memory_space<hbm>>
      tpu.wait_dma2 semaphore(%run_scoped3A : memref<!tpu.dma_semaphore, #tpu.memory_space<semaphore_mem>>) src(%arg6 : memref<1152x64xf32, #tpu.memory_space<vmem>>) dst(%dma_wait3A_188 : memref<1152x64xf32, #tpu.memory_space<hbm>>)
      tpu.yield
    }) : () -> ()
    return
  }
}

module attributes {stable_mosaic.version = 14 : i64} {
  func.func @_argmin_body(%arg0: i32, %arg1: memref<1536x64xf32, #tpu.memory_space<vmem>>, %arg2: memref<64x8192xf32, #tpu.memory_space<vmem>>, %arg3: memref<1536x1xi32, #tpu.memory_space<vmem>>, %arg4: memref<64x8192xf32, #tpu.memory_space<vmem>>, %arg5: memref<8x8192xf32, #tpu.memory_space<vmem>>) attributes {dimension_semantics = [#tpu.dimension_semantics<arbitrary>], iteration_bounds = array<i64: 24>, scalar_prefetch = 0 : i64, scratch_operands = 2 : i64, tpu.core_type = #tpu.core_type<tc>, window_params = [{transform_indices = @transform_0, window_bounds = array<i64: 1536, 64>}, {pipeline_mode = #tpu.pipeline_mode<synchronous>, transform_indices = @transform_1, window_bounds = array<i64: 64, 8192>}, {transform_indices = @transform_2, window_bounds = array<i64: 1536, 1>}]} {
    %eq3A = arith.constant 0 : i32
    %eq3A_0 = arith.cmpi eq, %arg0, %eq3A : i32
    %convert_element_type3A = arith.extui %eq3A_0 : i1 to i32
    %cond3A = arith.constant 0 : i32
    %cond3A_1 = arith.cmpi ne, %convert_element_type3A, %cond3A : i32
    scf.if %cond3A_1 {
      %get3A_2566 = arith.constant 0 : index
      %get3A_2567 = arith.constant 0 : index
      %get3A_2568 = vector.load %arg2[%get3A_2566, %get3A_2567] : memref<64x8192xf32, #tpu.memory_space<vmem>>, vector<64x8192xf32>
      %mul3A_2569 = arith.mulf %get3A_2568, %get3A_2568 : vector<64x8192xf32>
      %reduce_sum3A_2570 = arith.constant dense<0.000000e+00> : vector<8192xf32>
      %reduce_sum3A_2571 = vector.multi_reduction <add>, %mul3A_2569, %reduce_sum3A_2570 [0] : vector<64x8192xf32> to vector<8192xf32>
      %broadcast_in_dim3A_2572 = vector.shape_cast %reduce_sum3A_2571 : vector<8192xf32> to vector<1x8192xf32>
      %mul3A_2573 = arith.constant -2.000000e+00 : f32
      %mul3A_2574 = vector.broadcast %mul3A_2573 : f32 to vector<64x8192xf32>
      %mul3A_2575 = arith.mulf %get3A_2568, %mul3A_2574 : vector<64x8192xf32>
      %swap3A_2576 = arith.constant 0 : index
      %swap3A_2577 = arith.constant 0 : index
      %swap3A_2578 = vector.load %arg4[%swap3A_2576, %swap3A_2577] : memref<64x8192xf32, #tpu.memory_space<vmem>>, vector<64x8192xf32>
      tpu.vector_store %arg4[%swap3A_2576, %swap3A_2577], %mul3A_2575 {strides = array<i32>} : memref<64x8192xf32, #tpu.memory_space<vmem>>, vector<64x8192xf32>,
      %broadcast_in_dim3A_2579 = vector.shape_cast %broadcast_in_dim3A_2572 : vector<1x8192xf32> to vector<1x8192xf32>
      %broadcast_in_dim3A_2580 = vector.broadcast %broadcast_in_dim3A_2579 : vector<1x8192xf32> to vector<8x8192xf32>
      %swap3A_2581 = arith.constant 0 : index
      %swap3A_2582 = arith.constant 0 : index
      %swap3A_2583 = vector.load %arg5[%swap3A_2581, %swap3A_2582] : memref<8x8192xf32, #tpu.memory_space<vmem>>, vector<8x8192xf32>
      tpu.vector_store %arg5[%swap3A_2581, %swap3A_2582], %broadcast_in_dim3A_2580 {strides = array<i32>} : memref<8x8192xf32, #tpu.memory_space<vmem>>, vector<8x8192xf32>,
    } else {
    }
    %get3A = arith.constant 0 : index
    %get3A_2 = arith.constant 0 : index
    %get3A_3 = vector.load %arg1[%get3A, %get3A_2] : memref<1536x64xf32, #tpu.memory_space<vmem>>, vector<1536x64xf32>
    %mul3A = arith.mulf %get3A_3, %get3A_3 : vector<1536x64xf32>
    %reduce_sum3A = arith.constant dense<0.000000e+00> : vector<1536xf32>
    %reduce_sum3A_4 = vector.multi_reduction <add>, %mul3A, %reduce_sum3A [1] : vector<1536x64xf32> to vector<1536xf32>
    %broadcast_in_dim3A = vector.shape_cast %reduce_sum3A_4 : vector<1536xf32> to vector<1536x1xf32>
    %slice3A = vector.extract_strided_slice %get3A_3 {offsets = [0, 0], sizes = [512, 64], strides = [1, 1]} : vector<1536x64xf32> to vector<512x64xf32>
    %slice3A_5 = vector.extract_strided_slice %broadcast_in_dim3A {offsets = [0, 0], sizes = [512, 1], strides = [1, 1]} : vector<1536x1xf32> to vector<512x1xf32>
    %broadcast_in_dim3A_6 = arith.constant 0x7F800000 : f32
    %broadcast_in_dim3A_7 = vector.broadcast %broadcast_in_dim3A_6 : f32 to vector<512x128xf32>
    %broadcast_in_dim3A_8 = arith.constant 0 : i32
    %broadcast_in_dim3A_9 = vector.broadcast %broadcast_in_dim3A_8 : i32 to vector<512x128xi32>
    %get3A_10 = arith.constant 0 : index
    %get3A_11 = arith.constant 0 : index
    %get3A_12 = vector.load %arg4[%get3A_10, %get3A_11] : memref<64x8192xf32, #tpu.memory_space<vmem>>, vector<64x512xf32>
    %dot_general3A = arith.constant dense<0.000000e+00> : vector<512x512xf32>
    %dot_general3A_13 = tpu.matmul %slice3A, %get3A_12, %dot_general3A {dimension_numbers = #tpu.dot_dimension_numbers<[1], [0], [0], [1], [0, 0, 1, 1], [], []>, transpose_lhs_hint = false} : vector<512x64xf32>, vector<64x512xf32>, vector<512x512xf32> -> vector<512x512xf32>
    %get3A_14 = arith.constant 0 : index
    %get3A_15 = arith.constant 0 : index
    %get3A_16 = vector.load %arg5[%get3A_14, %get3A_15] : memref<8x8192xf32, #tpu.memory_space<vmem>>, vector<1x512xf32>
    %slice3A_17 = vector.extract_strided_slice %get3A_16 {offsets = [0, 0], sizes = [1, 128], strides = [1, 1]} : vector<1x512xf32> to vector<1x128xf32>
    %add3A = vector.broadcast %slice3A_5 : vector<512x1xf32> to vector<512x128xf32>
    %add3A_18 = vector.broadcast %slice3A_17 : vector<1x128xf32> to vector<512x128xf32>
    %add3A_19 = arith.addf %add3A, %add3A_18 : vector<512x128xf32>
    %slice3A_20 = vector.extract_strided_slice %dot_general3A_13 {offsets = [0, 0], sizes = [512, 128], strides = [1, 1]} : vector<512x512xf32> to vector<512x128xf32>
    %add3A_21 = arith.addf %add3A_19, %slice3A_20 : vector<512x128xf32>
    %lt3A = arith.cmpf olt, %add3A_21, %broadcast_in_dim3A_7 : vector<512x128xf32>
    %min3A = arith.minimumf %add3A_21, %broadcast_in_dim3A_7 : vector<512x128xf32>
    %jit3A = arith.constant 0 : i32
    %broadcast_in_dim3A_22 = vector.broadcast %jit3A : i32 to vector<512x128xi32>
    %select_n3A = arith.select %lt3A, %broadcast_in_dim3A_22, %broadcast_in_dim3A_9 : vector<512x128xi1>, vector<512x128xi32>
    %slice3A_23 = vector.extract_strided_slice %get3A_16 {offsets = [0, 128], sizes = [1, 128], strides = [1, 1]} : vector<1x512xf32> to vector<1x128xf32>
    %add3A_24 = vector.broadcast %slice3A_5 : vector<512x1xf32> to vector<512x128xf32>
    %add3A_25 = vector.broadcast %slice3A_23 : vector<1x128xf32> to vector<512x128xf32>
    %add3A_26 = arith.addf %add3A_24, %add3A_25 : vector<512x128xf32>
    %slice3A_27 = vector.extract_strided_slice %dot_general3A_13 {offsets = [0, 128], sizes = [512, 128], strides = [1, 1]} : vector<512x512xf32> to vector<512x128xf32>
    %add3A_28 = arith.addf %add3A_26, %slice3A_27 : vector<512x128xf32>
    %lt3A_29 = arith.cmpf olt, %add3A_28, %min3A : vector<512x128xf32>
    %min3A_30 = arith.minimumf %add3A_28, %min3A : vector<512x128xf32>
    %jit3A_31 = arith.constant 1 : i32
    %broadcast_in_dim3A_32 = vector.broadcast %jit3A_31 : i32 to vector<512x128xi32>
    %select_n3A_33 = arith.select %lt3A_29, %broadcast_in_dim3A_32, %select_n3A : vector<512x128xi1>, vector<512x128xi32>
    %slice3A_34 = vector.extract_strided_slice %get3A_16 {offsets = [0, 256], sizes = [1, 128], strides = [1, 1]} : vector<1x512xf32> to vector<1x128xf32>
    %add3A_35 = vector.broadcast %slice3A_5 : vector<512x1xf32> to vector<512x128xf32>
    %add3A_36 = vector.broadcast %slice3A_34 : vector<1x128xf32> to vector<512x128xf32>
    %add3A_37 = arith.addf %add3A_35, %add3A_36 : vector<512x128xf32>
    %slice3A_38 = vector.extract_strided_slice %dot_general3A_13 {offsets = [0, 256], sizes = [512, 128], strides = [1, 1]} : vector<512x512xf32> to vector<512x128xf32>
    %add3A_39 = arith.addf %add3A_37, %slice3A_38 : vector<512x128xf32>
    %lt3A_40 = arith.cmpf olt, %add3A_39, %min3A_30 : vector<512x128xf32>
    %min3A_41 = arith.minimumf %add3A_39, %min3A_30 : vector<512x128xf32>
    %jit3A_42 = arith.constant 2 : i32
    %broadcast_in_dim3A_43 = vector.broadcast %jit3A_42 : i32 to vector<512x128xi32>
    %select_n3A_44 = arith.select %lt3A_40, %broadcast_in_dim3A_43, %select_n3A_33 : vector<512x128xi1>, vector<512x128xi32>
    %slice3A_45 = vector.extract_strided_slice %get3A_16 {offsets = [0, 384], sizes = [1, 128], strides = [1, 1]} : vector<1x512xf32> to vector<1x128xf32>
    %add3A_46 = vector.broadcast %slice3A_5 : vector<512x1xf32> to vector<512x128xf32>
    %add3A_47 = vector.broadcast %slice3A_45 : vector<1x128xf32> to vector<512x128xf32>
    %add3A_48 = arith.addf %add3A_46, %add3A_47 : vector<512x128xf32>
    %slice3A_49 = vector.extract_strided_slice %dot_general3A_13 {offsets = [0, 384], sizes = [512, 128], strides = [1, 1]} : vector<512x512xf32> to vector<512x128xf32>
    %add3A_50 = arith.addf %add3A_48, %slice3A_49 : vector<512x128xf32>
    %lt3A_51 = arith.cmpf olt, %add3A_50, %min3A_41 : vector<512x128xf32>
    %min3A_52 = arith.minimumf %add3A_50, %min3A_41 : vector<512x128xf32>
    %jit3A_53 = arith.constant 3 : i32
    %broadcast_in_dim3A_54 = vector.broadcast %jit3A_53 : i32 to vector<512x128xi32>
    %select_n3A_55 = arith.select %lt3A_51, %broadcast_in_dim3A_54, %select_n3A_44 : vector<512x128xi1>, vector<512x128xi32>
    %get3A_56 = arith.constant 0 : index
    %get3A_57 = arith.constant 512 : index
    %get3A_58 = vector.load %arg4[%get3A_56, %get3A_57] : memref<64x8192xf32, #tpu.memory_space<vmem>>, vector<64x512xf32>
    %dot_general3A_59 = arith.constant dense<0.000000e+00> : vector<512x512xf32>
    %dot_general3A_60 = tpu.matmul %slice3A, %get3A_58, %dot_general3A_59 {dimension_numbers = #tpu.dot_dimension_numbers<[1], [0], [0], [1], [0, 0, 1, 1], [], []>, transpose_lhs_hint = false} : vector<512x64xf32>, vector<64x512xf32>, vector<512x512xf32> -> vector<512x512xf32>
    %get3A_61 = arith.constant 0 : index
    %get3A_62 = arith.constant 512 : index
    %get3A_63 = vector.load %arg5[%get3A_61, %get3A_62] : memref<8x8192xf32, #tpu.memory_space<vmem>>, vector<1x512xf32>
    %slice3A_64 = vector.extract_strided_slice %get3A_63 {offsets = [0, 0], sizes = [1, 128], strides = [1, 1]} : vector<1x512xf32> to vector<1x128xf32>
    %add3A_65 = vector.broadcast %slice3A_5 : vector<512x1xf32> to vector<512x128xf32>
    %add3A_66 = vector.broadcast %slice3A_64 : vector<1x128xf32> to vector<512x128xf32>
    %add3A_67 = arith.addf %add3A_65, %add3A_66 : vector<512x128xf32>
    %slice3A_68 = vector.extract_strided_slice %dot_general3A_60 {offsets = [0, 0], sizes = [512, 128], strides = [1, 1]} : vector<512x512xf32> to vector<512x128xf32>
    %add3A_69 = arith.addf %add3A_67, %slice3A_68 : vector<512x128xf32>
    %lt3A_70 = arith.cmpf olt, %add3A_69, %min3A_52 : vector<512x128xf32>
    %min3A_71 = arith.minimumf %add3A_69, %min3A_52 : vector<512x128xf32>
    %jit3A_72 = arith.constant 4 : i32
    %broadcast_in_dim3A_73 = vector.broadcast %jit3A_72 : i32 to vector<512x128xi32>
    %select_n3A_74 = arith.select %lt3A_70, %broadcast_in_dim3A_73, %select_n3A_55 : vector<512x128xi1>, vector<512x128xi32>
    %slice3A_75 = vector.extract_strided_slice %get3A_63 {offsets = [0, 128], sizes = [1, 128], strides = [1, 1]} : vector<1x512xf32> to vector<1x128xf32>
    %add3A_76 = vector.broadcast %slice3A_5 : vector<512x1xf32> to vector<512x128xf32>
    %add3A_77 = vector.broadcast %slice3A_75 : vector<1x128xf32> to vector<512x128xf32>
    %add3A_78 = arith.addf %add3A_76, %add3A_77 : vector<512x128xf32>
    %slice3A_79 = vector.extract_strided_slice %dot_general3A_60 {offsets = [0, 128], sizes = [512, 128], strides = [1, 1]} : vector<512x512xf32> to vector<512x128xf32>
    %add3A_80 = arith.addf %add3A_78, %slice3A_79 : vector<512x128xf32>
    %lt3A_81 = arith.cmpf olt, %add3A_80, %min3A_71 : vector<512x128xf32>
    %min3A_82 = arith.minimumf %add3A_80, %min3A_71 : vector<512x128xf32>
    %jit3A_83 = arith.constant 5 : i32
    %broadcast_in_dim3A_84 = vector.broadcast %jit3A_83 : i32 to vector<512x128xi32>
    %select_n3A_85 = arith.select %lt3A_81, %broadcast_in_dim3A_84, %select_n3A_74 : vector<512x128xi1>, vector<512x128xi32>
    %slice3A_86 = vector.extract_strided_slice %get3A_63 {offsets = [0, 256], sizes = [1, 128], strides = [1, 1]} : vector<1x512xf32> to vector<1x128xf32>
    %add3A_87 = vector.broadcast %slice3A_5 : vector<512x1xf32> to vector<512x128xf32>
    %add3A_88 = vector.broadcast %slice3A_86 : vector<1x128xf32> to vector<512x128xf32>
    %add3A_89 = arith.addf %add3A_87, %add3A_88 : vector<512x128xf32>
    %slice3A_90 = vector.extract_strided_slice %dot_general3A_60 {offsets = [0, 256], sizes = [512, 128], strides = [1, 1]} : vector<512x512xf32> to vector<512x128xf32>
    %add3A_91 = arith.addf %add3A_89, %slice3A_90 : vector<512x128xf32>
    %lt3A_92 = arith.cmpf olt, %add3A_91, %min3A_82 : vector<512x128xf32>
    %min3A_93 = arith.minimumf %add3A_91, %min3A_82 : vector<512x128xf32>
    %jit3A_94 = arith.constant 6 : i32
    %broadcast_in_dim3A_95 = vector.broadcast %jit3A_94 : i32 to vector<512x128xi32>
    %select_n3A_96 = arith.select %lt3A_92, %broadcast_in_dim3A_95, %select_n3A_85 : vector<512x128xi1>, vector<512x128xi32>
    %slice3A_97 = vector.extract_strided_slice %get3A_63 {offsets = [0, 384], sizes = [1, 128], strides = [1, 1]} : vector<1x512xf32> to vector<1x128xf32>
    %add3A_98 = vector.broadcast %slice3A_5 : vector<512x1xf32> to vector<512x128xf32>
    %add3A_99 = vector.broadcast %slice3A_97 : vector<1x128xf32> to vector<512x128xf32>
    %add3A_100 = arith.addf %add3A_98, %add3A_99 : vector<512x128xf32>
    %slice3A_101 = vector.extract_strided_slice %dot_general3A_60 {offsets = [0, 384], sizes = [512, 128], strides = [1, 1]} : vector<512x512xf32> to vector<512x128xf32>
    %add3A_102 = arith.addf %add3A_100, %slice3A_101 : vector<512x128xf32>
    %lt3A_103 = arith.cmpf olt, %add3A_102, %min3A_93 : vector<512x128xf32>
    %min3A_104 = arith.minimumf %add3A_102, %min3A_93 : vector<512x128xf32>
    %jit3A_105 = arith.constant 7 : i32
    %broadcast_in_dim3A_106 = vector.broadcast %jit3A_105 : i32 to vector<512x128xi32>
    %select_n3A_107 = arith.select %lt3A_103, %broadcast_in_dim3A_106, %select_n3A_96 : vector<512x128xi1>, vector<512x128xi32>
    %get3A_108 = arith.constant 0 : index
    %get3A_109 = arith.constant 1024 : index
    %get3A_110 = vector.load %arg4[%get3A_108, %get3A_109] : memref<64x8192xf32, #tpu.memory_space<vmem>>, vector<64x512xf32>
    %dot_general3A_111 = arith.constant dense<0.000000e+00> : vector<512x512xf32>
    %dot_general3A_112 = tpu.matmul %slice3A, %get3A_110, %dot_general3A_111 {dimension_numbers = #tpu.dot_dimension_numbers<[1], [0], [0], [1], [0, 0, 1, 1], [], []>, transpose_lhs_hint = false} : vector<512x64xf32>, vector<64x512xf32>, vector<512x512xf32> -> vector<512x512xf32>
    %get3A_113 = arith.constant 0 : index
    %get3A_114 = arith.constant 1024 : index
    %get3A_115 = vector.load %arg5[%get3A_113, %get3A_114] : memref<8x8192xf32, #tpu.memory_space<vmem>>, vector<1x512xf32>
    %slice3A_116 = vector.extract_strided_slice %get3A_115 {offsets = [0, 0], sizes = [1, 128], strides = [1, 1]} : vector<1x512xf32> to vector<1x128xf32>
    %add3A_117 = vector.broadcast %slice3A_5 : vector<512x1xf32> to vector<512x128xf32>
    %add3A_118 = vector.broadcast %slice3A_116 : vector<1x128xf32> to vector<512x128xf32>
    %add3A_119 = arith.addf %add3A_117, %add3A_118 : vector<512x128xf32>
    %slice3A_120 = vector.extract_strided_slice %dot_general3A_112 {offsets = [0, 0], sizes = [512, 128], strides = [1, 1]} : vector<512x512xf32> to vector<512x128xf32>
    %add3A_121 = arith.addf %add3A_119, %slice3A_120 : vector<512x128xf32>
    %lt3A_122 = arith.cmpf olt, %add3A_121, %min3A_104 : vector<512x128xf32>
    %min3A_123 = arith.minimumf %add3A_121, %min3A_104 : vector<512x128xf32>
    %jit3A_124 = arith.constant 8 : i32
    %broadcast_in_dim3A_125 = vector.broadcast %jit3A_124 : i32 to vector<512x128xi32>
    %select_n3A_126 = arith.select %lt3A_122, %broadcast_in_dim3A_125, %select_n3A_107 : vector<512x128xi1>, vector<512x128xi32>
    %slice3A_127 = vector.extract_strided_slice %get3A_115 {offsets = [0, 128], sizes = [1, 128], strides = [1, 1]} : vector<1x512xf32> to vector<1x128xf32>
    %add3A_128 = vector.broadcast %slice3A_5 : vector<512x1xf32> to vector<512x128xf32>
    %add3A_129 = vector.broadcast %slice3A_127 : vector<1x128xf32> to vector<512x128xf32>
    %add3A_130 = arith.addf %add3A_128, %add3A_129 : vector<512x128xf32>
    %slice3A_131 = vector.extract_strided_slice %dot_general3A_112 {offsets = [0, 128], sizes = [512, 128], strides = [1, 1]} : vector<512x512xf32> to vector<512x128xf32>
    %add3A_132 = arith.addf %add3A_130, %slice3A_131 : vector<512x128xf32>
    %lt3A_133 = arith.cmpf olt, %add3A_132, %min3A_123 : vector<512x128xf32>
    %min3A_134 = arith.minimumf %add3A_132, %min3A_123 : vector<512x128xf32>
    %jit3A_135 = arith.constant 9 : i32
    %broadcast_in_dim3A_136 = vector.broadcast %jit3A_135 : i32 to vector<512x128xi32>
    %select_n3A_137 = arith.select %lt3A_133, %broadcast_in_dim3A_136, %select_n3A_126 : vector<512x128xi1>, vector<512x128xi32>
    %slice3A_138 = vector.extract_strided_slice %get3A_115 {offsets = [0, 256], sizes = [1, 128], strides = [1, 1]} : vector<1x512xf32> to vector<1x128xf32>
    %add3A_139 = vector.broadcast %slice3A_5 : vector<512x1xf32> to vector<512x128xf32>
    %add3A_140 = vector.broadcast %slice3A_138 : vector<1x128xf32> to vector<512x128xf32>
    %add3A_141 = arith.addf %add3A_139, %add3A_140 : vector<512x128xf32>
    %slice3A_142 = vector.extract_strided_slice %dot_general3A_112 {offsets = [0, 256], sizes = [512, 128], strides = [1, 1]} : vector<512x512xf32> to vector<512x128xf32>
    %add3A_143 = arith.addf %add3A_141, %slice3A_142 : vector<512x128xf32>
    %lt3A_144 = arith.cmpf olt, %add3A_143, %min3A_134 : vector<512x128xf32>
    %min3A_145 = arith.minimumf %add3A_143, %min3A_134 : vector<512x128xf32>
    %jit3A_146 = arith.constant 10 : i32
    %broadcast_in_dim3A_147 = vector.broadcast %jit3A_146 : i32 to vector<512x128xi32>
    %select_n3A_148 = arith.select %lt3A_144, %broadcast_in_dim3A_147, %select_n3A_137 : vector<512x128xi1>, vector<512x128xi32>
    %slice3A_149 = vector.extract_strided_slice %get3A_115 {offsets = [0, 384], sizes = [1, 128], strides = [1, 1]} : vector<1x512xf32> to vector<1x128xf32>
    %add3A_150 = vector.broadcast %slice3A_5 : vector<512x1xf32> to vector<512x128xf32>
    %add3A_151 = vector.broadcast %slice3A_149 : vector<1x128xf32> to vector<512x128xf32>
    %add3A_152 = arith.addf %add3A_150, %add3A_151 : vector<512x128xf32>
    %slice3A_153 = vector.extract_strided_slice %dot_general3A_112 {offsets = [0, 384], sizes = [512, 128], strides = [1, 1]} : vector<512x512xf32> to vector<512x128xf32>
    %add3A_154 = arith.addf %add3A_152, %slice3A_153 : vector<512x128xf32>
    %lt3A_155 = arith.cmpf olt, %add3A_154, %min3A_145 : vector<512x128xf32>
    %min3A_156 = arith.minimumf %add3A_154, %min3A_145 : vector<512x128xf32>
    %jit3A_157 = arith.constant 11 : i32
    %broadcast_in_dim3A_158 = vector.broadcast %jit3A_157 : i32 to vector<512x128xi32>
    %select_n3A_159 = arith.select %lt3A_155, %broadcast_in_dim3A_158, %select_n3A_148 : vector<512x128xi1>, vector<512x128xi32>
    %get3A_160 = arith.constant 0 : index
    %get3A_161 = arith.constant 1536 : index
    %get3A_162 = vector.load %arg4[%get3A_160, %get3A_161] : memref<64x8192xf32, #tpu.memory_space<vmem>>, vector<64x512xf32>
    %dot_general3A_163 = arith.constant dense<0.000000e+00> : vector<512x512xf32>
    %dot_general3A_164 = tpu.matmul %slice3A, %get3A_162, %dot_general3A_163 {dimension_numbers = #tpu.dot_dimension_numbers<[1], [0], [0], [1], [0, 0, 1, 1], [], []>, transpose_lhs_hint = false} : vector<512x64xf32>, vector<64x512xf32>, vector<512x512xf32> -> vector<512x512xf32>
    %get3A_165 = arith.constant 0 : index
    %get3A_166 = arith.constant 1536 : index
    %get3A_167 = vector.load %arg5[%get3A_165, %get3A_166] : memref<8x8192xf32, #tpu.memory_space<vmem>>, vector<1x512xf32>
    %slice3A_168 = vector.extract_strided_slice %get3A_167 {offsets = [0, 0], sizes = [1, 128], strides = [1, 1]} : vector<1x512xf32> to vector<1x128xf32>
    %add3A_169 = vector.broadcast %slice3A_5 : vector<512x1xf32> to vector<512x128xf32>
    %add3A_170 = vector.broadcast %slice3A_168 : vector<1x128xf32> to vector<512x128xf32>
    %add3A_171 = arith.addf %add3A_169, %add3A_170 : vector<512x128xf32>
    %slice3A_172 = vector.extract_strided_slice %dot_general3A_164 {offsets = [0, 0], sizes = [512, 128], strides = [1, 1]} : vector<512x512xf32> to vector<512x128xf32>
    %add3A_173 = arith.addf %add3A_171, %slice3A_172 : vector<512x128xf32>
    %lt3A_174 = arith.cmpf olt, %add3A_173, %min3A_156 : vector<512x128xf32>
    %min3A_175 = arith.minimumf %add3A_173, %min3A_156 : vector<512x128xf32>
    %jit3A_176 = arith.constant 12 : i32
    %broadcast_in_dim3A_177 = vector.broadcast %jit3A_176 : i32 to vector<512x128xi32>
    %select_n3A_178 = arith.select %lt3A_174, %broadcast_in_dim3A_177, %select_n3A_159 : vector<512x128xi1>, vector<512x128xi32>
    %slice3A_179 = vector.extract_strided_slice %get3A_167 {offsets = [0, 128], sizes = [1, 128], strides = [1, 1]} : vector<1x512xf32> to vector<1x128xf32>
    %add3A_180 = vector.broadcast %slice3A_5 : vector<512x1xf32> to vector<512x128xf32>
    %add3A_181 = vector.broadcast %slice3A_179 : vector<1x128xf32> to vector<512x128xf32>
    %add3A_182 = arith.addf %add3A_180, %add3A_181 : vector<512x128xf32>
    %slice3A_183 = vector.extract_strided_slice %dot_general3A_164 {offsets = [0, 128], sizes = [512, 128], strides = [1, 1]} : vector<512x512xf32> to vector<512x128xf32>
    %add3A_184 = arith.addf %add3A_182, %slice3A_183 : vector<512x128xf32>
    %lt3A_185 = arith.cmpf olt, %add3A_184, %min3A_175 : vector<512x128xf32>
    %min3A_186 = arith.minimumf %add3A_184, %min3A_175 : vector<512x128xf32>
    %jit3A_187 = arith.constant 13 : i32
    %broadcast_in_dim3A_188 = vector.broadcast %jit3A_187 : i32 to vector<512x128xi32>
    %select_n3A_189 = arith.select %lt3A_185, %broadcast_in_dim3A_188, %select_n3A_178 : vector<512x128xi1>, vector<512x128xi32>
    %slice3A_190 = vector.extract_strided_slice %get3A_167 {offsets = [0, 256], sizes = [1, 128], strides = [1, 1]} : vector<1x512xf32> to vector<1x128xf32>
    %add3A_191 = vector.broadcast %slice3A_5 : vector<512x1xf32> to vector<512x128xf32>
    %add3A_192 = vector.broadcast %slice3A_190 : vector<1x128xf32> to vector<512x128xf32>
    %add3A_193 = arith.addf %add3A_191, %add3A_192 : vector<512x128xf32>
    %slice3A_194 = vector.extract_strided_slice %dot_general3A_164 {offsets = [0, 256], sizes = [512, 128], strides = [1, 1]} : vector<512x512xf32> to vector<512x128xf32>
    %add3A_195 = arith.addf %add3A_193, %slice3A_194 : vector<512x128xf32>
    %lt3A_196 = arith.cmpf olt, %add3A_195, %min3A_186 : vector<512x128xf32>
    %min3A_197 = arith.minimumf %add3A_195, %min3A_186 : vector<512x128xf32>
    %jit3A_198 = arith.constant 14 : i32
    %broadcast_in_dim3A_199 = vector.broadcast %jit3A_198 : i32 to vector<512x128xi32>
    %select_n3A_200 = arith.select %lt3A_196, %broadcast_in_dim3A_199, %select_n3A_189 : vector<512x128xi1>, vector<512x128xi32>
    %slice3A_201 = vector.extract_strided_slice %get3A_167 {offsets = [0, 384], sizes = [1, 128], strides = [1, 1]} : vector<1x512xf32> to vector<1x128xf32>
    %add3A_202 = vector.broadcast %slice3A_5 : vector<512x1xf32> to vector<512x128xf32>
    %add3A_203 = vector.broadcast %slice3A_201 : vector<1x128xf32> to vector<512x128xf32>
    %add3A_204 = arith.addf %add3A_202, %add3A_203 : vector<512x128xf32>
    %slice3A_205 = vector.extract_strided_slice %dot_general3A_164 {offsets = [0, 384], sizes = [512, 128], strides = [1, 1]} : vector<512x512xf32> to vector<512x128xf32>
    %add3A_206 = arith.addf %add3A_204, %slice3A_205 : vector<512x128xf32>
    %lt3A_207 = arith.cmpf olt, %add3A_206, %min3A_197 : vector<512x128xf32>
    %min3A_208 = arith.minimumf %add3A_206, %min3A_197 : vector<512x128xf32>
    %jit3A_209 = arith.constant 15 : i32
    %broadcast_in_dim3A_210 = vector.broadcast %jit3A_209 : i32 to vector<512x128xi32>
    %select_n3A_211 = arith.select %lt3A_207, %broadcast_in_dim3A_210, %select_n3A_200 : vector<512x128xi1>, vector<512x128xi32>
    %get3A_212 = arith.constant 0 : index
    %get3A_213 = arith.constant 2048 : index
    %get3A_214 = vector.load %arg4[%get3A_212, %get3A_213] : memref<64x8192xf32, #tpu.memory_space<vmem>>, vector<64x512xf32>
    %dot_general3A_215 = arith.constant dense<0.000000e+00> : vector<512x512xf32>
    %dot_general3A_216 = tpu.matmul %slice3A, %get3A_214, %dot_general3A_215 {dimension_numbers = #tpu.dot_dimension_numbers<[1], [0], [0], [1], [0, 0, 1, 1], [], []>, transpose_lhs_hint = false} : vector<512x64xf32>, vector<64x512xf32>, vector<512x512xf32> -> vector<512x512xf32>
    %get3A_217 = arith.constant 0 : index
    %get3A_218 = arith.constant 2048 : index
    %get3A_219 = vector.load %arg5[%get3A_217, %get3A_218] : memref<8x8192xf32, #tpu.memory_space<vmem>>, vector<1x512xf32>
    %slice3A_220 = vector.extract_strided_slice %get3A_219 {offsets = [0, 0], sizes = [1, 128], strides = [1, 1]} : vector<1x512xf32> to vector<1x128xf32>
    %add3A_221 = vector.broadcast %slice3A_5 : vector<512x1xf32> to vector<512x128xf32>
    %add3A_222 = vector.broadcast %slice3A_220 : vector<1x128xf32> to vector<512x128xf32>
    %add3A_223 = arith.addf %add3A_221, %add3A_222 : vector<512x128xf32>
    %slice3A_224 = vector.extract_strided_slice %dot_general3A_216 {offsets = [0, 0], sizes = [512, 128], strides = [1, 1]} : vector<512x512xf32> to vector<512x128xf32>
    %add3A_225 = arith.addf %add3A_223, %slice3A_224 : vector<512x128xf32>
    %lt3A_226 = arith.cmpf olt, %add3A_225, %min3A_208 : vector<512x128xf32>
    %min3A_227 = arith.minimumf %add3A_225, %min3A_208 : vector<512x128xf32>
    %jit3A_228 = arith.constant 16 : i32
    %broadcast_in_dim3A_229 = vector.broadcast %jit3A_228 : i32 to vector<512x128xi32>
    %select_n3A_230 = arith.select %lt3A_226, %broadcast_in_dim3A_229, %select_n3A_211 : vector<512x128xi1>, vector<512x128xi32>
    %slice3A_231 = vector.extract_strided_slice %get3A_219 {offsets = [0, 128], sizes = [1, 128], strides = [1, 1]} : vector<1x512xf32> to vector<1x128xf32>
    %add3A_232 = vector.broadcast %slice3A_5 : vector<512x1xf32> to vector<512x128xf32>
    %add3A_233 = vector.broadcast %slice3A_231 : vector<1x128xf32> to vector<512x128xf32>
    %add3A_234 = arith.addf %add3A_232, %add3A_233 : vector<512x128xf32>
    %slice3A_235 = vector.extract_strided_slice %dot_general3A_216 {offsets = [0, 128], sizes = [512, 128], strides = [1, 1]} : vector<512x512xf32> to vector<512x128xf32>
    %add3A_236 = arith.addf %add3A_234, %slice3A_235 : vector<512x128xf32>
    %lt3A_237 = arith.cmpf olt, %add3A_236, %min3A_227 : vector<512x128xf32>
    %min3A_238 = arith.minimumf %add3A_236, %min3A_227 : vector<512x128xf32>
    %jit3A_239 = arith.constant 17 : i32
    %broadcast_in_dim3A_240 = vector.broadcast %jit3A_239 : i32 to vector<512x128xi32>
    %select_n3A_241 = arith.select %lt3A_237, %broadcast_in_dim3A_240, %select_n3A_230 : vector<512x128xi1>, vector<512x128xi32>
    %slice3A_242 = vector.extract_strided_slice %get3A_219 {offsets = [0, 256], sizes = [1, 128], strides = [1, 1]} : vector<1x512xf32> to vector<1x128xf32>
    %add3A_243 = vector.broadcast %slice3A_5 : vector<512x1xf32> to vector<512x128xf32>
    %add3A_244 = vector.broadcast %slice3A_242 : vector<1x128xf32> to vector<512x128xf32>
    %add3A_245 = arith.addf %add3A_243, %add3A_244 : vector<512x128xf32>
    %slice3A_246 = vector.extract_strided_slice %dot_general3A_216 {offsets = [0, 256], sizes = [512, 128], strides = [1, 1]} : vector<512x512xf32> to vector<512x128xf32>
    %add3A_247 = arith.addf %add3A_245, %slice3A_246 : vector<512x128xf32>
    %lt3A_248 = arith.cmpf olt, %add3A_247, %min3A_238 : vector<512x128xf32>
    %min3A_249 = arith.minimumf %add3A_247, %min3A_238 : vector<512x128xf32>
    %jit3A_250 = arith.constant 18 : i32
    %broadcast_in_dim3A_251 = vector.broadcast %jit3A_250 : i32 to vector<512x128xi32>
    %select_n3A_252 = arith.select %lt3A_248, %broadcast_in_dim3A_251, %select_n3A_241 : vector<512x128xi1>, vector<512x128xi32>
    %slice3A_253 = vector.extract_strided_slice %get3A_219 {offsets = [0, 384], sizes = [1, 128], strides = [1, 1]} : vector<1x512xf32> to vector<1x128xf32>
    %add3A_254 = vector.broadcast %slice3A_5 : vector<512x1xf32> to vector<512x128xf32>
    %add3A_255 = vector.broadcast %slice3A_253 : vector<1x128xf32> to vector<512x128xf32>
    %add3A_256 = arith.addf %add3A_254, %add3A_255 : vector<512x128xf32>
    %slice3A_257 = vector.extract_strided_slice %dot_general3A_216 {offsets = [0, 384], sizes = [512, 128], strides = [1, 1]} : vector<512x512xf32> to vector<512x128xf32>
    %add3A_258 = arith.addf %add3A_256, %slice3A_257 : vector<512x128xf32>
    %lt3A_259 = arith.cmpf olt, %add3A_258, %min3A_249 : vector<512x128xf32>
    %min3A_260 = arith.minimumf %add3A_258, %min3A_249 : vector<512x128xf32>
    %jit3A_261 = arith.constant 19 : i32
    %broadcast_in_dim3A_262 = vector.broadcast %jit3A_261 : i32 to vector<512x128xi32>
    %select_n3A_263 = arith.select %lt3A_259, %broadcast_in_dim3A_262, %select_n3A_252 : vector<512x128xi1>, vector<512x128xi32>
    %get3A_264 = arith.constant 0 : index
    %get3A_265 = arith.constant 2560 : index
    %get3A_266 = vector.load %arg4[%get3A_264, %get3A_265] : memref<64x8192xf32, #tpu.memory_space<vmem>>, vector<64x512xf32>
    %dot_general3A_267 = arith.constant dense<0.000000e+00> : vector<512x512xf32>
    %dot_general3A_268 = tpu.matmul %slice3A, %get3A_266, %dot_general3A_267 {dimension_numbers = #tpu.dot_dimension_numbers<[1], [0], [0], [1], [0, 0, 1, 1], [], []>, transpose_lhs_hint = false} : vector<512x64xf32>, vector<64x512xf32>, vector<512x512xf32> -> vector<512x512xf32>
    %get3A_269 = arith.constant 0 : index
    %get3A_270 = arith.constant 2560 : index
    %get3A_271 = vector.load %arg5[%get3A_269, %get3A_270] : memref<8x8192xf32, #tpu.memory_space<vmem>>, vector<1x512xf32>
    %slice3A_272 = vector.extract_strided_slice %get3A_271 {offsets = [0, 0], sizes = [1, 128], strides = [1, 1]} : vector<1x512xf32> to vector<1x128xf32>
    %add3A_273 = vector.broadcast %slice3A_5 : vector<512x1xf32> to vector<512x128xf32>
    %add3A_274 = vector.broadcast %slice3A_272 : vector<1x128xf32> to vector<512x128xf32>
    %add3A_275 = arith.addf %add3A_273, %add3A_274 : vector<512x128xf32>
    %slice3A_276 = vector.extract_strided_slice %dot_general3A_268 {offsets = [0, 0], sizes = [512, 128], strides = [1, 1]} : vector<512x512xf32> to vector<512x128xf32>
    %add3A_277 = arith.addf %add3A_275, %slice3A_276 : vector<512x128xf32>
    %lt3A_278 = arith.cmpf olt, %add3A_277, %min3A_260 : vector<512x128xf32>
    %min3A_279 = arith.minimumf %add3A_277, %min3A_260 : vector<512x128xf32>
    %jit3A_280 = arith.constant 20 : i32
    %broadcast_in_dim3A_281 = vector.broadcast %jit3A_280 : i32 to vector<512x128xi32>
    %select_n3A_282 = arith.select %lt3A_278, %broadcast_in_dim3A_281, %select_n3A_263 : vector<512x128xi1>, vector<512x128xi32>
    %slice3A_283 = vector.extract_strided_slice %get3A_271 {offsets = [0, 128], sizes = [1, 128], strides = [1, 1]} : vector<1x512xf32> to vector<1x128xf32>
    %add3A_284 = vector.broadcast %slice3A_5 : vector<512x1xf32> to vector<512x128xf32>
    %add3A_285 = vector.broadcast %slice3A_283 : vector<1x128xf32> to vector<512x128xf32>
    %add3A_286 = arith.addf %add3A_284, %add3A_285 : vector<512x128xf32>
    %slice3A_287 = vector.extract_strided_slice %dot_general3A_268 {offsets = [0, 128], sizes = [512, 128], strides = [1, 1]} : vector<512x512xf32> to vector<512x128xf32>
    %add3A_288 = arith.addf %add3A_286, %slice3A_287 : vector<512x128xf32>
    %lt3A_289 = arith.cmpf olt, %add3A_288, %min3A_279 : vector<512x128xf32>
    %min3A_290 = arith.minimumf %add3A_288, %min3A_279 : vector<512x128xf32>
    %jit3A_291 = arith.constant 21 : i32
    %broadcast_in_dim3A_292 = vector.broadcast %jit3A_291 : i32 to vector<512x128xi32>
    %select_n3A_293 = arith.select %lt3A_289, %broadcast_in_dim3A_292, %select_n3A_282 : vector<512x128xi1>, vector<512x128xi32>
    %slice3A_294 = vector.extract_strided_slice %get3A_271 {offsets = [0, 256], sizes = [1, 128], strides = [1, 1]} : vector<1x512xf32> to vector<1x128xf32>
    %add3A_295 = vector.broadcast %slice3A_5 : vector<512x1xf32> to vector<512x128xf32>
    %add3A_296 = vector.broadcast %slice3A_294 : vector<1x128xf32> to vector<512x128xf32>
    %add3A_297 = arith.addf %add3A_295, %add3A_296 : vector<512x128xf32>
    %slice3A_298 = vector.extract_strided_slice %dot_general3A_268 {offsets = [0, 256], sizes = [512, 128], strides = [1, 1]} : vector<512x512xf32> to vector<512x128xf32>
    %add3A_299 = arith.addf %add3A_297, %slice3A_298 : vector<512x128xf32>
    %lt3A_300 = arith.cmpf olt, %add3A_299, %min3A_290 : vector<512x128xf32>
    %min3A_301 = arith.minimumf %add3A_299, %min3A_290 : vector<512x128xf32>
    %jit3A_302 = arith.constant 22 : i32
    %broadcast_in_dim3A_303 = vector.broadcast %jit3A_302 : i32 to vector<512x128xi32>
    %select_n3A_304 = arith.select %lt3A_300, %broadcast_in_dim3A_303, %select_n3A_293 : vector<512x128xi1>, vector<512x128xi32>
    %slice3A_305 = vector.extract_strided_slice %get3A_271 {offsets = [0, 384], sizes = [1, 128], strides = [1, 1]} : vector<1x512xf32> to vector<1x128xf32>
    %add3A_306 = vector.broadcast %slice3A_5 : vector<512x1xf32> to vector<512x128xf32>
    %add3A_307 = vector.broadcast %slice3A_305 : vector<1x128xf32> to vector<512x128xf32>
    %add3A_308 = arith.addf %add3A_306, %add3A_307 : vector<512x128xf32>
    %slice3A_309 = vector.extract_strided_slice %dot_general3A_268 {offsets = [0, 384], sizes = [512, 128], strides = [1, 1]} : vector<512x512xf32> to vector<512x128xf32>
    %add3A_310 = arith.addf %add3A_308, %slice3A_309 : vector<512x128xf32>
    %lt3A_311 = arith.cmpf olt, %add3A_310, %min3A_301 : vector<512x128xf32>
    %min3A_312 = arith.minimumf %add3A_310, %min3A_301 : vector<512x128xf32>
    %jit3A_313 = arith.constant 23 : i32
    %broadcast_in_dim3A_314 = vector.broadcast %jit3A_313 : i32 to vector<512x128xi32>
    %select_n3A_315 = arith.select %lt3A_311, %broadcast_in_dim3A_314, %select_n3A_304 : vector<512x128xi1>, vector<512x128xi32>
    %get3A_316 = arith.constant 0 : index
    %get3A_317 = arith.constant 3072 : index
    %get3A_318 = vector.load %arg4[%get3A_316, %get3A_317] : memref<64x8192xf32, #tpu.memory_space<vmem>>, vector<64x512xf32>
    %dot_general3A_319 = arith.constant dense<0.000000e+00> : vector<512x512xf32>
    %dot_general3A_320 = tpu.matmul %slice3A, %get3A_318, %dot_general3A_319 {dimension_numbers = #tpu.dot_dimension_numbers<[1], [0], [0], [1], [0, 0, 1, 1], [], []>, transpose_lhs_hint = false} : vector<512x64xf32>, vector<64x512xf32>, vector<512x512xf32> -> vector<512x512xf32>
    %get3A_321 = arith.constant 0 : index
    %get3A_322 = arith.constant 3072 : index
    %get3A_323 = vector.load %arg5[%get3A_321, %get3A_322] : memref<8x8192xf32, #tpu.memory_space<vmem>>, vector<1x512xf32>
    %slice3A_324 = vector.extract_strided_slice %get3A_323 {offsets = [0, 0], sizes = [1, 128], strides = [1, 1]} : vector<1x512xf32> to vector<1x128xf32>
    %add3A_325 = vector.broadcast %slice3A_5 : vector<512x1xf32> to vector<512x128xf32>
    %add3A_326 = vector.broadcast %slice3A_324 : vector<1x128xf32> to vector<512x128xf32>
    %add3A_327 = arith.addf %add3A_325, %add3A_326 : vector<512x128xf32>
    %slice3A_328 = vector.extract_strided_slice %dot_general3A_320 {offsets = [0, 0], sizes = [512, 128], strides = [1, 1]} : vector<512x512xf32> to vector<512x128xf32>
    %add3A_329 = arith.addf %add3A_327, %slice3A_328 : vector<512x128xf32>
    %lt3A_330 = arith.cmpf olt, %add3A_329, %min3A_312 : vector<512x128xf32>
    %min3A_331 = arith.minimumf %add3A_329, %min3A_312 : vector<512x128xf32>
    %jit3A_332 = arith.constant 24 : i32
    %broadcast_in_dim3A_333 = vector.broadcast %jit3A_332 : i32 to vector<512x128xi32>
    %select_n3A_334 = arith.select %lt3A_330, %broadcast_in_dim3A_333, %select_n3A_315 : vector<512x128xi1>, vector<512x128xi32>
    %slice3A_335 = vector.extract_strided_slice %get3A_323 {offsets = [0, 128], sizes = [1, 128], strides = [1, 1]} : vector<1x512xf32> to vector<1x128xf32>
    %add3A_336 = vector.broadcast %slice3A_5 : vector<512x1xf32> to vector<512x128xf32>
    %add3A_337 = vector.broadcast %slice3A_335 : vector<1x128xf32> to vector<512x128xf32>
    %add3A_338 = arith.addf %add3A_336, %add3A_337 : vector<512x128xf32>
    %slice3A_339 = vector.extract_strided_slice %dot_general3A_320 {offsets = [0, 128], sizes = [512, 128], strides = [1, 1]} : vector<512x512xf32> to vector<512x128xf32>
    %add3A_340 = arith.addf %add3A_338, %slice3A_339 : vector<512x128xf32>
    %lt3A_341 = arith.cmpf olt, %add3A_340, %min3A_331 : vector<512x128xf32>
    %min3A_342 = arith.minimumf %add3A_340, %min3A_331 : vector<512x128xf32>
    %jit3A_343 = arith.constant 25 : i32
    %broadcast_in_dim3A_344 = vector.broadcast %jit3A_343 : i32 to vector<512x128xi32>
    %select_n3A_345 = arith.select %lt3A_341, %broadcast_in_dim3A_344, %select_n3A_334 : vector<512x128xi1>, vector<512x128xi32>
    %slice3A_346 = vector.extract_strided_slice %get3A_323 {offsets = [0, 256], sizes = [1, 128], strides = [1, 1]} : vector<1x512xf32> to vector<1x128xf32>
    %add3A_347 = vector.broadcast %slice3A_5 : vector<512x1xf32> to vector<512x128xf32>
    %add3A_348 = vector.broadcast %slice3A_346 : vector<1x128xf32> to vector<512x128xf32>
    %add3A_349 = arith.addf %add3A_347, %add3A_348 : vector<512x128xf32>
    %slice3A_350 = vector.extract_strided_slice %dot_general3A_320 {offsets = [0, 256], sizes = [512, 128], strides = [1, 1]} : vector<512x512xf32> to vector<512x128xf32>
    %add3A_351 = arith.addf %add3A_349, %slice3A_350 : vector<512x128xf32>
    %lt3A_352 = arith.cmpf olt, %add3A_351, %min3A_342 : vector<512x128xf32>
    %min3A_353 = arith.minimumf %add3A_351, %min3A_342 : vector<512x128xf32>
    %jit3A_354 = arith.constant 26 : i32
    %broadcast_in_dim3A_355 = vector.broadcast %jit3A_354 : i32 to vector<512x128xi32>
    %select_n3A_356 = arith.select %lt3A_352, %broadcast_in_dim3A_355, %select_n3A_345 : vector<512x128xi1>, vector<512x128xi32>
    %slice3A_357 = vector.extract_strided_slice %get3A_323 {offsets = [0, 384], sizes = [1, 128], strides = [1, 1]} : vector<1x512xf32> to vector<1x128xf32>
    %add3A_358 = vector.broadcast %slice3A_5 : vector<512x1xf32> to vector<512x128xf32>
    %add3A_359 = vector.broadcast %slice3A_357 : vector<1x128xf32> to vector<512x128xf32>
    %add3A_360 = arith.addf %add3A_358, %add3A_359 : vector<512x128xf32>
    %slice3A_361 = vector.extract_strided_slice %dot_general3A_320 {offsets = [0, 384], sizes = [512, 128], strides = [1, 1]} : vector<512x512xf32> to vector<512x128xf32>
    %add3A_362 = arith.addf %add3A_360, %slice3A_361 : vector<512x128xf32>
    %lt3A_363 = arith.cmpf olt, %add3A_362, %min3A_353 : vector<512x128xf32>
    %min3A_364 = arith.minimumf %add3A_362, %min3A_353 : vector<512x128xf32>
    %jit3A_365 = arith.constant 27 : i32
    %broadcast_in_dim3A_366 = vector.broadcast %jit3A_365 : i32 to vector<512x128xi32>
    %select_n3A_367 = arith.select %lt3A_363, %broadcast_in_dim3A_366, %select_n3A_356 : vector<512x128xi1>, vector<512x128xi32>
    %get3A_368 = arith.constant 0 : index
    %get3A_369 = arith.constant 3584 : index
    %get3A_370 = vector.load %arg4[%get3A_368, %get3A_369] : memref<64x8192xf32, #tpu.memory_space<vmem>>, vector<64x512xf32>
    %dot_general3A_371 = arith.constant dense<0.000000e+00> : vector<512x512xf32>
    %dot_general3A_372 = tpu.matmul %slice3A, %get3A_370, %dot_general3A_371 {dimension_numbers = #tpu.dot_dimension_numbers<[1], [0], [0], [1], [0, 0, 1, 1], [], []>, transpose_lhs_hint = false} : vector<512x64xf32>, vector<64x512xf32>, vector<512x512xf32> -> vector<512x512xf32>
    %get3A_373 = arith.constant 0 : index
    %get3A_374 = arith.constant 3584 : index
    %get3A_375 = vector.load %arg5[%get3A_373, %get3A_374] : memref<8x8192xf32, #tpu.memory_space<vmem>>, vector<1x512xf32>
    %slice3A_376 = vector.extract_strided_slice %get3A_375 {offsets = [0, 0], sizes = [1, 128], strides = [1, 1]} : vector<1x512xf32> to vector<1x128xf32>
    %add3A_377 = vector.broadcast %slice3A_5 : vector<512x1xf32> to vector<512x128xf32>
    %add3A_378 = vector.broadcast %slice3A_376 : vector<1x128xf32> to vector<512x128xf32>
    %add3A_379 = arith.addf %add3A_377, %add3A_378 : vector<512x128xf32>
    %slice3A_380 = vector.extract_strided_slice %dot_general3A_372 {offsets = [0, 0], sizes = [512, 128], strides = [1, 1]} : vector<512x512xf32> to vector<512x128xf32>
    %add3A_381 = arith.addf %add3A_379, %slice3A_380 : vector<512x128xf32>
    %lt3A_382 = arith.cmpf olt, %add3A_381, %min3A_364 : vector<512x128xf32>
    %min3A_383 = arith.minimumf %add3A_381, %min3A_364 : vector<512x128xf32>
    %jit3A_384 = arith.constant 28 : i32
    %broadcast_in_dim3A_385 = vector.broadcast %jit3A_384 : i32 to vector<512x128xi32>
    %select_n3A_386 = arith.select %lt3A_382, %broadcast_in_dim3A_385, %select_n3A_367 : vector<512x128xi1>, vector<512x128xi32>
    %slice3A_387 = vector.extract_strided_slice %get3A_375 {offsets = [0, 128], sizes = [1, 128], strides = [1, 1]} : vector<1x512xf32> to vector<1x128xf32>
    %add3A_388 = vector.broadcast %slice3A_5 : vector<512x1xf32> to vector<512x128xf32>
    %add3A_389 = vector.broadcast %slice3A_387 : vector<1x128xf32> to vector<512x128xf32>
    %add3A_390 = arith.addf %add3A_388, %add3A_389 : vector<512x128xf32>
    %slice3A_391 = vector.extract_strided_slice %dot_general3A_372 {offsets = [0, 128], sizes = [512, 128], strides = [1, 1]} : vector<512x512xf32> to vector<512x128xf32>
    %add3A_392 = arith.addf %add3A_390, %slice3A_391 : vector<512x128xf32>
    %lt3A_393 = arith.cmpf olt, %add3A_392, %min3A_383 : vector<512x128xf32>
    %min3A_394 = arith.minimumf %add3A_392, %min3A_383 : vector<512x128xf32>
    %jit3A_395 = arith.constant 29 : i32
    %broadcast_in_dim3A_396 = vector.broadcast %jit3A_395 : i32 to vector<512x128xi32>
    %select_n3A_397 = arith.select %lt3A_393, %broadcast_in_dim3A_396, %select_n3A_386 : vector<512x128xi1>, vector<512x128xi32>
    %slice3A_398 = vector.extract_strided_slice %get3A_375 {offsets = [0, 256], sizes = [1, 128], strides = [1, 1]} : vector<1x512xf32> to vector<1x128xf32>
    %add3A_399 = vector.broadcast %slice3A_5 : vector<512x1xf32> to vector<512x128xf32>
    %add3A_400 = vector.broadcast %slice3A_398 : vector<1x128xf32> to vector<512x128xf32>
    %add3A_401 = arith.addf %add3A_399, %add3A_400 : vector<512x128xf32>
    %slice3A_402 = vector.extract_strided_slice %dot_general3A_372 {offsets = [0, 256], sizes = [512, 128], strides = [1, 1]} : vector<512x512xf32> to vector<512x128xf32>
    %add3A_403 = arith.addf %add3A_401, %slice3A_402 : vector<512x128xf32>
    %lt3A_404 = arith.cmpf olt, %add3A_403, %min3A_394 : vector<512x128xf32>
    %min3A_405 = arith.minimumf %add3A_403, %min3A_394 : vector<512x128xf32>
    %jit3A_406 = arith.constant 30 : i32
    %broadcast_in_dim3A_407 = vector.broadcast %jit3A_406 : i32 to vector<512x128xi32>
    %select_n3A_408 = arith.select %lt3A_404, %broadcast_in_dim3A_407, %select_n3A_397 : vector<512x128xi1>, vector<512x128xi32>
    %slice3A_409 = vector.extract_strided_slice %get3A_375 {offsets = [0, 384], sizes = [1, 128], strides = [1, 1]} : vector<1x512xf32> to vector<1x128xf32>
    %add3A_410 = vector.broadcast %slice3A_5 : vector<512x1xf32> to vector<512x128xf32>
    %add3A_411 = vector.broadcast %slice3A_409 : vector<1x128xf32> to vector<512x128xf32>
    %add3A_412 = arith.addf %add3A_410, %add3A_411 : vector<512x128xf32>
    %slice3A_413 = vector.extract_strided_slice %dot_general3A_372 {offsets = [0, 384], sizes = [512, 128], strides = [1, 1]} : vector<512x512xf32> to vector<512x128xf32>
    %add3A_414 = arith.addf %add3A_412, %slice3A_413 : vector<512x128xf32>
    %lt3A_415 = arith.cmpf olt, %add3A_414, %min3A_405 : vector<512x128xf32>
    %min3A_416 = arith.minimumf %add3A_414, %min3A_405 : vector<512x128xf32>
    %jit3A_417 = arith.constant 31 : i32
    %broadcast_in_dim3A_418 = vector.broadcast %jit3A_417 : i32 to vector<512x128xi32>
    %select_n3A_419 = arith.select %lt3A_415, %broadcast_in_dim3A_418, %select_n3A_408 : vector<512x128xi1>, vector<512x128xi32>
    %get3A_420 = arith.constant 0 : index
    %get3A_421 = arith.constant 4096 : index
    %get3A_422 = vector.load %arg4[%get3A_420, %get3A_421] : memref<64x8192xf32, #tpu.memory_space<vmem>>, vector<64x512xf32>
    %dot_general3A_423 = arith.constant dense<0.000000e+00> : vector<512x512xf32>
    %dot_general3A_424 = tpu.matmul %slice3A, %get3A_422, %dot_general3A_423 {dimension_numbers = #tpu.dot_dimension_numbers<[1], [0], [0], [1], [0, 0, 1, 1], [], []>, transpose_lhs_hint = false} : vector<512x64xf32>, vector<64x512xf32>, vector<512x512xf32> -> vector<512x512xf32>
    %get3A_425 = arith.constant 0 : index
    %get3A_426 = arith.constant 4096 : index
    %get3A_427 = vector.load %arg5[%get3A_425, %get3A_426] : memref<8x8192xf32, #tpu.memory_space<vmem>>, vector<1x512xf32>
    %slice3A_428 = vector.extract_strided_slice %get3A_427 {offsets = [0, 0], sizes = [1, 128], strides = [1, 1]} : vector<1x512xf32> to vector<1x128xf32>
    %add3A_429 = vector.broadcast %slice3A_5 : vector<512x1xf32> to vector<512x128xf32>
    %add3A_430 = vector.broadcast %slice3A_428 : vector<1x128xf32> to vector<512x128xf32>
    %add3A_431 = arith.addf %add3A_429, %add3A_430 : vector<512x128xf32>
    %slice3A_432 = vector.extract_strided_slice %dot_general3A_424 {offsets = [0, 0], sizes = [512, 128], strides = [1, 1]} : vector<512x512xf32> to vector<512x128xf32>
    %add3A_433 = arith.addf %add3A_431, %slice3A_432 : vector<512x128xf32>
    %lt3A_434 = arith.cmpf olt, %add3A_433, %min3A_416 : vector<512x128xf32>
    %min3A_435 = arith.minimumf %add3A_433, %min3A_416 : vector<512x128xf32>
    %jit3A_436 = arith.constant 32 : i32
    %broadcast_in_dim3A_437 = vector.broadcast %jit3A_436 : i32 to vector<512x128xi32>
    %select_n3A_438 = arith.select %lt3A_434, %broadcast_in_dim3A_437, %select_n3A_419 : vector<512x128xi1>, vector<512x128xi32>
    %slice3A_439 = vector.extract_strided_slice %get3A_427 {offsets = [0, 128], sizes = [1, 128], strides = [1, 1]} : vector<1x512xf32> to vector<1x128xf32>
    %add3A_440 = vector.broadcast %slice3A_5 : vector<512x1xf32> to vector<512x128xf32>
    %add3A_441 = vector.broadcast %slice3A_439 : vector<1x128xf32> to vector<512x128xf32>
    %add3A_442 = arith.addf %add3A_440, %add3A_441 : vector<512x128xf32>
    %slice3A_443 = vector.extract_strided_slice %dot_general3A_424 {offsets = [0, 128], sizes = [512, 128], strides = [1, 1]} : vector<512x512xf32> to vector<512x128xf32>
    %add3A_444 = arith.addf %add3A_442, %slice3A_443 : vector<512x128xf32>
    %lt3A_445 = arith.cmpf olt, %add3A_444, %min3A_435 : vector<512x128xf32>
    %min3A_446 = arith.minimumf %add3A_444, %min3A_435 : vector<512x128xf32>
    %jit3A_447 = arith.constant 33 : i32
    %broadcast_in_dim3A_448 = vector.broadcast %jit3A_447 : i32 to vector<512x128xi32>
    %select_n3A_449 = arith.select %lt3A_445, %broadcast_in_dim3A_448, %select_n3A_438 : vector<512x128xi1>, vector<512x128xi32>
    %slice3A_450 = vector.extract_strided_slice %get3A_427 {offsets = [0, 256], sizes = [1, 128], strides = [1, 1]} : vector<1x512xf32> to vector<1x128xf32>
    %add3A_451 = vector.broadcast %slice3A_5 : vector<512x1xf32> to vector<512x128xf32>
    %add3A_452 = vector.broadcast %slice3A_450 : vector<1x128xf32> to vector<512x128xf32>
    %add3A_453 = arith.addf %add3A_451, %add3A_452 : vector<512x128xf32>
    %slice3A_454 = vector.extract_strided_slice %dot_general3A_424 {offsets = [0, 256], sizes = [512, 128], strides = [1, 1]} : vector<512x512xf32> to vector<512x128xf32>
    %add3A_455 = arith.addf %add3A_453, %slice3A_454 : vector<512x128xf32>
    %lt3A_456 = arith.cmpf olt, %add3A_455, %min3A_446 : vector<512x128xf32>
    %min3A_457 = arith.minimumf %add3A_455, %min3A_446 : vector<512x128xf32>
    %jit3A_458 = arith.constant 34 : i32
    %broadcast_in_dim3A_459 = vector.broadcast %jit3A_458 : i32 to vector<512x128xi32>
    %select_n3A_460 = arith.select %lt3A_456, %broadcast_in_dim3A_459, %select_n3A_449 : vector<512x128xi1>, vector<512x128xi32>
    %slice3A_461 = vector.extract_strided_slice %get3A_427 {offsets = [0, 384], sizes = [1, 128], strides = [1, 1]} : vector<1x512xf32> to vector<1x128xf32>
    %add3A_462 = vector.broadcast %slice3A_5 : vector<512x1xf32> to vector<512x128xf32>
    %add3A_463 = vector.broadcast %slice3A_461 : vector<1x128xf32> to vector<512x128xf32>
    %add3A_464 = arith.addf %add3A_462, %add3A_463 : vector<512x128xf32>
    %slice3A_465 = vector.extract_strided_slice %dot_general3A_424 {offsets = [0, 384], sizes = [512, 128], strides = [1, 1]} : vector<512x512xf32> to vector<512x128xf32>
    %add3A_466 = arith.addf %add3A_464, %slice3A_465 : vector<512x128xf32>
    %lt3A_467 = arith.cmpf olt, %add3A_466, %min3A_457 : vector<512x128xf32>
    %min3A_468 = arith.minimumf %add3A_466, %min3A_457 : vector<512x128xf32>
    %jit3A_469 = arith.constant 35 : i32
    %broadcast_in_dim3A_470 = vector.broadcast %jit3A_469 : i32 to vector<512x128xi32>
    %select_n3A_471 = arith.select %lt3A_467, %broadcast_in_dim3A_470, %select_n3A_460 : vector<512x128xi1>, vector<512x128xi32>
    %get3A_472 = arith.constant 0 : index
    %get3A_473 = arith.constant 4608 : index
    %get3A_474 = vector.load %arg4[%get3A_472, %get3A_473] : memref<64x8192xf32, #tpu.memory_space<vmem>>, vector<64x512xf32>
    %dot_general3A_475 = arith.constant dense<0.000000e+00> : vector<512x512xf32>
    %dot_general3A_476 = tpu.matmul %slice3A, %get3A_474, %dot_general3A_475 {dimension_numbers = #tpu.dot_dimension_numbers<[1], [0], [0], [1], [0, 0, 1, 1], [], []>, transpose_lhs_hint = false} : vector<512x64xf32>, vector<64x512xf32>, vector<512x512xf32> -> vector<512x512xf32>
    %get3A_477 = arith.constant 0 : index
    %get3A_478 = arith.constant 4608 : index
    %get3A_479 = vector.load %arg5[%get3A_477, %get3A_478] : memref<8x8192xf32, #tpu.memory_space<vmem>>, vector<1x512xf32>
    %slice3A_480 = vector.extract_strided_slice %get3A_479 {offsets = [0, 0], sizes = [1, 128], strides = [1, 1]} : vector<1x512xf32> to vector<1x128xf32>
    %add3A_481 = vector.broadcast %slice3A_5 : vector<512x1xf32> to vector<512x128xf32>
    %add3A_482 = vector.broadcast %slice3A_480 : vector<1x128xf32> to vector<512x128xf32>
    %add3A_483 = arith.addf %add3A_481, %add3A_482 : vector<512x128xf32>
    %slice3A_484 = vector.extract_strided_slice %dot_general3A_476 {offsets = [0, 0], sizes = [512, 128], strides = [1, 1]} : vector<512x512xf32> to vector<512x128xf32>
    %add3A_485 = arith.addf %add3A_483, %slice3A_484 : vector<512x128xf32>
    %lt3A_486 = arith.cmpf olt, %add3A_485, %min3A_468 : vector<512x128xf32>
    %min3A_487 = arith.minimumf %add3A_485, %min3A_468 : vector<512x128xf32>
    %jit3A_488 = arith.constant 36 : i32
    %broadcast_in_dim3A_489 = vector.broadcast %jit3A_488 : i32 to vector<512x128xi32>
    %select_n3A_490 = arith.select %lt3A_486, %broadcast_in_dim3A_489, %select_n3A_471 : vector<512x128xi1>, vector<512x128xi32>
    %slice3A_491 = vector.extract_strided_slice %get3A_479 {offsets = [0, 128], sizes = [1, 128], strides = [1, 1]} : vector<1x512xf32> to vector<1x128xf32>
    %add3A_492 = vector.broadcast %slice3A_5 : vector<512x1xf32> to vector<512x128xf32>
    %add3A_493 = vector.broadcast %slice3A_491 : vector<1x128xf32> to vector<512x128xf32>
    %add3A_494 = arith.addf %add3A_492, %add3A_493 : vector<512x128xf32>
    %slice3A_495 = vector.extract_strided_slice %dot_general3A_476 {offsets = [0, 128], sizes = [512, 128], strides = [1, 1]} : vector<512x512xf32> to vector<512x128xf32>
    %add3A_496 = arith.addf %add3A_494, %slice3A_495 : vector<512x128xf32>
    %lt3A_497 = arith.cmpf olt, %add3A_496, %min3A_487 : vector<512x128xf32>
    %min3A_498 = arith.minimumf %add3A_496, %min3A_487 : vector<512x128xf32>
    %jit3A_499 = arith.constant 37 : i32
    %broadcast_in_dim3A_500 = vector.broadcast %jit3A_499 : i32 to vector<512x128xi32>
    %select_n3A_501 = arith.select %lt3A_497, %broadcast_in_dim3A_500, %select_n3A_490 : vector<512x128xi1>, vector<512x128xi32>
    %slice3A_502 = vector.extract_strided_slice %get3A_479 {offsets = [0, 256], sizes = [1, 128], strides = [1, 1]} : vector<1x512xf32> to vector<1x128xf32>
    %add3A_503 = vector.broadcast %slice3A_5 : vector<512x1xf32> to vector<512x128xf32>
    %add3A_504 = vector.broadcast %slice3A_502 : vector<1x128xf32> to vector<512x128xf32>
    %add3A_505 = arith.addf %add3A_503, %add3A_504 : vector<512x128xf32>
    %slice3A_506 = vector.extract_strided_slice %dot_general3A_476 {offsets = [0, 256], sizes = [512, 128], strides = [1, 1]} : vector<512x512xf32> to vector<512x128xf32>
    %add3A_507 = arith.addf %add3A_505, %slice3A_506 : vector<512x128xf32>
    %lt3A_508 = arith.cmpf olt, %add3A_507, %min3A_498 : vector<512x128xf32>
    %min3A_509 = arith.minimumf %add3A_507, %min3A_498 : vector<512x128xf32>
    %jit3A_510 = arith.constant 38 : i32
    %broadcast_in_dim3A_511 = vector.broadcast %jit3A_510 : i32 to vector<512x128xi32>
    %select_n3A_512 = arith.select %lt3A_508, %broadcast_in_dim3A_511, %select_n3A_501 : vector<512x128xi1>, vector<512x128xi32>
    %slice3A_513 = vector.extract_strided_slice %get3A_479 {offsets = [0, 384], sizes = [1, 128], strides = [1, 1]} : vector<1x512xf32> to vector<1x128xf32>
    %add3A_514 = vector.broadcast %slice3A_5 : vector<512x1xf32> to vector<512x128xf32>
    %add3A_515 = vector.broadcast %slice3A_513 : vector<1x128xf32> to vector<512x128xf32>
    %add3A_516 = arith.addf %add3A_514, %add3A_515 : vector<512x128xf32>
    %slice3A_517 = vector.extract_strided_slice %dot_general3A_476 {offsets = [0, 384], sizes = [512, 128], strides = [1, 1]} : vector<512x512xf32> to vector<512x128xf32>
    %add3A_518 = arith.addf %add3A_516, %slice3A_517 : vector<512x128xf32>
    %lt3A_519 = arith.cmpf olt, %add3A_518, %min3A_509 : vector<512x128xf32>
    %min3A_520 = arith.minimumf %add3A_518, %min3A_509 : vector<512x128xf32>
    %jit3A_521 = arith.constant 39 : i32
    %broadcast_in_dim3A_522 = vector.broadcast %jit3A_521 : i32 to vector<512x128xi32>
    %select_n3A_523 = arith.select %lt3A_519, %broadcast_in_dim3A_522, %select_n3A_512 : vector<512x128xi1>, vector<512x128xi32>
    %get3A_524 = arith.constant 0 : index
    %get3A_525 = arith.constant 5120 : index
    %get3A_526 = vector.load %arg4[%get3A_524, %get3A_525] : memref<64x8192xf32, #tpu.memory_space<vmem>>, vector<64x512xf32>
    %dot_general3A_527 = arith.constant dense<0.000000e+00> : vector<512x512xf32>
    %dot_general3A_528 = tpu.matmul %slice3A, %get3A_526, %dot_general3A_527 {dimension_numbers = #tpu.dot_dimension_numbers<[1], [0], [0], [1], [0, 0, 1, 1], [], []>, transpose_lhs_hint = false} : vector<512x64xf32>, vector<64x512xf32>, vector<512x512xf32> -> vector<512x512xf32>
    %get3A_529 = arith.constant 0 : index
    %get3A_530 = arith.constant 5120 : index
    %get3A_531 = vector.load %arg5[%get3A_529, %get3A_530] : memref<8x8192xf32, #tpu.memory_space<vmem>>, vector<1x512xf32>
    %slice3A_532 = vector.extract_strided_slice %get3A_531 {offsets = [0, 0], sizes = [1, 128], strides = [1, 1]} : vector<1x512xf32> to vector<1x128xf32>
    %add3A_533 = vector.broadcast %slice3A_5 : vector<512x1xf32> to vector<512x128xf32>
    %add3A_534 = vector.broadcast %slice3A_532 : vector<1x128xf32> to vector<512x128xf32>
    %add3A_535 = arith.addf %add3A_533, %add3A_534 : vector<512x128xf32>
    %slice3A_536 = vector.extract_strided_slice %dot_general3A_528 {offsets = [0, 0], sizes = [512, 128], strides = [1, 1]} : vector<512x512xf32> to vector<512x128xf32>
    %add3A_537 = arith.addf %add3A_535, %slice3A_536 : vector<512x128xf32>
    %lt3A_538 = arith.cmpf olt, %add3A_537, %min3A_520 : vector<512x128xf32>
    %min3A_539 = arith.minimumf %add3A_537, %min3A_520 : vector<512x128xf32>
    %jit3A_540 = arith.constant 40 : i32
    %broadcast_in_dim3A_541 = vector.broadcast %jit3A_540 : i32 to vector<512x128xi32>
    %select_n3A_542 = arith.select %lt3A_538, %broadcast_in_dim3A_541, %select_n3A_523 : vector<512x128xi1>, vector<512x128xi32>
    %slice3A_543 = vector.extract_strided_slice %get3A_531 {offsets = [0, 128], sizes = [1, 128], strides = [1, 1]} : vector<1x512xf32> to vector<1x128xf32>
    %add3A_544 = vector.broadcast %slice3A_5 : vector<512x1xf32> to vector<512x128xf32>
    %add3A_545 = vector.broadcast %slice3A_543 : vector<1x128xf32> to vector<512x128xf32>
    %add3A_546 = arith.addf %add3A_544, %add3A_545 : vector<512x128xf32>
    %slice3A_547 = vector.extract_strided_slice %dot_general3A_528 {offsets = [0, 128], sizes = [512, 128], strides = [1, 1]} : vector<512x512xf32> to vector<512x128xf32>
    %add3A_548 = arith.addf %add3A_546, %slice3A_547 : vector<512x128xf32>
    %lt3A_549 = arith.cmpf olt, %add3A_548, %min3A_539 : vector<512x128xf32>
    %min3A_550 = arith.minimumf %add3A_548, %min3A_539 : vector<512x128xf32>
    %jit3A_551 = arith.constant 41 : i32
    %broadcast_in_dim3A_552 = vector.broadcast %jit3A_551 : i32 to vector<512x128xi32>
    %select_n3A_553 = arith.select %lt3A_549, %broadcast_in_dim3A_552, %select_n3A_542 : vector<512x128xi1>, vector<512x128xi32>
    %slice3A_554 = vector.extract_strided_slice %get3A_531 {offsets = [0, 256], sizes = [1, 128], strides = [1, 1]} : vector<1x512xf32> to vector<1x128xf32>
    %add3A_555 = vector.broadcast %slice3A_5 : vector<512x1xf32> to vector<512x128xf32>
    %add3A_556 = vector.broadcast %slice3A_554 : vector<1x128xf32> to vector<512x128xf32>
    %add3A_557 = arith.addf %add3A_555, %add3A_556 : vector<512x128xf32>
    %slice3A_558 = vector.extract_strided_slice %dot_general3A_528 {offsets = [0, 256], sizes = [512, 128], strides = [1, 1]} : vector<512x512xf32> to vector<512x128xf32>
    %add3A_559 = arith.addf %add3A_557, %slice3A_558 : vector<512x128xf32>
    %lt3A_560 = arith.cmpf olt, %add3A_559, %min3A_550 : vector<512x128xf32>
    %min3A_561 = arith.minimumf %add3A_559, %min3A_550 : vector<512x128xf32>
    %jit3A_562 = arith.constant 42 : i32
    %broadcast_in_dim3A_563 = vector.broadcast %jit3A_562 : i32 to vector<512x128xi32>
    %select_n3A_564 = arith.select %lt3A_560, %broadcast_in_dim3A_563, %select_n3A_553 : vector<512x128xi1>, vector<512x128xi32>
    %slice3A_565 = vector.extract_strided_slice %get3A_531 {offsets = [0, 384], sizes = [1, 128], strides = [1, 1]} : vector<1x512xf32> to vector<1x128xf32>
    %add3A_566 = vector.broadcast %slice3A_5 : vector<512x1xf32> to vector<512x128xf32>
    %add3A_567 = vector.broadcast %slice3A_565 : vector<1x128xf32> to vector<512x128xf32>
    %add3A_568 = arith.addf %add3A_566, %add3A_567 : vector<512x128xf32>
    %slice3A_569 = vector.extract_strided_slice %dot_general3A_528 {offsets = [0, 384], sizes = [512, 128], strides = [1, 1]} : vector<512x512xf32> to vector<512x128xf32>
    %add3A_570 = arith.addf %add3A_568, %slice3A_569 : vector<512x128xf32>
    %lt3A_571 = arith.cmpf olt, %add3A_570, %min3A_561 : vector<512x128xf32>
    %min3A_572 = arith.minimumf %add3A_570, %min3A_561 : vector<512x128xf32>
    %jit3A_573 = arith.constant 43 : i32
    %broadcast_in_dim3A_574 = vector.broadcast %jit3A_573 : i32 to vector<512x128xi32>
    %select_n3A_575 = arith.select %lt3A_571, %broadcast_in_dim3A_574, %select_n3A_564 : vector<512x128xi1>, vector<512x128xi32>
    %get3A_576 = arith.constant 0 : index
    %get3A_577 = arith.constant 5632 : index
    %get3A_578 = vector.load %arg4[%get3A_576, %get3A_577] : memref<64x8192xf32, #tpu.memory_space<vmem>>, vector<64x512xf32>
    %dot_general3A_579 = arith.constant dense<0.000000e+00> : vector<512x512xf32>
    %dot_general3A_580 = tpu.matmul %slice3A, %get3A_578, %dot_general3A_579 {dimension_numbers = #tpu.dot_dimension_numbers<[1], [0], [0], [1], [0, 0, 1, 1], [], []>, transpose_lhs_hint = false} : vector<512x64xf32>, vector<64x512xf32>, vector<512x512xf32> -> vector<512x512xf32>
    %get3A_581 = arith.constant 0 : index
    %get3A_582 = arith.constant 5632 : index
    %get3A_583 = vector.load %arg5[%get3A_581, %get3A_582] : memref<8x8192xf32, #tpu.memory_space<vmem>>, vector<1x512xf32>
    %slice3A_584 = vector.extract_strided_slice %get3A_583 {offsets = [0, 0], sizes = [1, 128], strides = [1, 1]} : vector<1x512xf32> to vector<1x128xf32>
    %add3A_585 = vector.broadcast %slice3A_5 : vector<512x1xf32> to vector<512x128xf32>
    %add3A_586 = vector.broadcast %slice3A_584 : vector<1x128xf32> to vector<512x128xf32>
    %add3A_587 = arith.addf %add3A_585, %add3A_586 : vector<512x128xf32>
    %slice3A_588 = vector.extract_strided_slice %dot_general3A_580 {offsets = [0, 0], sizes = [512, 128], strides = [1, 1]} : vector<512x512xf32> to vector<512x128xf32>
    %add3A_589 = arith.addf %add3A_587, %slice3A_588 : vector<512x128xf32>
    %lt3A_590 = arith.cmpf olt, %add3A_589, %min3A_572 : vector<512x128xf32>
    %min3A_591 = arith.minimumf %add3A_589, %min3A_572 : vector<512x128xf32>
    %jit3A_592 = arith.constant 44 : i32
    %broadcast_in_dim3A_593 = vector.broadcast %jit3A_592 : i32 to vector<512x128xi32>
    %select_n3A_594 = arith.select %lt3A_590, %broadcast_in_dim3A_593, %select_n3A_575 : vector<512x128xi1>, vector<512x128xi32>
    %slice3A_595 = vector.extract_strided_slice %get3A_583 {offsets = [0, 128], sizes = [1, 128], strides = [1, 1]} : vector<1x512xf32> to vector<1x128xf32>
    %add3A_596 = vector.broadcast %slice3A_5 : vector<512x1xf32> to vector<512x128xf32>
    %add3A_597 = vector.broadcast %slice3A_595 : vector<1x128xf32> to vector<512x128xf32>
    %add3A_598 = arith.addf %add3A_596, %add3A_597 : vector<512x128xf32>
    %slice3A_599 = vector.extract_strided_slice %dot_general3A_580 {offsets = [0, 128], sizes = [512, 128], strides = [1, 1]} : vector<512x512xf32> to vector<512x128xf32>
    %add3A_600 = arith.addf %add3A_598, %slice3A_599 : vector<512x128xf32>
    %lt3A_601 = arith.cmpf olt, %add3A_600, %min3A_591 : vector<512x128xf32>
    %min3A_602 = arith.minimumf %add3A_600, %min3A_591 : vector<512x128xf32>
    %jit3A_603 = arith.constant 45 : i32
    %broadcast_in_dim3A_604 = vector.broadcast %jit3A_603 : i32 to vector<512x128xi32>
    %select_n3A_605 = arith.select %lt3A_601, %broadcast_in_dim3A_604, %select_n3A_594 : vector<512x128xi1>, vector<512x128xi32>
    %slice3A_606 = vector.extract_strided_slice %get3A_583 {offsets = [0, 256], sizes = [1, 128], strides = [1, 1]} : vector<1x512xf32> to vector<1x128xf32>
    %add3A_607 = vector.broadcast %slice3A_5 : vector<512x1xf32> to vector<512x128xf32>
    %add3A_608 = vector.broadcast %slice3A_606 : vector<1x128xf32> to vector<512x128xf32>
    %add3A_609 = arith.addf %add3A_607, %add3A_608 : vector<512x128xf32>
    %slice3A_610 = vector.extract_strided_slice %dot_general3A_580 {offsets = [0, 256], sizes = [512, 128], strides = [1, 1]} : vector<512x512xf32> to vector<512x128xf32>
    %add3A_611 = arith.addf %add3A_609, %slice3A_610 : vector<512x128xf32>
    %lt3A_612 = arith.cmpf olt, %add3A_611, %min3A_602 : vector<512x128xf32>
    %min3A_613 = arith.minimumf %add3A_611, %min3A_602 : vector<512x128xf32>
    %jit3A_614 = arith.constant 46 : i32
    %broadcast_in_dim3A_615 = vector.broadcast %jit3A_614 : i32 to vector<512x128xi32>
    %select_n3A_616 = arith.select %lt3A_612, %broadcast_in_dim3A_615, %select_n3A_605 : vector<512x128xi1>, vector<512x128xi32>
    %slice3A_617 = vector.extract_strided_slice %get3A_583 {offsets = [0, 384], sizes = [1, 128], strides = [1, 1]} : vector<1x512xf32> to vector<1x128xf32>
    %add3A_618 = vector.broadcast %slice3A_5 : vector<512x1xf32> to vector<512x128xf32>
    %add3A_619 = vector.broadcast %slice3A_617 : vector<1x128xf32> to vector<512x128xf32>
    %add3A_620 = arith.addf %add3A_618, %add3A_619 : vector<512x128xf32>
    %slice3A_621 = vector.extract_strided_slice %dot_general3A_580 {offsets = [0, 384], sizes = [512, 128], strides = [1, 1]} : vector<512x512xf32> to vector<512x128xf32>
    %add3A_622 = arith.addf %add3A_620, %slice3A_621 : vector<512x128xf32>
    %lt3A_623 = arith.cmpf olt, %add3A_622, %min3A_613 : vector<512x128xf32>
    %min3A_624 = arith.minimumf %add3A_622, %min3A_613 : vector<512x128xf32>
    %jit3A_625 = arith.constant 47 : i32
    %broadcast_in_dim3A_626 = vector.broadcast %jit3A_625 : i32 to vector<512x128xi32>
    %select_n3A_627 = arith.select %lt3A_623, %broadcast_in_dim3A_626, %select_n3A_616 : vector<512x128xi1>, vector<512x128xi32>
    %get3A_628 = arith.constant 0 : index
    %get3A_629 = arith.constant 6144 : index
    %get3A_630 = vector.load %arg4[%get3A_628, %get3A_629] : memref<64x8192xf32, #tpu.memory_space<vmem>>, vector<64x512xf32>
    %dot_general3A_631 = arith.constant dense<0.000000e+00> : vector<512x512xf32>
    %dot_general3A_632 = tpu.matmul %slice3A, %get3A_630, %dot_general3A_631 {dimension_numbers = #tpu.dot_dimension_numbers<[1], [0], [0], [1], [0, 0, 1, 1], [], []>, transpose_lhs_hint = false} : vector<512x64xf32>, vector<64x512xf32>, vector<512x512xf32> -> vector<512x512xf32>
    %get3A_633 = arith.constant 0 : index
    %get3A_634 = arith.constant 6144 : index
    %get3A_635 = vector.load %arg5[%get3A_633, %get3A_634] : memref<8x8192xf32, #tpu.memory_space<vmem>>, vector<1x512xf32>
    %slice3A_636 = vector.extract_strided_slice %get3A_635 {offsets = [0, 0], sizes = [1, 128], strides = [1, 1]} : vector<1x512xf32> to vector<1x128xf32>
    %add3A_637 = vector.broadcast %slice3A_5 : vector<512x1xf32> to vector<512x128xf32>
    %add3A_638 = vector.broadcast %slice3A_636 : vector<1x128xf32> to vector<512x128xf32>
    %add3A_639 = arith.addf %add3A_637, %add3A_638 : vector<512x128xf32>
    %slice3A_640 = vector.extract_strided_slice %dot_general3A_632 {offsets = [0, 0], sizes = [512, 128], strides = [1, 1]} : vector<512x512xf32> to vector<512x128xf32>
    %add3A_641 = arith.addf %add3A_639, %slice3A_640 : vector<512x128xf32>
    %lt3A_642 = arith.cmpf olt, %add3A_641, %min3A_624 : vector<512x128xf32>
    %min3A_643 = arith.minimumf %add3A_641, %min3A_624 : vector<512x128xf32>
    %jit3A_644 = arith.constant 48 : i32
    %broadcast_in_dim3A_645 = vector.broadcast %jit3A_644 : i32 to vector<512x128xi32>
    %select_n3A_646 = arith.select %lt3A_642, %broadcast_in_dim3A_645, %select_n3A_627 : vector<512x128xi1>, vector<512x128xi32>
    %slice3A_647 = vector.extract_strided_slice %get3A_635 {offsets = [0, 128], sizes = [1, 128], strides = [1, 1]} : vector<1x512xf32> to vector<1x128xf32>
    %add3A_648 = vector.broadcast %slice3A_5 : vector<512x1xf32> to vector<512x128xf32>
    %add3A_649 = vector.broadcast %slice3A_647 : vector<1x128xf32> to vector<512x128xf32>
    %add3A_650 = arith.addf %add3A_648, %add3A_649 : vector<512x128xf32>
    %slice3A_651 = vector.extract_strided_slice %dot_general3A_632 {offsets = [0, 128], sizes = [512, 128], strides = [1, 1]} : vector<512x512xf32> to vector<512x128xf32>
    %add3A_652 = arith.addf %add3A_650, %slice3A_651 : vector<512x128xf32>
    %lt3A_653 = arith.cmpf olt, %add3A_652, %min3A_643 : vector<512x128xf32>
    %min3A_654 = arith.minimumf %add3A_652, %min3A_643 : vector<512x128xf32>
    %jit3A_655 = arith.constant 49 : i32
    %broadcast_in_dim3A_656 = vector.broadcast %jit3A_655 : i32 to vector<512x128xi32>
    %select_n3A_657 = arith.select %lt3A_653, %broadcast_in_dim3A_656, %select_n3A_646 : vector<512x128xi1>, vector<512x128xi32>
    %slice3A_658 = vector.extract_strided_slice %get3A_635 {offsets = [0, 256], sizes = [1, 128], strides = [1, 1]} : vector<1x512xf32> to vector<1x128xf32>
    %add3A_659 = vector.broadcast %slice3A_5 : vector<512x1xf32> to vector<512x128xf32>
    %add3A_660 = vector.broadcast %slice3A_658 : vector<1x128xf32> to vector<512x128xf32>
    %add3A_661 = arith.addf %add3A_659, %add3A_660 : vector<512x128xf32>
    %slice3A_662 = vector.extract_strided_slice %dot_general3A_632 {offsets = [0, 256], sizes = [512, 128], strides = [1, 1]} : vector<512x512xf32> to vector<512x128xf32>
    %add3A_663 = arith.addf %add3A_661, %slice3A_662 : vector<512x128xf32>
    %lt3A_664 = arith.cmpf olt, %add3A_663, %min3A_654 : vector<512x128xf32>
    %min3A_665 = arith.minimumf %add3A_663, %min3A_654 : vector<512x128xf32>
    %jit3A_666 = arith.constant 50 : i32
    %broadcast_in_dim3A_667 = vector.broadcast %jit3A_666 : i32 to vector<512x128xi32>
    %select_n3A_668 = arith.select %lt3A_664, %broadcast_in_dim3A_667, %select_n3A_657 : vector<512x128xi1>, vector<512x128xi32>
    %slice3A_669 = vector.extract_strided_slice %get3A_635 {offsets = [0, 384], sizes = [1, 128], strides = [1, 1]} : vector<1x512xf32> to vector<1x128xf32>
    %add3A_670 = vector.broadcast %slice3A_5 : vector<512x1xf32> to vector<512x128xf32>
    %add3A_671 = vector.broadcast %slice3A_669 : vector<1x128xf32> to vector<512x128xf32>
    %add3A_672 = arith.addf %add3A_670, %add3A_671 : vector<512x128xf32>
    %slice3A_673 = vector.extract_strided_slice %dot_general3A_632 {offsets = [0, 384], sizes = [512, 128], strides = [1, 1]} : vector<512x512xf32> to vector<512x128xf32>
    %add3A_674 = arith.addf %add3A_672, %slice3A_673 : vector<512x128xf32>
    %lt3A_675 = arith.cmpf olt, %add3A_674, %min3A_665 : vector<512x128xf32>
    %min3A_676 = arith.minimumf %add3A_674, %min3A_665 : vector<512x128xf32>
    %jit3A_677 = arith.constant 51 : i32
    %broadcast_in_dim3A_678 = vector.broadcast %jit3A_677 : i32 to vector<512x128xi32>
    %select_n3A_679 = arith.select %lt3A_675, %broadcast_in_dim3A_678, %select_n3A_668 : vector<512x128xi1>, vector<512x128xi32>
    %get3A_680 = arith.constant 0 : index
    %get3A_681 = arith.constant 6656 : index
    %get3A_682 = vector.load %arg4[%get3A_680, %get3A_681] : memref<64x8192xf32, #tpu.memory_space<vmem>>, vector<64x512xf32>
    %dot_general3A_683 = arith.constant dense<0.000000e+00> : vector<512x512xf32>
    %dot_general3A_684 = tpu.matmul %slice3A, %get3A_682, %dot_general3A_683 {dimension_numbers = #tpu.dot_dimension_numbers<[1], [0], [0], [1], [0, 0, 1, 1], [], []>, transpose_lhs_hint = false} : vector<512x64xf32>, vector<64x512xf32>, vector<512x512xf32> -> vector<512x512xf32>
    %get3A_685 = arith.constant 0 : index
    %get3A_686 = arith.constant 6656 : index
    %get3A_687 = vector.load %arg5[%get3A_685, %get3A_686] : memref<8x8192xf32, #tpu.memory_space<vmem>>, vector<1x512xf32>
    %slice3A_688 = vector.extract_strided_slice %get3A_687 {offsets = [0, 0], sizes = [1, 128], strides = [1, 1]} : vector<1x512xf32> to vector<1x128xf32>
    %add3A_689 = vector.broadcast %slice3A_5 : vector<512x1xf32> to vector<512x128xf32>
    %add3A_690 = vector.broadcast %slice3A_688 : vector<1x128xf32> to vector<512x128xf32>
    %add3A_691 = arith.addf %add3A_689, %add3A_690 : vector<512x128xf32>
    %slice3A_692 = vector.extract_strided_slice %dot_general3A_684 {offsets = [0, 0], sizes = [512, 128], strides = [1, 1]} : vector<512x512xf32> to vector<512x128xf32>
    %add3A_693 = arith.addf %add3A_691, %slice3A_692 : vector<512x128xf32>
    %lt3A_694 = arith.cmpf olt, %add3A_693, %min3A_676 : vector<512x128xf32>
    %min3A_695 = arith.minimumf %add3A_693, %min3A_676 : vector<512x128xf32>
    %jit3A_696 = arith.constant 52 : i32
    %broadcast_in_dim3A_697 = vector.broadcast %jit3A_696 : i32 to vector<512x128xi32>
    %select_n3A_698 = arith.select %lt3A_694, %broadcast_in_dim3A_697, %select_n3A_679 : vector<512x128xi1>, vector<512x128xi32>
    %slice3A_699 = vector.extract_strided_slice %get3A_687 {offsets = [0, 128], sizes = [1, 128], strides = [1, 1]} : vector<1x512xf32> to vector<1x128xf32>
    %add3A_700 = vector.broadcast %slice3A_5 : vector<512x1xf32> to vector<512x128xf32>
    %add3A_701 = vector.broadcast %slice3A_699 : vector<1x128xf32> to vector<512x128xf32>
    %add3A_702 = arith.addf %add3A_700, %add3A_701 : vector<512x128xf32>
    %slice3A_703 = vector.extract_strided_slice %dot_general3A_684 {offsets = [0, 128], sizes = [512, 128], strides = [1, 1]} : vector<512x512xf32> to vector<512x128xf32>
    %add3A_704 = arith.addf %add3A_702, %slice3A_703 : vector<512x128xf32>
    %lt3A_705 = arith.cmpf olt, %add3A_704, %min3A_695 : vector<512x128xf32>
    %min3A_706 = arith.minimumf %add3A_704, %min3A_695 : vector<512x128xf32>
    %jit3A_707 = arith.constant 53 : i32
    %broadcast_in_dim3A_708 = vector.broadcast %jit3A_707 : i32 to vector<512x128xi32>
    %select_n3A_709 = arith.select %lt3A_705, %broadcast_in_dim3A_708, %select_n3A_698 : vector<512x128xi1>, vector<512x128xi32>
    %slice3A_710 = vector.extract_strided_slice %get3A_687 {offsets = [0, 256], sizes = [1, 128], strides = [1, 1]} : vector<1x512xf32> to vector<1x128xf32>
    %add3A_711 = vector.broadcast %slice3A_5 : vector<512x1xf32> to vector<512x128xf32>
    %add3A_712 = vector.broadcast %slice3A_710 : vector<1x128xf32> to vector<512x128xf32>
    %add3A_713 = arith.addf %add3A_711, %add3A_712 : vector<512x128xf32>
    %slice3A_714 = vector.extract_strided_slice %dot_general3A_684 {offsets = [0, 256], sizes = [512, 128], strides = [1, 1]} : vector<512x512xf32> to vector<512x128xf32>
    %add3A_715 = arith.addf %add3A_713, %slice3A_714 : vector<512x128xf32>
    %lt3A_716 = arith.cmpf olt, %add3A_715, %min3A_706 : vector<512x128xf32>
    %min3A_717 = arith.minimumf %add3A_715, %min3A_706 : vector<512x128xf32>
    %jit3A_718 = arith.constant 54 : i32
    %broadcast_in_dim3A_719 = vector.broadcast %jit3A_718 : i32 to vector<512x128xi32>
    %select_n3A_720 = arith.select %lt3A_716, %broadcast_in_dim3A_719, %select_n3A_709 : vector<512x128xi1>, vector<512x128xi32>
    %slice3A_721 = vector.extract_strided_slice %get3A_687 {offsets = [0, 384], sizes = [1, 128], strides = [1, 1]} : vector<1x512xf32> to vector<1x128xf32>
    %add3A_722 = vector.broadcast %slice3A_5 : vector<512x1xf32> to vector<512x128xf32>
    %add3A_723 = vector.broadcast %slice3A_721 : vector<1x128xf32> to vector<512x128xf32>
    %add3A_724 = arith.addf %add3A_722, %add3A_723 : vector<512x128xf32>
    %slice3A_725 = vector.extract_strided_slice %dot_general3A_684 {offsets = [0, 384], sizes = [512, 128], strides = [1, 1]} : vector<512x512xf32> to vector<512x128xf32>
    %add3A_726 = arith.addf %add3A_724, %slice3A_725 : vector<512x128xf32>
    %lt3A_727 = arith.cmpf olt, %add3A_726, %min3A_717 : vector<512x128xf32>
    %min3A_728 = arith.minimumf %add3A_726, %min3A_717 : vector<512x128xf32>
    %jit3A_729 = arith.constant 55 : i32
    %broadcast_in_dim3A_730 = vector.broadcast %jit3A_729 : i32 to vector<512x128xi32>
    %select_n3A_731 = arith.select %lt3A_727, %broadcast_in_dim3A_730, %select_n3A_720 : vector<512x128xi1>, vector<512x128xi32>
    %get3A_732 = arith.constant 0 : index
    %get3A_733 = arith.constant 7168 : index
    %get3A_734 = vector.load %arg4[%get3A_732, %get3A_733] : memref<64x8192xf32, #tpu.memory_space<vmem>>, vector<64x512xf32>
    %dot_general3A_735 = arith.constant dense<0.000000e+00> : vector<512x512xf32>
    %dot_general3A_736 = tpu.matmul %slice3A, %get3A_734, %dot_general3A_735 {dimension_numbers = #tpu.dot_dimension_numbers<[1], [0], [0], [1], [0, 0, 1, 1], [], []>, transpose_lhs_hint = false} : vector<512x64xf32>, vector<64x512xf32>, vector<512x512xf32> -> vector<512x512xf32>
    %get3A_737 = arith.constant 0 : index
    %get3A_738 = arith.constant 7168 : index
    %get3A_739 = vector.load %arg5[%get3A_737, %get3A_738] : memref<8x8192xf32, #tpu.memory_space<vmem>>, vector<1x512xf32>
    %slice3A_740 = vector.extract_strided_slice %get3A_739 {offsets = [0, 0], sizes = [1, 128], strides = [1, 1]} : vector<1x512xf32> to vector<1x128xf32>
    %add3A_741 = vector.broadcast %slice3A_5 : vector<512x1xf32> to vector<512x128xf32>
    %add3A_742 = vector.broadcast %slice3A_740 : vector<1x128xf32> to vector<512x128xf32>
    %add3A_743 = arith.addf %add3A_741, %add3A_742 : vector<512x128xf32>
    %slice3A_744 = vector.extract_strided_slice %dot_general3A_736 {offsets = [0, 0], sizes = [512, 128], strides = [1, 1]} : vector<512x512xf32> to vector<512x128xf32>
    %add3A_745 = arith.addf %add3A_743, %slice3A_744 : vector<512x128xf32>
    %lt3A_746 = arith.cmpf olt, %add3A_745, %min3A_728 : vector<512x128xf32>
    %min3A_747 = arith.minimumf %add3A_745, %min3A_728 : vector<512x128xf32>
    %jit3A_748 = arith.constant 56 : i32
    %broadcast_in_dim3A_749 = vector.broadcast %jit3A_748 : i32 to vector<512x128xi32>
    %select_n3A_750 = arith.select %lt3A_746, %broadcast_in_dim3A_749, %select_n3A_731 : vector<512x128xi1>, vector<512x128xi32>
    %slice3A_751 = vector.extract_strided_slice %get3A_739 {offsets = [0, 128], sizes = [1, 128], strides = [1, 1]} : vector<1x512xf32> to vector<1x128xf32>
    %add3A_752 = vector.broadcast %slice3A_5 : vector<512x1xf32> to vector<512x128xf32>
    %add3A_753 = vector.broadcast %slice3A_751 : vector<1x128xf32> to vector<512x128xf32>
    %add3A_754 = arith.addf %add3A_752, %add3A_753 : vector<512x128xf32>
    %slice3A_755 = vector.extract_strided_slice %dot_general3A_736 {offsets = [0, 128], sizes = [512, 128], strides = [1, 1]} : vector<512x512xf32> to vector<512x128xf32>
    %add3A_756 = arith.addf %add3A_754, %slice3A_755 : vector<512x128xf32>
    %lt3A_757 = arith.cmpf olt, %add3A_756, %min3A_747 : vector<512x128xf32>
    %min3A_758 = arith.minimumf %add3A_756, %min3A_747 : vector<512x128xf32>
    %jit3A_759 = arith.constant 57 : i32
    %broadcast_in_dim3A_760 = vector.broadcast %jit3A_759 : i32 to vector<512x128xi32>
    %select_n3A_761 = arith.select %lt3A_757, %broadcast_in_dim3A_760, %select_n3A_750 : vector<512x128xi1>, vector<512x128xi32>
    %slice3A_762 = vector.extract_strided_slice %get3A_739 {offsets = [0, 256], sizes = [1, 128], strides = [1, 1]} : vector<1x512xf32> to vector<1x128xf32>
    %add3A_763 = vector.broadcast %slice3A_5 : vector<512x1xf32> to vector<512x128xf32>
    %add3A_764 = vector.broadcast %slice3A_762 : vector<1x128xf32> to vector<512x128xf32>
    %add3A_765 = arith.addf %add3A_763, %add3A_764 : vector<512x128xf32>
    %slice3A_766 = vector.extract_strided_slice %dot_general3A_736 {offsets = [0, 256], sizes = [512, 128], strides = [1, 1]} : vector<512x512xf32> to vector<512x128xf32>
    %add3A_767 = arith.addf %add3A_765, %slice3A_766 : vector<512x128xf32>
    %lt3A_768 = arith.cmpf olt, %add3A_767, %min3A_758 : vector<512x128xf32>
    %min3A_769 = arith.minimumf %add3A_767, %min3A_758 : vector<512x128xf32>
    %jit3A_770 = arith.constant 58 : i32
    %broadcast_in_dim3A_771 = vector.broadcast %jit3A_770 : i32 to vector<512x128xi32>
    %select_n3A_772 = arith.select %lt3A_768, %broadcast_in_dim3A_771, %select_n3A_761 : vector<512x128xi1>, vector<512x128xi32>
    %slice3A_773 = vector.extract_strided_slice %get3A_739 {offsets = [0, 384], sizes = [1, 128], strides = [1, 1]} : vector<1x512xf32> to vector<1x128xf32>
    %add3A_774 = vector.broadcast %slice3A_5 : vector<512x1xf32> to vector<512x128xf32>
    %add3A_775 = vector.broadcast %slice3A_773 : vector<1x128xf32> to vector<512x128xf32>
    %add3A_776 = arith.addf %add3A_774, %add3A_775 : vector<512x128xf32>
    %slice3A_777 = vector.extract_strided_slice %dot_general3A_736 {offsets = [0, 384], sizes = [512, 128], strides = [1, 1]} : vector<512x512xf32> to vector<512x128xf32>
    %add3A_778 = arith.addf %add3A_776, %slice3A_777 : vector<512x128xf32>
    %lt3A_779 = arith.cmpf olt, %add3A_778, %min3A_769 : vector<512x128xf32>
    %min3A_780 = arith.minimumf %add3A_778, %min3A_769 : vector<512x128xf32>
    %jit3A_781 = arith.constant 59 : i32
    %broadcast_in_dim3A_782 = vector.broadcast %jit3A_781 : i32 to vector<512x128xi32>
    %select_n3A_783 = arith.select %lt3A_779, %broadcast_in_dim3A_782, %select_n3A_772 : vector<512x128xi1>, vector<512x128xi32>
    %get3A_784 = arith.constant 0 : index
    %get3A_785 = arith.constant 7680 : index
    %get3A_786 = vector.load %arg4[%get3A_784, %get3A_785] : memref<64x8192xf32, #tpu.memory_space<vmem>>, vector<64x512xf32>
    %dot_general3A_787 = arith.constant dense<0.000000e+00> : vector<512x512xf32>
    %dot_general3A_788 = tpu.matmul %slice3A, %get3A_786, %dot_general3A_787 {dimension_numbers = #tpu.dot_dimension_numbers<[1], [0], [0], [1], [0, 0, 1, 1], [], []>, transpose_lhs_hint = false} : vector<512x64xf32>, vector<64x512xf32>, vector<512x512xf32> -> vector<512x512xf32>
    %get3A_789 = arith.constant 0 : index
    %get3A_790 = arith.constant 7680 : index
    %get3A_791 = vector.load %arg5[%get3A_789, %get3A_790] : memref<8x8192xf32, #tpu.memory_space<vmem>>, vector<1x512xf32>
    %slice3A_792 = vector.extract_strided_slice %get3A_791 {offsets = [0, 0], sizes = [1, 128], strides = [1, 1]} : vector<1x512xf32> to vector<1x128xf32>
    %add3A_793 = vector.broadcast %slice3A_5 : vector<512x1xf32> to vector<512x128xf32>
    %add3A_794 = vector.broadcast %slice3A_792 : vector<1x128xf32> to vector<512x128xf32>
    %add3A_795 = arith.addf %add3A_793, %add3A_794 : vector<512x128xf32>
    %slice3A_796 = vector.extract_strided_slice %dot_general3A_788 {offsets = [0, 0], sizes = [512, 128], strides = [1, 1]} : vector<512x512xf32> to vector<512x128xf32>
    %add3A_797 = arith.addf %add3A_795, %slice3A_796 : vector<512x128xf32>
    %lt3A_798 = arith.cmpf olt, %add3A_797, %min3A_780 : vector<512x128xf32>
    %min3A_799 = arith.minimumf %add3A_797, %min3A_780 : vector<512x128xf32>
    %jit3A_800 = arith.constant 60 : i32
    %broadcast_in_dim3A_801 = vector.broadcast %jit3A_800 : i32 to vector<512x128xi32>
    %select_n3A_802 = arith.select %lt3A_798, %broadcast_in_dim3A_801, %select_n3A_783 : vector<512x128xi1>, vector<512x128xi32>
    %slice3A_803 = vector.extract_strided_slice %get3A_791 {offsets = [0, 128], sizes = [1, 128], strides = [1, 1]} : vector<1x512xf32> to vector<1x128xf32>
    %add3A_804 = vector.broadcast %slice3A_5 : vector<512x1xf32> to vector<512x128xf32>
    %add3A_805 = vector.broadcast %slice3A_803 : vector<1x128xf32> to vector<512x128xf32>
    %add3A_806 = arith.addf %add3A_804, %add3A_805 : vector<512x128xf32>
    %slice3A_807 = vector.extract_strided_slice %dot_general3A_788 {offsets = [0, 128], sizes = [512, 128], strides = [1, 1]} : vector<512x512xf32> to vector<512x128xf32>
    %add3A_808 = arith.addf %add3A_806, %slice3A_807 : vector<512x128xf32>
    %lt3A_809 = arith.cmpf olt, %add3A_808, %min3A_799 : vector<512x128xf32>
    %min3A_810 = arith.minimumf %add3A_808, %min3A_799 : vector<512x128xf32>
    %jit3A_811 = arith.constant 61 : i32
    %broadcast_in_dim3A_812 = vector.broadcast %jit3A_811 : i32 to vector<512x128xi32>
    %select_n3A_813 = arith.select %lt3A_809, %broadcast_in_dim3A_812, %select_n3A_802 : vector<512x128xi1>, vector<512x128xi32>
    %slice3A_814 = vector.extract_strided_slice %get3A_791 {offsets = [0, 256], sizes = [1, 128], strides = [1, 1]} : vector<1x512xf32> to vector<1x128xf32>
    %add3A_815 = vector.broadcast %slice3A_5 : vector<512x1xf32> to vector<512x128xf32>
    %add3A_816 = vector.broadcast %slice3A_814 : vector<1x128xf32> to vector<512x128xf32>
    %add3A_817 = arith.addf %add3A_815, %add3A_816 : vector<512x128xf32>
    %slice3A_818 = vector.extract_strided_slice %dot_general3A_788 {offsets = [0, 256], sizes = [512, 128], strides = [1, 1]} : vector<512x512xf32> to vector<512x128xf32>
    %add3A_819 = arith.addf %add3A_817, %slice3A_818 : vector<512x128xf32>
    %lt3A_820 = arith.cmpf olt, %add3A_819, %min3A_810 : vector<512x128xf32>
    %min3A_821 = arith.minimumf %add3A_819, %min3A_810 : vector<512x128xf32>
    %jit3A_822 = arith.constant 62 : i32
    %broadcast_in_dim3A_823 = vector.broadcast %jit3A_822 : i32 to vector<512x128xi32>
    %select_n3A_824 = arith.select %lt3A_820, %broadcast_in_dim3A_823, %select_n3A_813 : vector<512x128xi1>, vector<512x128xi32>
    %slice3A_825 = vector.extract_strided_slice %get3A_791 {offsets = [0, 384], sizes = [1, 128], strides = [1, 1]} : vector<1x512xf32> to vector<1x128xf32>
    %add3A_826 = vector.broadcast %slice3A_5 : vector<512x1xf32> to vector<512x128xf32>
    %add3A_827 = vector.broadcast %slice3A_825 : vector<1x128xf32> to vector<512x128xf32>
    %add3A_828 = arith.addf %add3A_826, %add3A_827 : vector<512x128xf32>
    %slice3A_829 = vector.extract_strided_slice %dot_general3A_788 {offsets = [0, 384], sizes = [512, 128], strides = [1, 1]} : vector<512x512xf32> to vector<512x128xf32>
    %add3A_830 = arith.addf %add3A_828, %slice3A_829 : vector<512x128xf32>
    %lt3A_831 = arith.cmpf olt, %add3A_830, %min3A_821 : vector<512x128xf32>
    %min3A_832 = arith.minimumf %add3A_830, %min3A_821 : vector<512x128xf32>
    %jit3A_833 = arith.constant 63 : i32
    %broadcast_in_dim3A_834 = vector.broadcast %jit3A_833 : i32 to vector<512x128xi32>
    %select_n3A_835 = arith.select %lt3A_831, %broadcast_in_dim3A_834, %select_n3A_824 : vector<512x128xi1>, vector<512x128xi32>
    %reduce_min3A = arith.constant dense<0x7F800000> : vector<512xf32>
    %reduce_min3A_836 = vector.multi_reduction <minimumf>, %min3A_832, %reduce_min3A [1] : vector<512x128xf32> to vector<512xf32>
    %broadcast_in_dim3A_837 = vector.shape_cast %reduce_min3A_836 : vector<512xf32> to vector<512x1xf32>
    %iota3A = tpu.iota {dimensions = array<i32: 1>} : vector<512x128xi32>
    %mul3A_838 = arith.constant 128 : i32
    %mul3A_839 = vector.broadcast %mul3A_838 : i32 to vector<512x128xi32>
    %mul3A_840 = arith.muli %select_n3A_835, %mul3A_839 : vector<512x128xi32>
    %add3A_841 = arith.addi %mul3A_840, %iota3A : vector<512x128xi32>
    %eq3A_842 = vector.broadcast %broadcast_in_dim3A_837 : vector<512x1xf32> to vector<512x128xf32>
    %eq3A_843 = arith.cmpf oeq, %min3A_832, %eq3A_842 : vector<512x128xf32>
    %jit3A_844 = arith.constant 1073741824 : i32
    %broadcast_in_dim3A_845 = vector.broadcast %jit3A_844 : i32 to vector<512x128xi32>
    %select_n3A_846 = arith.select %eq3A_843, %add3A_841, %broadcast_in_dim3A_845 : vector<512x128xi1>, vector<512x128xi32>
    %reduce_min3A_847 = arith.constant dense<2147483647> : vector<512xi32>
    %reduce_min3A_848 = vector.multi_reduction <minsi>, %select_n3A_846, %reduce_min3A_847 [1] : vector<512x128xi32> to vector<512xi32>
    %broadcast_in_dim3A_849 = vector.shape_cast %reduce_min3A_848 : vector<512xi32> to vector<512x1xi32>
    %swap3A = arith.constant 0 : index
    %swap3A_850 = arith.constant 0 : index
    %swap3A_851 = vector.load %arg3[%swap3A, %swap3A_850] : memref<1536x1xi32, #tpu.memory_space<vmem>>, vector<512x1xi32>
    tpu.vector_store %arg3[%swap3A, %swap3A_850], %broadcast_in_dim3A_849 {strides = array<i32>} : memref<1536x1xi32, #tpu.memory_space<vmem>>, vector<512x1xi32>,
    %slice3A_852 = vector.extract_strided_slice %get3A_3 {offsets = [512, 0], sizes = [512, 64], strides = [1, 1]} : vector<1536x64xf32> to vector<512x64xf32>
    %slice3A_853 = vector.extract_strided_slice %broadcast_in_dim3A {offsets = [512, 0], sizes = [512, 1], strides = [1, 1]} : vector<1536x1xf32> to vector<512x1xf32>
    %broadcast_in_dim3A_854 = arith.constant 0x7F800000 : f32
    %broadcast_in_dim3A_855 = vector.broadcast %broadcast_in_dim3A_854 : f32 to vector<512x128xf32>
    %broadcast_in_dim3A_856 = arith.constant 0 : i32
    %broadcast_in_dim3A_857 = vector.broadcast %broadcast_in_dim3A_856 : i32 to vector<512x128xi32>
    %get3A_858 = arith.constant 0 : index
    %get3A_859 = arith.constant 0 : index
    %get3A_860 = vector.load %arg4[%get3A_858, %get3A_859] : memref<64x8192xf32, #tpu.memory_space<vmem>>, vector<64x512xf32>
    %dot_general3A_861 = arith.constant dense<0.000000e+00> : vector<512x512xf32>
    %dot_general3A_862 = tpu.matmul %slice3A_852, %get3A_860, %dot_general3A_861 {dimension_numbers = #tpu.dot_dimension_numbers<[1], [0], [0], [1], [0, 0, 1, 1], [], []>, transpose_lhs_hint = false} : vector<512x64xf32>, vector<64x512xf32>, vector<512x512xf32> -> vector<512x512xf32>
    %get3A_863 = arith.constant 0 : index
    %get3A_864 = arith.constant 0 : index
    %get3A_865 = vector.load %arg5[%get3A_863, %get3A_864] : memref<8x8192xf32, #tpu.memory_space<vmem>>, vector<1x512xf32>
    %slice3A_866 = vector.extract_strided_slice %get3A_865 {offsets = [0, 0], sizes = [1, 128], strides = [1, 1]} : vector<1x512xf32> to vector<1x128xf32>
    %add3A_867 = vector.broadcast %slice3A_853 : vector<512x1xf32> to vector<512x128xf32>
    %add3A_868 = vector.broadcast %slice3A_866 : vector<1x128xf32> to vector<512x128xf32>
    %add3A_869 = arith.addf %add3A_867, %add3A_868 : vector<512x128xf32>
    %slice3A_870 = vector.extract_strided_slice %dot_general3A_862 {offsets = [0, 0], sizes = [512, 128], strides = [1, 1]} : vector<512x512xf32> to vector<512x128xf32>
    %add3A_871 = arith.addf %add3A_869, %slice3A_870 : vector<512x128xf32>
    %lt3A_872 = arith.cmpf olt, %add3A_871, %broadcast_in_dim3A_855 : vector<512x128xf32>
    %min3A_873 = arith.minimumf %add3A_871, %broadcast_in_dim3A_855 : vector<512x128xf32>
    %jit3A_874 = arith.constant 0 : i32
    %broadcast_in_dim3A_875 = vector.broadcast %jit3A_874 : i32 to vector<512x128xi32>
    %select_n3A_876 = arith.select %lt3A_872, %broadcast_in_dim3A_875, %broadcast_in_dim3A_857 : vector<512x128xi1>, vector<512x128xi32>
    %slice3A_877 = vector.extract_strided_slice %get3A_865 {offsets = [0, 128], sizes = [1, 128], strides = [1, 1]} : vector<1x512xf32> to vector<1x128xf32>
    %add3A_878 = vector.broadcast %slice3A_853 : vector<512x1xf32> to vector<512x128xf32>
    %add3A_879 = vector.broadcast %slice3A_877 : vector<1x128xf32> to vector<512x128xf32>
    %add3A_880 = arith.addf %add3A_878, %add3A_879 : vector<512x128xf32>
    %slice3A_881 = vector.extract_strided_slice %dot_general3A_862 {offsets = [0, 128], sizes = [512, 128], strides = [1, 1]} : vector<512x512xf32> to vector<512x128xf32>
    %add3A_882 = arith.addf %add3A_880, %slice3A_881 : vector<512x128xf32>
    %lt3A_883 = arith.cmpf olt, %add3A_882, %min3A_873 : vector<512x128xf32>
    %min3A_884 = arith.minimumf %add3A_882, %min3A_873 : vector<512x128xf32>
    %jit3A_885 = arith.constant 1 : i32
    %broadcast_in_dim3A_886 = vector.broadcast %jit3A_885 : i32 to vector<512x128xi32>
    %select_n3A_887 = arith.select %lt3A_883, %broadcast_in_dim3A_886, %select_n3A_876 : vector<512x128xi1>, vector<512x128xi32>
    %slice3A_888 = vector.extract_strided_slice %get3A_865 {offsets = [0, 256], sizes = [1, 128], strides = [1, 1]} : vector<1x512xf32> to vector<1x128xf32>
    %add3A_889 = vector.broadcast %slice3A_853 : vector<512x1xf32> to vector<512x128xf32>
    %add3A_890 = vector.broadcast %slice3A_888 : vector<1x128xf32> to vector<512x128xf32>
    %add3A_891 = arith.addf %add3A_889, %add3A_890 : vector<512x128xf32>
    %slice3A_892 = vector.extract_strided_slice %dot_general3A_862 {offsets = [0, 256], sizes = [512, 128], strides = [1, 1]} : vector<512x512xf32> to vector<512x128xf32>
    %add3A_893 = arith.addf %add3A_891, %slice3A_892 : vector<512x128xf32>
    %lt3A_894 = arith.cmpf olt, %add3A_893, %min3A_884 : vector<512x128xf32>
    %min3A_895 = arith.minimumf %add3A_893, %min3A_884 : vector<512x128xf32>
    %jit3A_896 = arith.constant 2 : i32
    %broadcast_in_dim3A_897 = vector.broadcast %jit3A_896 : i32 to vector<512x128xi32>
    %select_n3A_898 = arith.select %lt3A_894, %broadcast_in_dim3A_897, %select_n3A_887 : vector<512x128xi1>, vector<512x128xi32>
    %slice3A_899 = vector.extract_strided_slice %get3A_865 {offsets = [0, 384], sizes = [1, 128], strides = [1, 1]} : vector<1x512xf32> to vector<1x128xf32>
    %add3A_900 = vector.broadcast %slice3A_853 : vector<512x1xf32> to vector<512x128xf32>
    %add3A_901 = vector.broadcast %slice3A_899 : vector<1x128xf32> to vector<512x128xf32>
    %add3A_902 = arith.addf %add3A_900, %add3A_901 : vector<512x128xf32>
    %slice3A_903 = vector.extract_strided_slice %dot_general3A_862 {offsets = [0, 384], sizes = [512, 128], strides = [1, 1]} : vector<512x512xf32> to vector<512x128xf32>
    %add3A_904 = arith.addf %add3A_902, %slice3A_903 : vector<512x128xf32>
    %lt3A_905 = arith.cmpf olt, %add3A_904, %min3A_895 : vector<512x128xf32>
    %min3A_906 = arith.minimumf %add3A_904, %min3A_895 : vector<512x128xf32>
    %jit3A_907 = arith.constant 3 : i32
    %broadcast_in_dim3A_908 = vector.broadcast %jit3A_907 : i32 to vector<512x128xi32>
    %select_n3A_909 = arith.select %lt3A_905, %broadcast_in_dim3A_908, %select_n3A_898 : vector<512x128xi1>, vector<512x128xi32>
    %get3A_910 = arith.constant 0 : index
    %get3A_911 = arith.constant 512 : index
    %get3A_912 = vector.load %arg4[%get3A_910, %get3A_911] : memref<64x8192xf32, #tpu.memory_space<vmem>>, vector<64x512xf32>
    %dot_general3A_913 = arith.constant dense<0.000000e+00> : vector<512x512xf32>
    %dot_general3A_914 = tpu.matmul %slice3A_852, %get3A_912, %dot_general3A_913 {dimension_numbers = #tpu.dot_dimension_numbers<[1], [0], [0], [1], [0, 0, 1, 1], [], []>, transpose_lhs_hint = false} : vector<512x64xf32>, vector<64x512xf32>, vector<512x512xf32> -> vector<512x512xf32>
    %get3A_915 = arith.constant 0 : index
    %get3A_916 = arith.constant 512 : index
    %get3A_917 = vector.load %arg5[%get3A_915, %get3A_916] : memref<8x8192xf32, #tpu.memory_space<vmem>>, vector<1x512xf32>
    %slice3A_918 = vector.extract_strided_slice %get3A_917 {offsets = [0, 0], sizes = [1, 128], strides = [1, 1]} : vector<1x512xf32> to vector<1x128xf32>
    %add3A_919 = vector.broadcast %slice3A_853 : vector<512x1xf32> to vector<512x128xf32>
    %add3A_920 = vector.broadcast %slice3A_918 : vector<1x128xf32> to vector<512x128xf32>
    %add3A_921 = arith.addf %add3A_919, %add3A_920 : vector<512x128xf32>
    %slice3A_922 = vector.extract_strided_slice %dot_general3A_914 {offsets = [0, 0], sizes = [512, 128], strides = [1, 1]} : vector<512x512xf32> to vector<512x128xf32>
    %add3A_923 = arith.addf %add3A_921, %slice3A_922 : vector<512x128xf32>
    %lt3A_924 = arith.cmpf olt, %add3A_923, %min3A_906 : vector<512x128xf32>
    %min3A_925 = arith.minimumf %add3A_923, %min3A_906 : vector<512x128xf32>
    %jit3A_926 = arith.constant 4 : i32
    %broadcast_in_dim3A_927 = vector.broadcast %jit3A_926 : i32 to vector<512x128xi32>
    %select_n3A_928 = arith.select %lt3A_924, %broadcast_in_dim3A_927, %select_n3A_909 : vector<512x128xi1>, vector<512x128xi32>
    %slice3A_929 = vector.extract_strided_slice %get3A_917 {offsets = [0, 128], sizes = [1, 128], strides = [1, 1]} : vector<1x512xf32> to vector<1x128xf32>
    %add3A_930 = vector.broadcast %slice3A_853 : vector<512x1xf32> to vector<512x128xf32>
    %add3A_931 = vector.broadcast %slice3A_929 : vector<1x128xf32> to vector<512x128xf32>
    %add3A_932 = arith.addf %add3A_930, %add3A_931 : vector<512x128xf32>
    %slice3A_933 = vector.extract_strided_slice %dot_general3A_914 {offsets = [0, 128], sizes = [512, 128], strides = [1, 1]} : vector<512x512xf32> to vector<512x128xf32>
    %add3A_934 = arith.addf %add3A_932, %slice3A_933 : vector<512x128xf32>
    %lt3A_935 = arith.cmpf olt, %add3A_934, %min3A_925 : vector<512x128xf32>
    %min3A_936 = arith.minimumf %add3A_934, %min3A_925 : vector<512x128xf32>
    %jit3A_937 = arith.constant 5 : i32
    %broadcast_in_dim3A_938 = vector.broadcast %jit3A_937 : i32 to vector<512x128xi32>
    %select_n3A_939 = arith.select %lt3A_935, %broadcast_in_dim3A_938, %select_n3A_928 : vector<512x128xi1>, vector<512x128xi32>
    %slice3A_940 = vector.extract_strided_slice %get3A_917 {offsets = [0, 256], sizes = [1, 128], strides = [1, 1]} : vector<1x512xf32> to vector<1x128xf32>
    %add3A_941 = vector.broadcast %slice3A_853 : vector<512x1xf32> to vector<512x128xf32>
    %add3A_942 = vector.broadcast %slice3A_940 : vector<1x128xf32> to vector<512x128xf32>
    %add3A_943 = arith.addf %add3A_941, %add3A_942 : vector<512x128xf32>
    %slice3A_944 = vector.extract_strided_slice %dot_general3A_914 {offsets = [0, 256], sizes = [512, 128], strides = [1, 1]} : vector<512x512xf32> to vector<512x128xf32>
    %add3A_945 = arith.addf %add3A_943, %slice3A_944 : vector<512x128xf32>
    %lt3A_946 = arith.cmpf olt, %add3A_945, %min3A_936 : vector<512x128xf32>
    %min3A_947 = arith.minimumf %add3A_945, %min3A_936 : vector<512x128xf32>
    %jit3A_948 = arith.constant 6 : i32
    %broadcast_in_dim3A_949 = vector.broadcast %jit3A_948 : i32 to vector<512x128xi32>
    %select_n3A_950 = arith.select %lt3A_946, %broadcast_in_dim3A_949, %select_n3A_939 : vector<512x128xi1>, vector<512x128xi32>
    %slice3A_951 = vector.extract_strided_slice %get3A_917 {offsets = [0, 384], sizes = [1, 128], strides = [1, 1]} : vector<1x512xf32> to vector<1x128xf32>
    %add3A_952 = vector.broadcast %slice3A_853 : vector<512x1xf32> to vector<512x128xf32>
    %add3A_953 = vector.broadcast %slice3A_951 : vector<1x128xf32> to vector<512x128xf32>
    %add3A_954 = arith.addf %add3A_952, %add3A_953 : vector<512x128xf32>
    %slice3A_955 = vector.extract_strided_slice %dot_general3A_914 {offsets = [0, 384], sizes = [512, 128], strides = [1, 1]} : vector<512x512xf32> to vector<512x128xf32>
    %add3A_956 = arith.addf %add3A_954, %slice3A_955 : vector<512x128xf32>
    %lt3A_957 = arith.cmpf olt, %add3A_956, %min3A_947 : vector<512x128xf32>
    %min3A_958 = arith.minimumf %add3A_956, %min3A_947 : vector<512x128xf32>
    %jit3A_959 = arith.constant 7 : i32
    %broadcast_in_dim3A_960 = vector.broadcast %jit3A_959 : i32 to vector<512x128xi32>
    %select_n3A_961 = arith.select %lt3A_957, %broadcast_in_dim3A_960, %select_n3A_950 : vector<512x128xi1>, vector<512x128xi32>
    %get3A_962 = arith.constant 0 : index
    %get3A_963 = arith.constant 1024 : index
    %get3A_964 = vector.load %arg4[%get3A_962, %get3A_963] : memref<64x8192xf32, #tpu.memory_space<vmem>>, vector<64x512xf32>
    %dot_general3A_965 = arith.constant dense<0.000000e+00> : vector<512x512xf32>
    %dot_general3A_966 = tpu.matmul %slice3A_852, %get3A_964, %dot_general3A_965 {dimension_numbers = #tpu.dot_dimension_numbers<[1], [0], [0], [1], [0, 0, 1, 1], [], []>, transpose_lhs_hint = false} : vector<512x64xf32>, vector<64x512xf32>, vector<512x512xf32> -> vector<512x512xf32>
    %get3A_967 = arith.constant 0 : index
    %get3A_968 = arith.constant 1024 : index
    %get3A_969 = vector.load %arg5[%get3A_967, %get3A_968] : memref<8x8192xf32, #tpu.memory_space<vmem>>, vector<1x512xf32>
    %slice3A_970 = vector.extract_strided_slice %get3A_969 {offsets = [0, 0], sizes = [1, 128], strides = [1, 1]} : vector<1x512xf32> to vector<1x128xf32>
    %add3A_971 = vector.broadcast %slice3A_853 : vector<512x1xf32> to vector<512x128xf32>
    %add3A_972 = vector.broadcast %slice3A_970 : vector<1x128xf32> to vector<512x128xf32>
    %add3A_973 = arith.addf %add3A_971, %add3A_972 : vector<512x128xf32>
    %slice3A_974 = vector.extract_strided_slice %dot_general3A_966 {offsets = [0, 0], sizes = [512, 128], strides = [1, 1]} : vector<512x512xf32> to vector<512x128xf32>
    %add3A_975 = arith.addf %add3A_973, %slice3A_974 : vector<512x128xf32>
    %lt3A_976 = arith.cmpf olt, %add3A_975, %min3A_958 : vector<512x128xf32>
    %min3A_977 = arith.minimumf %add3A_975, %min3A_958 : vector<512x128xf32>
    %jit3A_978 = arith.constant 8 : i32
    %broadcast_in_dim3A_979 = vector.broadcast %jit3A_978 : i32 to vector<512x128xi32>
    %select_n3A_980 = arith.select %lt3A_976, %broadcast_in_dim3A_979, %select_n3A_961 : vector<512x128xi1>, vector<512x128xi32>
    %slice3A_981 = vector.extract_strided_slice %get3A_969 {offsets = [0, 128], sizes = [1, 128], strides = [1, 1]} : vector<1x512xf32> to vector<1x128xf32>
    %add3A_982 = vector.broadcast %slice3A_853 : vector<512x1xf32> to vector<512x128xf32>
    %add3A_983 = vector.broadcast %slice3A_981 : vector<1x128xf32> to vector<512x128xf32>
    %add3A_984 = arith.addf %add3A_982, %add3A_983 : vector<512x128xf32>
    %slice3A_985 = vector.extract_strided_slice %dot_general3A_966 {offsets = [0, 128], sizes = [512, 128], strides = [1, 1]} : vector<512x512xf32> to vector<512x128xf32>
    %add3A_986 = arith.addf %add3A_984, %slice3A_985 : vector<512x128xf32>
    %lt3A_987 = arith.cmpf olt, %add3A_986, %min3A_977 : vector<512x128xf32>
    %min3A_988 = arith.minimumf %add3A_986, %min3A_977 : vector<512x128xf32>
    %jit3A_989 = arith.constant 9 : i32
    %broadcast_in_dim3A_990 = vector.broadcast %jit3A_989 : i32 to vector<512x128xi32>
    %select_n3A_991 = arith.select %lt3A_987, %broadcast_in_dim3A_990, %select_n3A_980 : vector<512x128xi1>, vector<512x128xi32>
    %slice3A_992 = vector.extract_strided_slice %get3A_969 {offsets = [0, 256], sizes = [1, 128], strides = [1, 1]} : vector<1x512xf32> to vector<1x128xf32>
    %add3A_993 = vector.broadcast %slice3A_853 : vector<512x1xf32> to vector<512x128xf32>
    %add3A_994 = vector.broadcast %slice3A_992 : vector<1x128xf32> to vector<512x128xf32>
    %add3A_995 = arith.addf %add3A_993, %add3A_994 : vector<512x128xf32>
    %slice3A_996 = vector.extract_strided_slice %dot_general3A_966 {offsets = [0, 256], sizes = [512, 128], strides = [1, 1]} : vector<512x512xf32> to vector<512x128xf32>
    %add3A_997 = arith.addf %add3A_995, %slice3A_996 : vector<512x128xf32>
    %lt3A_998 = arith.cmpf olt, %add3A_997, %min3A_988 : vector<512x128xf32>
    %min3A_999 = arith.minimumf %add3A_997, %min3A_988 : vector<512x128xf32>
    %jit3A_1000 = arith.constant 10 : i32
    %broadcast_in_dim3A_1001 = vector.broadcast %jit3A_1000 : i32 to vector<512x128xi32>
    %select_n3A_1002 = arith.select %lt3A_998, %broadcast_in_dim3A_1001, %select_n3A_991 : vector<512x128xi1>, vector<512x128xi32>
    %slice3A_1003 = vector.extract_strided_slice %get3A_969 {offsets = [0, 384], sizes = [1, 128], strides = [1, 1]} : vector<1x512xf32> to vector<1x128xf32>
    %add3A_1004 = vector.broadcast %slice3A_853 : vector<512x1xf32> to vector<512x128xf32>
    %add3A_1005 = vector.broadcast %slice3A_1003 : vector<1x128xf32> to vector<512x128xf32>
    %add3A_1006 = arith.addf %add3A_1004, %add3A_1005 : vector<512x128xf32>
    %slice3A_1007 = vector.extract_strided_slice %dot_general3A_966 {offsets = [0, 384], sizes = [512, 128], strides = [1, 1]} : vector<512x512xf32> to vector<512x128xf32>
    %add3A_1008 = arith.addf %add3A_1006, %slice3A_1007 : vector<512x128xf32>
    %lt3A_1009 = arith.cmpf olt, %add3A_1008, %min3A_999 : vector<512x128xf32>
    %min3A_1010 = arith.minimumf %add3A_1008, %min3A_999 : vector<512x128xf32>
    %jit3A_1011 = arith.constant 11 : i32
    %broadcast_in_dim3A_1012 = vector.broadcast %jit3A_1011 : i32 to vector<512x128xi32>
    %select_n3A_1013 = arith.select %lt3A_1009, %broadcast_in_dim3A_1012, %select_n3A_1002 : vector<512x128xi1>, vector<512x128xi32>
    %get3A_1014 = arith.constant 0 : index
    %get3A_1015 = arith.constant 1536 : index
    %get3A_1016 = vector.load %arg4[%get3A_1014, %get3A_1015] : memref<64x8192xf32, #tpu.memory_space<vmem>>, vector<64x512xf32>
    %dot_general3A_1017 = arith.constant dense<0.000000e+00> : vector<512x512xf32>
    %dot_general3A_1018 = tpu.matmul %slice3A_852, %get3A_1016, %dot_general3A_1017 {dimension_numbers = #tpu.dot_dimension_numbers<[1], [0], [0], [1], [0, 0, 1, 1], [], []>, transpose_lhs_hint = false} : vector<512x64xf32>, vector<64x512xf32>, vector<512x512xf32> -> vector<512x512xf32>
    %get3A_1019 = arith.constant 0 : index
    %get3A_1020 = arith.constant 1536 : index
    %get3A_1021 = vector.load %arg5[%get3A_1019, %get3A_1020] : memref<8x8192xf32, #tpu.memory_space<vmem>>, vector<1x512xf32>
    %slice3A_1022 = vector.extract_strided_slice %get3A_1021 {offsets = [0, 0], sizes = [1, 128], strides = [1, 1]} : vector<1x512xf32> to vector<1x128xf32>
    %add3A_1023 = vector.broadcast %slice3A_853 : vector<512x1xf32> to vector<512x128xf32>
    %add3A_1024 = vector.broadcast %slice3A_1022 : vector<1x128xf32> to vector<512x128xf32>
    %add3A_1025 = arith.addf %add3A_1023, %add3A_1024 : vector<512x128xf32>
    %slice3A_1026 = vector.extract_strided_slice %dot_general3A_1018 {offsets = [0, 0], sizes = [512, 128], strides = [1, 1]} : vector<512x512xf32> to vector<512x128xf32>
    %add3A_1027 = arith.addf %add3A_1025, %slice3A_1026 : vector<512x128xf32>
    %lt3A_1028 = arith.cmpf olt, %add3A_1027, %min3A_1010 : vector<512x128xf32>
    %min3A_1029 = arith.minimumf %add3A_1027, %min3A_1010 : vector<512x128xf32>
    %jit3A_1030 = arith.constant 12 : i32
    %broadcast_in_dim3A_1031 = vector.broadcast %jit3A_1030 : i32 to vector<512x128xi32>
    %select_n3A_1032 = arith.select %lt3A_1028, %broadcast_in_dim3A_1031, %select_n3A_1013 : vector<512x128xi1>, vector<512x128xi32>
    %slice3A_1033 = vector.extract_strided_slice %get3A_1021 {offsets = [0, 128], sizes = [1, 128], strides = [1, 1]} : vector<1x512xf32> to vector<1x128xf32>
    %add3A_1034 = vector.broadcast %slice3A_853 : vector<512x1xf32> to vector<512x128xf32>
    %add3A_1035 = vector.broadcast %slice3A_1033 : vector<1x128xf32> to vector<512x128xf32>
    %add3A_1036 = arith.addf %add3A_1034, %add3A_1035 : vector<512x128xf32>
    %slice3A_1037 = vector.extract_strided_slice %dot_general3A_1018 {offsets = [0, 128], sizes = [512, 128], strides = [1, 1]} : vector<512x512xf32> to vector<512x128xf32>
    %add3A_1038 = arith.addf %add3A_1036, %slice3A_1037 : vector<512x128xf32>
    %lt3A_1039 = arith.cmpf olt, %add3A_1038, %min3A_1029 : vector<512x128xf32>
    %min3A_1040 = arith.minimumf %add3A_1038, %min3A_1029 : vector<512x128xf32>
    %jit3A_1041 = arith.constant 13 : i32
    %broadcast_in_dim3A_1042 = vector.broadcast %jit3A_1041 : i32 to vector<512x128xi32>
    %select_n3A_1043 = arith.select %lt3A_1039, %broadcast_in_dim3A_1042, %select_n3A_1032 : vector<512x128xi1>, vector<512x128xi32>
    %slice3A_1044 = vector.extract_strided_slice %get3A_1021 {offsets = [0, 256], sizes = [1, 128], strides = [1, 1]} : vector<1x512xf32> to vector<1x128xf32>
    %add3A_1045 = vector.broadcast %slice3A_853 : vector<512x1xf32> to vector<512x128xf32>
    %add3A_1046 = vector.broadcast %slice3A_1044 : vector<1x128xf32> to vector<512x128xf32>
    %add3A_1047 = arith.addf %add3A_1045, %add3A_1046 : vector<512x128xf32>
    %slice3A_1048 = vector.extract_strided_slice %dot_general3A_1018 {offsets = [0, 256], sizes = [512, 128], strides = [1, 1]} : vector<512x512xf32> to vector<512x128xf32>
    %add3A_1049 = arith.addf %add3A_1047, %slice3A_1048 : vector<512x128xf32>
    %lt3A_1050 = arith.cmpf olt, %add3A_1049, %min3A_1040 : vector<512x128xf32>
    %min3A_1051 = arith.minimumf %add3A_1049, %min3A_1040 : vector<512x128xf32>
    %jit3A_1052 = arith.constant 14 : i32
    %broadcast_in_dim3A_1053 = vector.broadcast %jit3A_1052 : i32 to vector<512x128xi32>
    %select_n3A_1054 = arith.select %lt3A_1050, %broadcast_in_dim3A_1053, %select_n3A_1043 : vector<512x128xi1>, vector<512x128xi32>
    %slice3A_1055 = vector.extract_strided_slice %get3A_1021 {offsets = [0, 384], sizes = [1, 128], strides = [1, 1]} : vector<1x512xf32> to vector<1x128xf32>
    %add3A_1056 = vector.broadcast %slice3A_853 : vector<512x1xf32> to vector<512x128xf32>
    %add3A_1057 = vector.broadcast %slice3A_1055 : vector<1x128xf32> to vector<512x128xf32>
    %add3A_1058 = arith.addf %add3A_1056, %add3A_1057 : vector<512x128xf32>
    %slice3A_1059 = vector.extract_strided_slice %dot_general3A_1018 {offsets = [0, 384], sizes = [512, 128], strides = [1, 1]} : vector<512x512xf32> to vector<512x128xf32>
    %add3A_1060 = arith.addf %add3A_1058, %slice3A_1059 : vector<512x128xf32>
    %lt3A_1061 = arith.cmpf olt, %add3A_1060, %min3A_1051 : vector<512x128xf32>
    %min3A_1062 = arith.minimumf %add3A_1060, %min3A_1051 : vector<512x128xf32>
    %jit3A_1063 = arith.constant 15 : i32
    %broadcast_in_dim3A_1064 = vector.broadcast %jit3A_1063 : i32 to vector<512x128xi32>
    %select_n3A_1065 = arith.select %lt3A_1061, %broadcast_in_dim3A_1064, %select_n3A_1054 : vector<512x128xi1>, vector<512x128xi32>
    %get3A_1066 = arith.constant 0 : index
    %get3A_1067 = arith.constant 2048 : index
    %get3A_1068 = vector.load %arg4[%get3A_1066, %get3A_1067] : memref<64x8192xf32, #tpu.memory_space<vmem>>, vector<64x512xf32>
    %dot_general3A_1069 = arith.constant dense<0.000000e+00> : vector<512x512xf32>
    %dot_general3A_1070 = tpu.matmul %slice3A_852, %get3A_1068, %dot_general3A_1069 {dimension_numbers = #tpu.dot_dimension_numbers<[1], [0], [0], [1], [0, 0, 1, 1], [], []>, transpose_lhs_hint = false} : vector<512x64xf32>, vector<64x512xf32>, vector<512x512xf32> -> vector<512x512xf32>
    %get3A_1071 = arith.constant 0 : index
    %get3A_1072 = arith.constant 2048 : index
    %get3A_1073 = vector.load %arg5[%get3A_1071, %get3A_1072] : memref<8x8192xf32, #tpu.memory_space<vmem>>, vector<1x512xf32>
    %slice3A_1074 = vector.extract_strided_slice %get3A_1073 {offsets = [0, 0], sizes = [1, 128], strides = [1, 1]} : vector<1x512xf32> to vector<1x128xf32>
    %add3A_1075 = vector.broadcast %slice3A_853 : vector<512x1xf32> to vector<512x128xf32>
    %add3A_1076 = vector.broadcast %slice3A_1074 : vector<1x128xf32> to vector<512x128xf32>
    %add3A_1077 = arith.addf %add3A_1075, %add3A_1076 : vector<512x128xf32>
    %slice3A_1078 = vector.extract_strided_slice %dot_general3A_1070 {offsets = [0, 0], sizes = [512, 128], strides = [1, 1]} : vector<512x512xf32> to vector<512x128xf32>
    %add3A_1079 = arith.addf %add3A_1077, %slice3A_1078 : vector<512x128xf32>
    %lt3A_1080 = arith.cmpf olt, %add3A_1079, %min3A_1062 : vector<512x128xf32>
    %min3A_1081 = arith.minimumf %add3A_1079, %min3A_1062 : vector<512x128xf32>
    %jit3A_1082 = arith.constant 16 : i32
    %broadcast_in_dim3A_1083 = vector.broadcast %jit3A_1082 : i32 to vector<512x128xi32>
    %select_n3A_1084 = arith.select %lt3A_1080, %broadcast_in_dim3A_1083, %select_n3A_1065 : vector<512x128xi1>, vector<512x128xi32>
    %slice3A_1085 = vector.extract_strided_slice %get3A_1073 {offsets = [0, 128], sizes = [1, 128], strides = [1, 1]} : vector<1x512xf32> to vector<1x128xf32>
    %add3A_1086 = vector.broadcast %slice3A_853 : vector<512x1xf32> to vector<512x128xf32>
    %add3A_1087 = vector.broadcast %slice3A_1085 : vector<1x128xf32> to vector<512x128xf32>
    %add3A_1088 = arith.addf %add3A_1086, %add3A_1087 : vector<512x128xf32>
    %slice3A_1089 = vector.extract_strided_slice %dot_general3A_1070 {offsets = [0, 128], sizes = [512, 128], strides = [1, 1]} : vector<512x512xf32> to vector<512x128xf32>
    %add3A_1090 = arith.addf %add3A_1088, %slice3A_1089 : vector<512x128xf32>
    %lt3A_1091 = arith.cmpf olt, %add3A_1090, %min3A_1081 : vector<512x128xf32>
    %min3A_1092 = arith.minimumf %add3A_1090, %min3A_1081 : vector<512x128xf32>
    %jit3A_1093 = arith.constant 17 : i32
    %broadcast_in_dim3A_1094 = vector.broadcast %jit3A_1093 : i32 to vector<512x128xi32>
    %select_n3A_1095 = arith.select %lt3A_1091, %broadcast_in_dim3A_1094, %select_n3A_1084 : vector<512x128xi1>, vector<512x128xi32>
    %slice3A_1096 = vector.extract_strided_slice %get3A_1073 {offsets = [0, 256], sizes = [1, 128], strides = [1, 1]} : vector<1x512xf32> to vector<1x128xf32>
    %add3A_1097 = vector.broadcast %slice3A_853 : vector<512x1xf32> to vector<512x128xf32>
    %add3A_1098 = vector.broadcast %slice3A_1096 : vector<1x128xf32> to vector<512x128xf32>
    %add3A_1099 = arith.addf %add3A_1097, %add3A_1098 : vector<512x128xf32>
    %slice3A_1100 = vector.extract_strided_slice %dot_general3A_1070 {offsets = [0, 256], sizes = [512, 128], strides = [1, 1]} : vector<512x512xf32> to vector<512x128xf32>
    %add3A_1101 = arith.addf %add3A_1099, %slice3A_1100 : vector<512x128xf32>
    %lt3A_1102 = arith.cmpf olt, %add3A_1101, %min3A_1092 : vector<512x128xf32>
    %min3A_1103 = arith.minimumf %add3A_1101, %min3A_1092 : vector<512x128xf32>
    %jit3A_1104 = arith.constant 18 : i32
    %broadcast_in_dim3A_1105 = vector.broadcast %jit3A_1104 : i32 to vector<512x128xi32>
    %select_n3A_1106 = arith.select %lt3A_1102, %broadcast_in_dim3A_1105, %select_n3A_1095 : vector<512x128xi1>, vector<512x128xi32>
    %slice3A_1107 = vector.extract_strided_slice %get3A_1073 {offsets = [0, 384], sizes = [1, 128], strides = [1, 1]} : vector<1x512xf32> to vector<1x128xf32>
    %add3A_1108 = vector.broadcast %slice3A_853 : vector<512x1xf32> to vector<512x128xf32>
    %add3A_1109 = vector.broadcast %slice3A_1107 : vector<1x128xf32> to vector<512x128xf32>
    %add3A_1110 = arith.addf %add3A_1108, %add3A_1109 : vector<512x128xf32>
    %slice3A_1111 = vector.extract_strided_slice %dot_general3A_1070 {offsets = [0, 384], sizes = [512, 128], strides = [1, 1]} : vector<512x512xf32> to vector<512x128xf32>
    %add3A_1112 = arith.addf %add3A_1110, %slice3A_1111 : vector<512x128xf32>
    %lt3A_1113 = arith.cmpf olt, %add3A_1112, %min3A_1103 : vector<512x128xf32>
    %min3A_1114 = arith.minimumf %add3A_1112, %min3A_1103 : vector<512x128xf32>
    %jit3A_1115 = arith.constant 19 : i32
    %broadcast_in_dim3A_1116 = vector.broadcast %jit3A_1115 : i32 to vector<512x128xi32>
    %select_n3A_1117 = arith.select %lt3A_1113, %broadcast_in_dim3A_1116, %select_n3A_1106 : vector<512x128xi1>, vector<512x128xi32>
    %get3A_1118 = arith.constant 0 : index
    %get3A_1119 = arith.constant 2560 : index
    %get3A_1120 = vector.load %arg4[%get3A_1118, %get3A_1119] : memref<64x8192xf32, #tpu.memory_space<vmem>>, vector<64x512xf32>
    %dot_general3A_1121 = arith.constant dense<0.000000e+00> : vector<512x512xf32>
    %dot_general3A_1122 = tpu.matmul %slice3A_852, %get3A_1120, %dot_general3A_1121 {dimension_numbers = #tpu.dot_dimension_numbers<[1], [0], [0], [1], [0, 0, 1, 1], [], []>, transpose_lhs_hint = false} : vector<512x64xf32>, vector<64x512xf32>, vector<512x512xf32> -> vector<512x512xf32>
    %get3A_1123 = arith.constant 0 : index
    %get3A_1124 = arith.constant 2560 : index
    %get3A_1125 = vector.load %arg5[%get3A_1123, %get3A_1124] : memref<8x8192xf32, #tpu.memory_space<vmem>>, vector<1x512xf32>
    %slice3A_1126 = vector.extract_strided_slice %get3A_1125 {offsets = [0, 0], sizes = [1, 128], strides = [1, 1]} : vector<1x512xf32> to vector<1x128xf32>
    %add3A_1127 = vector.broadcast %slice3A_853 : vector<512x1xf32> to vector<512x128xf32>
    %add3A_1128 = vector.broadcast %slice3A_1126 : vector<1x128xf32> to vector<512x128xf32>
    %add3A_1129 = arith.addf %add3A_1127, %add3A_1128 : vector<512x128xf32>
    %slice3A_1130 = vector.extract_strided_slice %dot_general3A_1122 {offsets = [0, 0], sizes = [512, 128], strides = [1, 1]} : vector<512x512xf32> to vector<512x128xf32>
    %add3A_1131 = arith.addf %add3A_1129, %slice3A_1130 : vector<512x128xf32>
    %lt3A_1132 = arith.cmpf olt, %add3A_1131, %min3A_1114 : vector<512x128xf32>
    %min3A_1133 = arith.minimumf %add3A_1131, %min3A_1114 : vector<512x128xf32>
    %jit3A_1134 = arith.constant 20 : i32
    %broadcast_in_dim3A_1135 = vector.broadcast %jit3A_1134 : i32 to vector<512x128xi32>
    %select_n3A_1136 = arith.select %lt3A_1132, %broadcast_in_dim3A_1135, %select_n3A_1117 : vector<512x128xi1>, vector<512x128xi32>
    %slice3A_1137 = vector.extract_strided_slice %get3A_1125 {offsets = [0, 128], sizes = [1, 128], strides = [1, 1]} : vector<1x512xf32> to vector<1x128xf32>
    %add3A_1138 = vector.broadcast %slice3A_853 : vector<512x1xf32> to vector<512x128xf32>
    %add3A_1139 = vector.broadcast %slice3A_1137 : vector<1x128xf32> to vector<512x128xf32>
    %add3A_1140 = arith.addf %add3A_1138, %add3A_1139 : vector<512x128xf32>
    %slice3A_1141 = vector.extract_strided_slice %dot_general3A_1122 {offsets = [0, 128], sizes = [512, 128], strides = [1, 1]} : vector<512x512xf32> to vector<512x128xf32>
    %add3A_1142 = arith.addf %add3A_1140, %slice3A_1141 : vector<512x128xf32>
    %lt3A_1143 = arith.cmpf olt, %add3A_1142, %min3A_1133 : vector<512x128xf32>
    %min3A_1144 = arith.minimumf %add3A_1142, %min3A_1133 : vector<512x128xf32>
    %jit3A_1145 = arith.constant 21 : i32
    %broadcast_in_dim3A_1146 = vector.broadcast %jit3A_1145 : i32 to vector<512x128xi32>
    %select_n3A_1147 = arith.select %lt3A_1143, %broadcast_in_dim3A_1146, %select_n3A_1136 : vector<512x128xi1>, vector<512x128xi32>
    %slice3A_1148 = vector.extract_strided_slice %get3A_1125 {offsets = [0, 256], sizes = [1, 128], strides = [1, 1]} : vector<1x512xf32> to vector<1x128xf32>
    %add3A_1149 = vector.broadcast %slice3A_853 : vector<512x1xf32> to vector<512x128xf32>
    %add3A_1150 = vector.broadcast %slice3A_1148 : vector<1x128xf32> to vector<512x128xf32>
    %add3A_1151 = arith.addf %add3A_1149, %add3A_1150 : vector<512x128xf32>
    %slice3A_1152 = vector.extract_strided_slice %dot_general3A_1122 {offsets = [0, 256], sizes = [512, 128], strides = [1, 1]} : vector<512x512xf32> to vector<512x128xf32>
    %add3A_1153 = arith.addf %add3A_1151, %slice3A_1152 : vector<512x128xf32>
    %lt3A_1154 = arith.cmpf olt, %add3A_1153, %min3A_1144 : vector<512x128xf32>
    %min3A_1155 = arith.minimumf %add3A_1153, %min3A_1144 : vector<512x128xf32>
    %jit3A_1156 = arith.constant 22 : i32
    %broadcast_in_dim3A_1157 = vector.broadcast %jit3A_1156 : i32 to vector<512x128xi32>
    %select_n3A_1158 = arith.select %lt3A_1154, %broadcast_in_dim3A_1157, %select_n3A_1147 : vector<512x128xi1>, vector<512x128xi32>
    %slice3A_1159 = vector.extract_strided_slice %get3A_1125 {offsets = [0, 384], sizes = [1, 128], strides = [1, 1]} : vector<1x512xf32> to vector<1x128xf32>
    %add3A_1160 = vector.broadcast %slice3A_853 : vector<512x1xf32> to vector<512x128xf32>
    %add3A_1161 = vector.broadcast %slice3A_1159 : vector<1x128xf32> to vector<512x128xf32>
    %add3A_1162 = arith.addf %add3A_1160, %add3A_1161 : vector<512x128xf32>
    %slice3A_1163 = vector.extract_strided_slice %dot_general3A_1122 {offsets = [0, 384], sizes = [512, 128], strides = [1, 1]} : vector<512x512xf32> to vector<512x128xf32>
    %add3A_1164 = arith.addf %add3A_1162, %slice3A_1163 : vector<512x128xf32>
    %lt3A_1165 = arith.cmpf olt, %add3A_1164, %min3A_1155 : vector<512x128xf32>
    %min3A_1166 = arith.minimumf %add3A_1164, %min3A_1155 : vector<512x128xf32>
    %jit3A_1167 = arith.constant 23 : i32
    %broadcast_in_dim3A_1168 = vector.broadcast %jit3A_1167 : i32 to vector<512x128xi32>
    %select_n3A_1169 = arith.select %lt3A_1165, %broadcast_in_dim3A_1168, %select_n3A_1158 : vector<512x128xi1>, vector<512x128xi32>
    %get3A_1170 = arith.constant 0 : index
    %get3A_1171 = arith.constant 3072 : index
    %get3A_1172 = vector.load %arg4[%get3A_1170, %get3A_1171] : memref<64x8192xf32, #tpu.memory_space<vmem>>, vector<64x512xf32>
    %dot_general3A_1173 = arith.constant dense<0.000000e+00> : vector<512x512xf32>
    %dot_general3A_1174 = tpu.matmul %slice3A_852, %get3A_1172, %dot_general3A_1173 {dimension_numbers = #tpu.dot_dimension_numbers<[1], [0], [0], [1], [0, 0, 1, 1], [], []>, transpose_lhs_hint = false} : vector<512x64xf32>, vector<64x512xf32>, vector<512x512xf32> -> vector<512x512xf32>
    %get3A_1175 = arith.constant 0 : index
    %get3A_1176 = arith.constant 3072 : index
    %get3A_1177 = vector.load %arg5[%get3A_1175, %get3A_1176] : memref<8x8192xf32, #tpu.memory_space<vmem>>, vector<1x512xf32>
    %slice3A_1178 = vector.extract_strided_slice %get3A_1177 {offsets = [0, 0], sizes = [1, 128], strides = [1, 1]} : vector<1x512xf32> to vector<1x128xf32>
    %add3A_1179 = vector.broadcast %slice3A_853 : vector<512x1xf32> to vector<512x128xf32>
    %add3A_1180 = vector.broadcast %slice3A_1178 : vector<1x128xf32> to vector<512x128xf32>
    %add3A_1181 = arith.addf %add3A_1179, %add3A_1180 : vector<512x128xf32>
    %slice3A_1182 = vector.extract_strided_slice %dot_general3A_1174 {offsets = [0, 0], sizes = [512, 128], strides = [1, 1]} : vector<512x512xf32> to vector<512x128xf32>
    %add3A_1183 = arith.addf %add3A_1181, %slice3A_1182 : vector<512x128xf32>
    %lt3A_1184 = arith.cmpf olt, %add3A_1183, %min3A_1166 : vector<512x128xf32>
    %min3A_1185 = arith.minimumf %add3A_1183, %min3A_1166 : vector<512x128xf32>
    %jit3A_1186 = arith.constant 24 : i32
    %broadcast_in_dim3A_1187 = vector.broadcast %jit3A_1186 : i32 to vector<512x128xi32>
    %select_n3A_1188 = arith.select %lt3A_1184, %broadcast_in_dim3A_1187, %select_n3A_1169 : vector<512x128xi1>, vector<512x128xi32>
    %slice3A_1189 = vector.extract_strided_slice %get3A_1177 {offsets = [0, 128], sizes = [1, 128], strides = [1, 1]} : vector<1x512xf32> to vector<1x128xf32>
    %add3A_1190 = vector.broadcast %slice3A_853 : vector<512x1xf32> to vector<512x128xf32>
    %add3A_1191 = vector.broadcast %slice3A_1189 : vector<1x128xf32> to vector<512x128xf32>
    %add3A_1192 = arith.addf %add3A_1190, %add3A_1191 : vector<512x128xf32>
    %slice3A_1193 = vector.extract_strided_slice %dot_general3A_1174 {offsets = [0, 128], sizes = [512, 128], strides = [1, 1]} : vector<512x512xf32> to vector<512x128xf32>
    %add3A_1194 = arith.addf %add3A_1192, %slice3A_1193 : vector<512x128xf32>
    %lt3A_1195 = arith.cmpf olt, %add3A_1194, %min3A_1185 : vector<512x128xf32>
    %min3A_1196 = arith.minimumf %add3A_1194, %min3A_1185 : vector<512x128xf32>
    %jit3A_1197 = arith.constant 25 : i32
    %broadcast_in_dim3A_1198 = vector.broadcast %jit3A_1197 : i32 to vector<512x128xi32>
    %select_n3A_1199 = arith.select %lt3A_1195, %broadcast_in_dim3A_1198, %select_n3A_1188 : vector<512x128xi1>, vector<512x128xi32>
    %slice3A_1200 = vector.extract_strided_slice %get3A_1177 {offsets = [0, 256], sizes = [1, 128], strides = [1, 1]} : vector<1x512xf32> to vector<1x128xf32>
    %add3A_1201 = vector.broadcast %slice3A_853 : vector<512x1xf32> to vector<512x128xf32>
    %add3A_1202 = vector.broadcast %slice3A_1200 : vector<1x128xf32> to vector<512x128xf32>
    %add3A_1203 = arith.addf %add3A_1201, %add3A_1202 : vector<512x128xf32>
    %slice3A_1204 = vector.extract_strided_slice %dot_general3A_1174 {offsets = [0, 256], sizes = [512, 128], strides = [1, 1]} : vector<512x512xf32> to vector<512x128xf32>
    %add3A_1205 = arith.addf %add3A_1203, %slice3A_1204 : vector<512x128xf32>
    %lt3A_1206 = arith.cmpf olt, %add3A_1205, %min3A_1196 : vector<512x128xf32>
    %min3A_1207 = arith.minimumf %add3A_1205, %min3A_1196 : vector<512x128xf32>
    %jit3A_1208 = arith.constant 26 : i32
    %broadcast_in_dim3A_1209 = vector.broadcast %jit3A_1208 : i32 to vector<512x128xi32>
    %select_n3A_1210 = arith.select %lt3A_1206, %broadcast_in_dim3A_1209, %select_n3A_1199 : vector<512x128xi1>, vector<512x128xi32>
    %slice3A_1211 = vector.extract_strided_slice %get3A_1177 {offsets = [0, 384], sizes = [1, 128], strides = [1, 1]} : vector<1x512xf32> to vector<1x128xf32>
    %add3A_1212 = vector.broadcast %slice3A_853 : vector<512x1xf32> to vector<512x128xf32>
    %add3A_1213 = vector.broadcast %slice3A_1211 : vector<1x128xf32> to vector<512x128xf32>
    %add3A_1214 = arith.addf %add3A_1212, %add3A_1213 : vector<512x128xf32>
    %slice3A_1215 = vector.extract_strided_slice %dot_general3A_1174 {offsets = [0, 384], sizes = [512, 128], strides = [1, 1]} : vector<512x512xf32> to vector<512x128xf32>
    %add3A_1216 = arith.addf %add3A_1214, %slice3A_1215 : vector<512x128xf32>
    %lt3A_1217 = arith.cmpf olt, %add3A_1216, %min3A_1207 : vector<512x128xf32>
    %min3A_1218 = arith.minimumf %add3A_1216, %min3A_1207 : vector<512x128xf32>
    %jit3A_1219 = arith.constant 27 : i32
    %broadcast_in_dim3A_1220 = vector.broadcast %jit3A_1219 : i32 to vector<512x128xi32>
    %select_n3A_1221 = arith.select %lt3A_1217, %broadcast_in_dim3A_1220, %select_n3A_1210 : vector<512x128xi1>, vector<512x128xi32>
    %get3A_1222 = arith.constant 0 : index
    %get3A_1223 = arith.constant 3584 : index
    %get3A_1224 = vector.load %arg4[%get3A_1222, %get3A_1223] : memref<64x8192xf32, #tpu.memory_space<vmem>>, vector<64x512xf32>
    %dot_general3A_1225 = arith.constant dense<0.000000e+00> : vector<512x512xf32>
    %dot_general3A_1226 = tpu.matmul %slice3A_852, %get3A_1224, %dot_general3A_1225 {dimension_numbers = #tpu.dot_dimension_numbers<[1], [0], [0], [1], [0, 0, 1, 1], [], []>, transpose_lhs_hint = false} : vector<512x64xf32>, vector<64x512xf32>, vector<512x512xf32> -> vector<512x512xf32>
    %get3A_1227 = arith.constant 0 : index
    %get3A_1228 = arith.constant 3584 : index
    %get3A_1229 = vector.load %arg5[%get3A_1227, %get3A_1228] : memref<8x8192xf32, #tpu.memory_space<vmem>>, vector<1x512xf32>
    %slice3A_1230 = vector.extract_strided_slice %get3A_1229 {offsets = [0, 0], sizes = [1, 128], strides = [1, 1]} : vector<1x512xf32> to vector<1x128xf32>
    %add3A_1231 = vector.broadcast %slice3A_853 : vector<512x1xf32> to vector<512x128xf32>
    %add3A_1232 = vector.broadcast %slice3A_1230 : vector<1x128xf32> to vector<512x128xf32>
    %add3A_1233 = arith.addf %add3A_1231, %add3A_1232 : vector<512x128xf32>
    %slice3A_1234 = vector.extract_strided_slice %dot_general3A_1226 {offsets = [0, 0], sizes = [512, 128], strides = [1, 1]} : vector<512x512xf32> to vector<512x128xf32>
    %add3A_1235 = arith.addf %add3A_1233, %slice3A_1234 : vector<512x128xf32>
    %lt3A_1236 = arith.cmpf olt, %add3A_1235, %min3A_1218 : vector<512x128xf32>
    %min3A_1237 = arith.minimumf %add3A_1235, %min3A_1218 : vector<512x128xf32>
    %jit3A_1238 = arith.constant 28 : i32
    %broadcast_in_dim3A_1239 = vector.broadcast %jit3A_1238 : i32 to vector<512x128xi32>
    %select_n3A_1240 = arith.select %lt3A_1236, %broadcast_in_dim3A_1239, %select_n3A_1221 : vector<512x128xi1>, vector<512x128xi32>
    %slice3A_1241 = vector.extract_strided_slice %get3A_1229 {offsets = [0, 128], sizes = [1, 128], strides = [1, 1]} : vector<1x512xf32> to vector<1x128xf32>
    %add3A_1242 = vector.broadcast %slice3A_853 : vector<512x1xf32> to vector<512x128xf32>
    %add3A_1243 = vector.broadcast %slice3A_1241 : vector<1x128xf32> to vector<512x128xf32>
    %add3A_1244 = arith.addf %add3A_1242, %add3A_1243 : vector<512x128xf32>
    %slice3A_1245 = vector.extract_strided_slice %dot_general3A_1226 {offsets = [0, 128], sizes = [512, 128], strides = [1, 1]} : vector<512x512xf32> to vector<512x128xf32>
    %add3A_1246 = arith.addf %add3A_1244, %slice3A_1245 : vector<512x128xf32>
    %lt3A_1247 = arith.cmpf olt, %add3A_1246, %min3A_1237 : vector<512x128xf32>
    %min3A_1248 = arith.minimumf %add3A_1246, %min3A_1237 : vector<512x128xf32>
    %jit3A_1249 = arith.constant 29 : i32
    %broadcast_in_dim3A_1250 = vector.broadcast %jit3A_1249 : i32 to vector<512x128xi32>
    %select_n3A_1251 = arith.select %lt3A_1247, %broadcast_in_dim3A_1250, %select_n3A_1240 : vector<512x128xi1>, vector<512x128xi32>
    %slice3A_1252 = vector.extract_strided_slice %get3A_1229 {offsets = [0, 256], sizes = [1, 128], strides = [1, 1]} : vector<1x512xf32> to vector<1x128xf32>
    %add3A_1253 = vector.broadcast %slice3A_853 : vector<512x1xf32> to vector<512x128xf32>
    %add3A_1254 = vector.broadcast %slice3A_1252 : vector<1x128xf32> to vector<512x128xf32>
    %add3A_1255 = arith.addf %add3A_1253, %add3A_1254 : vector<512x128xf32>
    %slice3A_1256 = vector.extract_strided_slice %dot_general3A_1226 {offsets = [0, 256], sizes = [512, 128], strides = [1, 1]} : vector<512x512xf32> to vector<512x128xf32>
    %add3A_1257 = arith.addf %add3A_1255, %slice3A_1256 : vector<512x128xf32>
    %lt3A_1258 = arith.cmpf olt, %add3A_1257, %min3A_1248 : vector<512x128xf32>
    %min3A_1259 = arith.minimumf %add3A_1257, %min3A_1248 : vector<512x128xf32>
    %jit3A_1260 = arith.constant 30 : i32
    %broadcast_in_dim3A_1261 = vector.broadcast %jit3A_1260 : i32 to vector<512x128xi32>
    %select_n3A_1262 = arith.select %lt3A_1258, %broadcast_in_dim3A_1261, %select_n3A_1251 : vector<512x128xi1>, vector<512x128xi32>
    %slice3A_1263 = vector.extract_strided_slice %get3A_1229 {offsets = [0, 384], sizes = [1, 128], strides = [1, 1]} : vector<1x512xf32> to vector<1x128xf32>
    %add3A_1264 = vector.broadcast %slice3A_853 : vector<512x1xf32> to vector<512x128xf32>
    %add3A_1265 = vector.broadcast %slice3A_1263 : vector<1x128xf32> to vector<512x128xf32>
    %add3A_1266 = arith.addf %add3A_1264, %add3A_1265 : vector<512x128xf32>
    %slice3A_1267 = vector.extract_strided_slice %dot_general3A_1226 {offsets = [0, 384], sizes = [512, 128], strides = [1, 1]} : vector<512x512xf32> to vector<512x128xf32>
    %add3A_1268 = arith.addf %add3A_1266, %slice3A_1267 : vector<512x128xf32>
    %lt3A_1269 = arith.cmpf olt, %add3A_1268, %min3A_1259 : vector<512x128xf32>
    %min3A_1270 = arith.minimumf %add3A_1268, %min3A_1259 : vector<512x128xf32>
    %jit3A_1271 = arith.constant 31 : i32
    %broadcast_in_dim3A_1272 = vector.broadcast %jit3A_1271 : i32 to vector<512x128xi32>
    %select_n3A_1273 = arith.select %lt3A_1269, %broadcast_in_dim3A_1272, %select_n3A_1262 : vector<512x128xi1>, vector<512x128xi32>
    %get3A_1274 = arith.constant 0 : index
    %get3A_1275 = arith.constant 4096 : index
    %get3A_1276 = vector.load %arg4[%get3A_1274, %get3A_1275] : memref<64x8192xf32, #tpu.memory_space<vmem>>, vector<64x512xf32>
    %dot_general3A_1277 = arith.constant dense<0.000000e+00> : vector<512x512xf32>
    %dot_general3A_1278 = tpu.matmul %slice3A_852, %get3A_1276, %dot_general3A_1277 {dimension_numbers = #tpu.dot_dimension_numbers<[1], [0], [0], [1], [0, 0, 1, 1], [], []>, transpose_lhs_hint = false} : vector<512x64xf32>, vector<64x512xf32>, vector<512x512xf32> -> vector<512x512xf32>
    %get3A_1279 = arith.constant 0 : index
    %get3A_1280 = arith.constant 4096 : index
    %get3A_1281 = vector.load %arg5[%get3A_1279, %get3A_1280] : memref<8x8192xf32, #tpu.memory_space<vmem>>, vector<1x512xf32>
    %slice3A_1282 = vector.extract_strided_slice %get3A_1281 {offsets = [0, 0], sizes = [1, 128], strides = [1, 1]} : vector<1x512xf32> to vector<1x128xf32>
    %add3A_1283 = vector.broadcast %slice3A_853 : vector<512x1xf32> to vector<512x128xf32>
    %add3A_1284 = vector.broadcast %slice3A_1282 : vector<1x128xf32> to vector<512x128xf32>
    %add3A_1285 = arith.addf %add3A_1283, %add3A_1284 : vector<512x128xf32>
    %slice3A_1286 = vector.extract_strided_slice %dot_general3A_1278 {offsets = [0, 0], sizes = [512, 128], strides = [1, 1]} : vector<512x512xf32> to vector<512x128xf32>
    %add3A_1287 = arith.addf %add3A_1285, %slice3A_1286 : vector<512x128xf32>
    %lt3A_1288 = arith.cmpf olt, %add3A_1287, %min3A_1270 : vector<512x128xf32>
    %min3A_1289 = arith.minimumf %add3A_1287, %min3A_1270 : vector<512x128xf32>
    %jit3A_1290 = arith.constant 32 : i32
    %broadcast_in_dim3A_1291 = vector.broadcast %jit3A_1290 : i32 to vector<512x128xi32>
    %select_n3A_1292 = arith.select %lt3A_1288, %broadcast_in_dim3A_1291, %select_n3A_1273 : vector<512x128xi1>, vector<512x128xi32>
    %slice3A_1293 = vector.extract_strided_slice %get3A_1281 {offsets = [0, 128], sizes = [1, 128], strides = [1, 1]} : vector<1x512xf32> to vector<1x128xf32>
    %add3A_1294 = vector.broadcast %slice3A_853 : vector<512x1xf32> to vector<512x128xf32>
    %add3A_1295 = vector.broadcast %slice3A_1293 : vector<1x128xf32> to vector<512x128xf32>
    %add3A_1296 = arith.addf %add3A_1294, %add3A_1295 : vector<512x128xf32>
    %slice3A_1297 = vector.extract_strided_slice %dot_general3A_1278 {offsets = [0, 128], sizes = [512, 128], strides = [1, 1]} : vector<512x512xf32> to vector<512x128xf32>
    %add3A_1298 = arith.addf %add3A_1296, %slice3A_1297 : vector<512x128xf32>
    %lt3A_1299 = arith.cmpf olt, %add3A_1298, %min3A_1289 : vector<512x128xf32>
    %min3A_1300 = arith.minimumf %add3A_1298, %min3A_1289 : vector<512x128xf32>
    %jit3A_1301 = arith.constant 33 : i32
    %broadcast_in_dim3A_1302 = vector.broadcast %jit3A_1301 : i32 to vector<512x128xi32>
    %select_n3A_1303 = arith.select %lt3A_1299, %broadcast_in_dim3A_1302, %select_n3A_1292 : vector<512x128xi1>, vector<512x128xi32>
    %slice3A_1304 = vector.extract_strided_slice %get3A_1281 {offsets = [0, 256], sizes = [1, 128], strides = [1, 1]} : vector<1x512xf32> to vector<1x128xf32>
    %add3A_1305 = vector.broadcast %slice3A_853 : vector<512x1xf32> to vector<512x128xf32>
    %add3A_1306 = vector.broadcast %slice3A_1304 : vector<1x128xf32> to vector<512x128xf32>
    %add3A_1307 = arith.addf %add3A_1305, %add3A_1306 : vector<512x128xf32>
    %slice3A_1308 = vector.extract_strided_slice %dot_general3A_1278 {offsets = [0, 256], sizes = [512, 128], strides = [1, 1]} : vector<512x512xf32> to vector<512x128xf32>
    %add3A_1309 = arith.addf %add3A_1307, %slice3A_1308 : vector<512x128xf32>
    %lt3A_1310 = arith.cmpf olt, %add3A_1309, %min3A_1300 : vector<512x128xf32>
    %min3A_1311 = arith.minimumf %add3A_1309, %min3A_1300 : vector<512x128xf32>
    %jit3A_1312 = arith.constant 34 : i32
    %broadcast_in_dim3A_1313 = vector.broadcast %jit3A_1312 : i32 to vector<512x128xi32>
    %select_n3A_1314 = arith.select %lt3A_1310, %broadcast_in_dim3A_1313, %select_n3A_1303 : vector<512x128xi1>, vector<512x128xi32>
    %slice3A_1315 = vector.extract_strided_slice %get3A_1281 {offsets = [0, 384], sizes = [1, 128], strides = [1, 1]} : vector<1x512xf32> to vector<1x128xf32>
    %add3A_1316 = vector.broadcast %slice3A_853 : vector<512x1xf32> to vector<512x128xf32>
    %add3A_1317 = vector.broadcast %slice3A_1315 : vector<1x128xf32> to vector<512x128xf32>
    %add3A_1318 = arith.addf %add3A_1316, %add3A_1317 : vector<512x128xf32>
    %slice3A_1319 = vector.extract_strided_slice %dot_general3A_1278 {offsets = [0, 384], sizes = [512, 128], strides = [1, 1]} : vector<512x512xf32> to vector<512x128xf32>
    %add3A_1320 = arith.addf %add3A_1318, %slice3A_1319 : vector<512x128xf32>
    %lt3A_1321 = arith.cmpf olt, %add3A_1320, %min3A_1311 : vector<512x128xf32>
    %min3A_1322 = arith.minimumf %add3A_1320, %min3A_1311 : vector<512x128xf32>
    %jit3A_1323 = arith.constant 35 : i32
    %broadcast_in_dim3A_1324 = vector.broadcast %jit3A_1323 : i32 to vector<512x128xi32>
    %select_n3A_1325 = arith.select %lt3A_1321, %broadcast_in_dim3A_1324, %select_n3A_1314 : vector<512x128xi1>, vector<512x128xi32>
    %get3A_1326 = arith.constant 0 : index
    %get3A_1327 = arith.constant 4608 : index
    %get3A_1328 = vector.load %arg4[%get3A_1326, %get3A_1327] : memref<64x8192xf32, #tpu.memory_space<vmem>>, vector<64x512xf32>
    %dot_general3A_1329 = arith.constant dense<0.000000e+00> : vector<512x512xf32>
    %dot_general3A_1330 = tpu.matmul %slice3A_852, %get3A_1328, %dot_general3A_1329 {dimension_numbers = #tpu.dot_dimension_numbers<[1], [0], [0], [1], [0, 0, 1, 1], [], []>, transpose_lhs_hint = false} : vector<512x64xf32>, vector<64x512xf32>, vector<512x512xf32> -> vector<512x512xf32>
    %get3A_1331 = arith.constant 0 : index
    %get3A_1332 = arith.constant 4608 : index
    %get3A_1333 = vector.load %arg5[%get3A_1331, %get3A_1332] : memref<8x8192xf32, #tpu.memory_space<vmem>>, vector<1x512xf32>
    %slice3A_1334 = vector.extract_strided_slice %get3A_1333 {offsets = [0, 0], sizes = [1, 128], strides = [1, 1]} : vector<1x512xf32> to vector<1x128xf32>
    %add3A_1335 = vector.broadcast %slice3A_853 : vector<512x1xf32> to vector<512x128xf32>
    %add3A_1336 = vector.broadcast %slice3A_1334 : vector<1x128xf32> to vector<512x128xf32>
    %add3A_1337 = arith.addf %add3A_1335, %add3A_1336 : vector<512x128xf32>
    %slice3A_1338 = vector.extract_strided_slice %dot_general3A_1330 {offsets = [0, 0], sizes = [512, 128], strides = [1, 1]} : vector<512x512xf32> to vector<512x128xf32>
    %add3A_1339 = arith.addf %add3A_1337, %slice3A_1338 : vector<512x128xf32>
    %lt3A_1340 = arith.cmpf olt, %add3A_1339, %min3A_1322 : vector<512x128xf32>
    %min3A_1341 = arith.minimumf %add3A_1339, %min3A_1322 : vector<512x128xf32>
    %jit3A_1342 = arith.constant 36 : i32
    %broadcast_in_dim3A_1343 = vector.broadcast %jit3A_1342 : i32 to vector<512x128xi32>
    %select_n3A_1344 = arith.select %lt3A_1340, %broadcast_in_dim3A_1343, %select_n3A_1325 : vector<512x128xi1>, vector<512x128xi32>
    %slice3A_1345 = vector.extract_strided_slice %get3A_1333 {offsets = [0, 128], sizes = [1, 128], strides = [1, 1]} : vector<1x512xf32> to vector<1x128xf32>
    %add3A_1346 = vector.broadcast %slice3A_853 : vector<512x1xf32> to vector<512x128xf32>
    %add3A_1347 = vector.broadcast %slice3A_1345 : vector<1x128xf32> to vector<512x128xf32>
    %add3A_1348 = arith.addf %add3A_1346, %add3A_1347 : vector<512x128xf32>
    %slice3A_1349 = vector.extract_strided_slice %dot_general3A_1330 {offsets = [0, 128], sizes = [512, 128], strides = [1, 1]} : vector<512x512xf32> to vector<512x128xf32>
    %add3A_1350 = arith.addf %add3A_1348, %slice3A_1349 : vector<512x128xf32>
    %lt3A_1351 = arith.cmpf olt, %add3A_1350, %min3A_1341 : vector<512x128xf32>
    %min3A_1352 = arith.minimumf %add3A_1350, %min3A_1341 : vector<512x128xf32>
    %jit3A_1353 = arith.constant 37 : i32
    %broadcast_in_dim3A_1354 = vector.broadcast %jit3A_1353 : i32 to vector<512x128xi32>
    %select_n3A_1355 = arith.select %lt3A_1351, %broadcast_in_dim3A_1354, %select_n3A_1344 : vector<512x128xi1>, vector<512x128xi32>
    %slice3A_1356 = vector.extract_strided_slice %get3A_1333 {offsets = [0, 256], sizes = [1, 128], strides = [1, 1]} : vector<1x512xf32> to vector<1x128xf32>
    %add3A_1357 = vector.broadcast %slice3A_853 : vector<512x1xf32> to vector<512x128xf32>
    %add3A_1358 = vector.broadcast %slice3A_1356 : vector<1x128xf32> to vector<512x128xf32>
    %add3A_1359 = arith.addf %add3A_1357, %add3A_1358 : vector<512x128xf32>
    %slice3A_1360 = vector.extract_strided_slice %dot_general3A_1330 {offsets = [0, 256], sizes = [512, 128], strides = [1, 1]} : vector<512x512xf32> to vector<512x128xf32>
    %add3A_1361 = arith.addf %add3A_1359, %slice3A_1360 : vector<512x128xf32>
    %lt3A_1362 = arith.cmpf olt, %add3A_1361, %min3A_1352 : vector<512x128xf32>
    %min3A_1363 = arith.minimumf %add3A_1361, %min3A_1352 : vector<512x128xf32>
    %jit3A_1364 = arith.constant 38 : i32
    %broadcast_in_dim3A_1365 = vector.broadcast %jit3A_1364 : i32 to vector<512x128xi32>
    %select_n3A_1366 = arith.select %lt3A_1362, %broadcast_in_dim3A_1365, %select_n3A_1355 : vector<512x128xi1>, vector<512x128xi32>
    %slice3A_1367 = vector.extract_strided_slice %get3A_1333 {offsets = [0, 384], sizes = [1, 128], strides = [1, 1]} : vector<1x512xf32> to vector<1x128xf32>
    %add3A_1368 = vector.broadcast %slice3A_853 : vector<512x1xf32> to vector<512x128xf32>
    %add3A_1369 = vector.broadcast %slice3A_1367 : vector<1x128xf32> to vector<512x128xf32>
    %add3A_1370 = arith.addf %add3A_1368, %add3A_1369 : vector<512x128xf32>
    %slice3A_1371 = vector.extract_strided_slice %dot_general3A_1330 {offsets = [0, 384], sizes = [512, 128], strides = [1, 1]} : vector<512x512xf32> to vector<512x128xf32>
    %add3A_1372 = arith.addf %add3A_1370, %slice3A_1371 : vector<512x128xf32>
    %lt3A_1373 = arith.cmpf olt, %add3A_1372, %min3A_1363 : vector<512x128xf32>
    %min3A_1374 = arith.minimumf %add3A_1372, %min3A_1363 : vector<512x128xf32>
    %jit3A_1375 = arith.constant 39 : i32
    %broadcast_in_dim3A_1376 = vector.broadcast %jit3A_1375 : i32 to vector<512x128xi32>
    %select_n3A_1377 = arith.select %lt3A_1373, %broadcast_in_dim3A_1376, %select_n3A_1366 : vector<512x128xi1>, vector<512x128xi32>
    %get3A_1378 = arith.constant 0 : index
    %get3A_1379 = arith.constant 5120 : index
    %get3A_1380 = vector.load %arg4[%get3A_1378, %get3A_1379] : memref<64x8192xf32, #tpu.memory_space<vmem>>, vector<64x512xf32>
    %dot_general3A_1381 = arith.constant dense<0.000000e+00> : vector<512x512xf32>
    %dot_general3A_1382 = tpu.matmul %slice3A_852, %get3A_1380, %dot_general3A_1381 {dimension_numbers = #tpu.dot_dimension_numbers<[1], [0], [0], [1], [0, 0, 1, 1], [], []>, transpose_lhs_hint = false} : vector<512x64xf32>, vector<64x512xf32>, vector<512x512xf32> -> vector<512x512xf32>
    %get3A_1383 = arith.constant 0 : index
    %get3A_1384 = arith.constant 5120 : index
    %get3A_1385 = vector.load %arg5[%get3A_1383, %get3A_1384] : memref<8x8192xf32, #tpu.memory_space<vmem>>, vector<1x512xf32>
    %slice3A_1386 = vector.extract_strided_slice %get3A_1385 {offsets = [0, 0], sizes = [1, 128], strides = [1, 1]} : vector<1x512xf32> to vector<1x128xf32>
    %add3A_1387 = vector.broadcast %slice3A_853 : vector<512x1xf32> to vector<512x128xf32>
    %add3A_1388 = vector.broadcast %slice3A_1386 : vector<1x128xf32> to vector<512x128xf32>
    %add3A_1389 = arith.addf %add3A_1387, %add3A_1388 : vector<512x128xf32>
    %slice3A_1390 = vector.extract_strided_slice %dot_general3A_1382 {offsets = [0, 0], sizes = [512, 128], strides = [1, 1]} : vector<512x512xf32> to vector<512x128xf32>
    %add3A_1391 = arith.addf %add3A_1389, %slice3A_1390 : vector<512x128xf32>
    %lt3A_1392 = arith.cmpf olt, %add3A_1391, %min3A_1374 : vector<512x128xf32>
    %min3A_1393 = arith.minimumf %add3A_1391, %min3A_1374 : vector<512x128xf32>
    %jit3A_1394 = arith.constant 40 : i32
    %broadcast_in_dim3A_1395 = vector.broadcast %jit3A_1394 : i32 to vector<512x128xi32>
    %select_n3A_1396 = arith.select %lt3A_1392, %broadcast_in_dim3A_1395, %select_n3A_1377 : vector<512x128xi1>, vector<512x128xi32>
    %slice3A_1397 = vector.extract_strided_slice %get3A_1385 {offsets = [0, 128], sizes = [1, 128], strides = [1, 1]} : vector<1x512xf32> to vector<1x128xf32>
    %add3A_1398 = vector.broadcast %slice3A_853 : vector<512x1xf32> to vector<512x128xf32>
    %add3A_1399 = vector.broadcast %slice3A_1397 : vector<1x128xf32> to vector<512x128xf32>
    %add3A_1400 = arith.addf %add3A_1398, %add3A_1399 : vector<512x128xf32>
    %slice3A_1401 = vector.extract_strided_slice %dot_general3A_1382 {offsets = [0, 128], sizes = [512, 128], strides = [1, 1]} : vector<512x512xf32> to vector<512x128xf32>
    %add3A_1402 = arith.addf %add3A_1400, %slice3A_1401 : vector<512x128xf32>
    %lt3A_1403 = arith.cmpf olt, %add3A_1402, %min3A_1393 : vector<512x128xf32>
    %min3A_1404 = arith.minimumf %add3A_1402, %min3A_1393 : vector<512x128xf32>
    %jit3A_1405 = arith.constant 41 : i32
    %broadcast_in_dim3A_1406 = vector.broadcast %jit3A_1405 : i32 to vector<512x128xi32>
    %select_n3A_1407 = arith.select %lt3A_1403, %broadcast_in_dim3A_1406, %select_n3A_1396 : vector<512x128xi1>, vector<512x128xi32>
    %slice3A_1408 = vector.extract_strided_slice %get3A_1385 {offsets = [0, 256], sizes = [1, 128], strides = [1, 1]} : vector<1x512xf32> to vector<1x128xf32>
    %add3A_1409 = vector.broadcast %slice3A_853 : vector<512x1xf32> to vector<512x128xf32>
    %add3A_1410 = vector.broadcast %slice3A_1408 : vector<1x128xf32> to vector<512x128xf32>
    %add3A_1411 = arith.addf %add3A_1409, %add3A_1410 : vector<512x128xf32>
    %slice3A_1412 = vector.extract_strided_slice %dot_general3A_1382 {offsets = [0, 256], sizes = [512, 128], strides = [1, 1]} : vector<512x512xf32> to vector<512x128xf32>
    %add3A_1413 = arith.addf %add3A_1411, %slice3A_1412 : vector<512x128xf32>
    %lt3A_1414 = arith.cmpf olt, %add3A_1413, %min3A_1404 : vector<512x128xf32>
    %min3A_1415 = arith.minimumf %add3A_1413, %min3A_1404 : vector<512x128xf32>
    %jit3A_1416 = arith.constant 42 : i32
    %broadcast_in_dim3A_1417 = vector.broadcast %jit3A_1416 : i32 to vector<512x128xi32>
    %select_n3A_1418 = arith.select %lt3A_1414, %broadcast_in_dim3A_1417, %select_n3A_1407 : vector<512x128xi1>, vector<512x128xi32>
    %slice3A_1419 = vector.extract_strided_slice %get3A_1385 {offsets = [0, 384], sizes = [1, 128], strides = [1, 1]} : vector<1x512xf32> to vector<1x128xf32>
    %add3A_1420 = vector.broadcast %slice3A_853 : vector<512x1xf32> to vector<512x128xf32>
    %add3A_1421 = vector.broadcast %slice3A_1419 : vector<1x128xf32> to vector<512x128xf32>
    %add3A_1422 = arith.addf %add3A_1420, %add3A_1421 : vector<512x128xf32>
    %slice3A_1423 = vector.extract_strided_slice %dot_general3A_1382 {offsets = [0, 384], sizes = [512, 128], strides = [1, 1]} : vector<512x512xf32> to vector<512x128xf32>
    %add3A_1424 = arith.addf %add3A_1422, %slice3A_1423 : vector<512x128xf32>
    %lt3A_1425 = arith.cmpf olt, %add3A_1424, %min3A_1415 : vector<512x128xf32>
    %min3A_1426 = arith.minimumf %add3A_1424, %min3A_1415 : vector<512x128xf32>
    %jit3A_1427 = arith.constant 43 : i32
    %broadcast_in_dim3A_1428 = vector.broadcast %jit3A_1427 : i32 to vector<512x128xi32>
    %select_n3A_1429 = arith.select %lt3A_1425, %broadcast_in_dim3A_1428, %select_n3A_1418 : vector<512x128xi1>, vector<512x128xi32>
    %get3A_1430 = arith.constant 0 : index
    %get3A_1431 = arith.constant 5632 : index
    %get3A_1432 = vector.load %arg4[%get3A_1430, %get3A_1431] : memref<64x8192xf32, #tpu.memory_space<vmem>>, vector<64x512xf32>
    %dot_general3A_1433 = arith.constant dense<0.000000e+00> : vector<512x512xf32>
    %dot_general3A_1434 = tpu.matmul %slice3A_852, %get3A_1432, %dot_general3A_1433 {dimension_numbers = #tpu.dot_dimension_numbers<[1], [0], [0], [1], [0, 0, 1, 1], [], []>, transpose_lhs_hint = false} : vector<512x64xf32>, vector<64x512xf32>, vector<512x512xf32> -> vector<512x512xf32>
    %get3A_1435 = arith.constant 0 : index
    %get3A_1436 = arith.constant 5632 : index
    %get3A_1437 = vector.load %arg5[%get3A_1435, %get3A_1436] : memref<8x8192xf32, #tpu.memory_space<vmem>>, vector<1x512xf32>
    %slice3A_1438 = vector.extract_strided_slice %get3A_1437 {offsets = [0, 0], sizes = [1, 128], strides = [1, 1]} : vector<1x512xf32> to vector<1x128xf32>
    %add3A_1439 = vector.broadcast %slice3A_853 : vector<512x1xf32> to vector<512x128xf32>
    %add3A_1440 = vector.broadcast %slice3A_1438 : vector<1x128xf32> to vector<512x128xf32>
    %add3A_1441 = arith.addf %add3A_1439, %add3A_1440 : vector<512x128xf32>
    %slice3A_1442 = vector.extract_strided_slice %dot_general3A_1434 {offsets = [0, 0], sizes = [512, 128], strides = [1, 1]} : vector<512x512xf32> to vector<512x128xf32>
    %add3A_1443 = arith.addf %add3A_1441, %slice3A_1442 : vector<512x128xf32>
    %lt3A_1444 = arith.cmpf olt, %add3A_1443, %min3A_1426 : vector<512x128xf32>
    %min3A_1445 = arith.minimumf %add3A_1443, %min3A_1426 : vector<512x128xf32>
    %jit3A_1446 = arith.constant 44 : i32
    %broadcast_in_dim3A_1447 = vector.broadcast %jit3A_1446 : i32 to vector<512x128xi32>
    %select_n3A_1448 = arith.select %lt3A_1444, %broadcast_in_dim3A_1447, %select_n3A_1429 : vector<512x128xi1>, vector<512x128xi32>
    %slice3A_1449 = vector.extract_strided_slice %get3A_1437 {offsets = [0, 128], sizes = [1, 128], strides = [1, 1]} : vector<1x512xf32> to vector<1x128xf32>
    %add3A_1450 = vector.broadcast %slice3A_853 : vector<512x1xf32> to vector<512x128xf32>
    %add3A_1451 = vector.broadcast %slice3A_1449 : vector<1x128xf32> to vector<512x128xf32>
    %add3A_1452 = arith.addf %add3A_1450, %add3A_1451 : vector<512x128xf32>
    %slice3A_1453 = vector.extract_strided_slice %dot_general3A_1434 {offsets = [0, 128], sizes = [512, 128], strides = [1, 1]} : vector<512x512xf32> to vector<512x128xf32>
    %add3A_1454 = arith.addf %add3A_1452, %slice3A_1453 : vector<512x128xf32>
    %lt3A_1455 = arith.cmpf olt, %add3A_1454, %min3A_1445 : vector<512x128xf32>
    %min3A_1456 = arith.minimumf %add3A_1454, %min3A_1445 : vector<512x128xf32>
    %jit3A_1457 = arith.constant 45 : i32
    %broadcast_in_dim3A_1458 = vector.broadcast %jit3A_1457 : i32 to vector<512x128xi32>
    %select_n3A_1459 = arith.select %lt3A_1455, %broadcast_in_dim3A_1458, %select_n3A_1448 : vector<512x128xi1>, vector<512x128xi32>
    %slice3A_1460 = vector.extract_strided_slice %get3A_1437 {offsets = [0, 256], sizes = [1, 128], strides = [1, 1]} : vector<1x512xf32> to vector<1x128xf32>
    %add3A_1461 = vector.broadcast %slice3A_853 : vector<512x1xf32> to vector<512x128xf32>
    %add3A_1462 = vector.broadcast %slice3A_1460 : vector<1x128xf32> to vector<512x128xf32>
    %add3A_1463 = arith.addf %add3A_1461, %add3A_1462 : vector<512x128xf32>
    %slice3A_1464 = vector.extract_strided_slice %dot_general3A_1434 {offsets = [0, 256], sizes = [512, 128], strides = [1, 1]} : vector<512x512xf32> to vector<512x128xf32>
    %add3A_1465 = arith.addf %add3A_1463, %slice3A_1464 : vector<512x128xf32>
    %lt3A_1466 = arith.cmpf olt, %add3A_1465, %min3A_1456 : vector<512x128xf32>
    %min3A_1467 = arith.minimumf %add3A_1465, %min3A_1456 : vector<512x128xf32>
    %jit3A_1468 = arith.constant 46 : i32
    %broadcast_in_dim3A_1469 = vector.broadcast %jit3A_1468 : i32 to vector<512x128xi32>
    %select_n3A_1470 = arith.select %lt3A_1466, %broadcast_in_dim3A_1469, %select_n3A_1459 : vector<512x128xi1>, vector<512x128xi32>
    %slice3A_1471 = vector.extract_strided_slice %get3A_1437 {offsets = [0, 384], sizes = [1, 128], strides = [1, 1]} : vector<1x512xf32> to vector<1x128xf32>
    %add3A_1472 = vector.broadcast %slice3A_853 : vector<512x1xf32> to vector<512x128xf32>
    %add3A_1473 = vector.broadcast %slice3A_1471 : vector<1x128xf32> to vector<512x128xf32>
    %add3A_1474 = arith.addf %add3A_1472, %add3A_1473 : vector<512x128xf32>
    %slice3A_1475 = vector.extract_strided_slice %dot_general3A_1434 {offsets = [0, 384], sizes = [512, 128], strides = [1, 1]} : vector<512x512xf32> to vector<512x128xf32>
    %add3A_1476 = arith.addf %add3A_1474, %slice3A_1475 : vector<512x128xf32>
    %lt3A_1477 = arith.cmpf olt, %add3A_1476, %min3A_1467 : vector<512x128xf32>
    %min3A_1478 = arith.minimumf %add3A_1476, %min3A_1467 : vector<512x128xf32>
    %jit3A_1479 = arith.constant 47 : i32
    %broadcast_in_dim3A_1480 = vector.broadcast %jit3A_1479 : i32 to vector<512x128xi32>
    %select_n3A_1481 = arith.select %lt3A_1477, %broadcast_in_dim3A_1480, %select_n3A_1470 : vector<512x128xi1>, vector<512x128xi32>
    %get3A_1482 = arith.constant 0 : index
    %get3A_1483 = arith.constant 6144 : index
    %get3A_1484 = vector.load %arg4[%get3A_1482, %get3A_1483] : memref<64x8192xf32, #tpu.memory_space<vmem>>, vector<64x512xf32>
    %dot_general3A_1485 = arith.constant dense<0.000000e+00> : vector<512x512xf32>
    %dot_general3A_1486 = tpu.matmul %slice3A_852, %get3A_1484, %dot_general3A_1485 {dimension_numbers = #tpu.dot_dimension_numbers<[1], [0], [0], [1], [0, 0, 1, 1], [], []>, transpose_lhs_hint = false} : vector<512x64xf32>, vector<64x512xf32>, vector<512x512xf32> -> vector<512x512xf32>
    %get3A_1487 = arith.constant 0 : index
    %get3A_1488 = arith.constant 6144 : index
    %get3A_1489 = vector.load %arg5[%get3A_1487, %get3A_1488] : memref<8x8192xf32, #tpu.memory_space<vmem>>, vector<1x512xf32>
    %slice3A_1490 = vector.extract_strided_slice %get3A_1489 {offsets = [0, 0], sizes = [1, 128], strides = [1, 1]} : vector<1x512xf32> to vector<1x128xf32>
    %add3A_1491 = vector.broadcast %slice3A_853 : vector<512x1xf32> to vector<512x128xf32>
    %add3A_1492 = vector.broadcast %slice3A_1490 : vector<1x128xf32> to vector<512x128xf32>
    %add3A_1493 = arith.addf %add3A_1491, %add3A_1492 : vector<512x128xf32>
    %slice3A_1494 = vector.extract_strided_slice %dot_general3A_1486 {offsets = [0, 0], sizes = [512, 128], strides = [1, 1]} : vector<512x512xf32> to vector<512x128xf32>
    %add3A_1495 = arith.addf %add3A_1493, %slice3A_1494 : vector<512x128xf32>
    %lt3A_1496 = arith.cmpf olt, %add3A_1495, %min3A_1478 : vector<512x128xf32>
    %min3A_1497 = arith.minimumf %add3A_1495, %min3A_1478 : vector<512x128xf32>
    %jit3A_1498 = arith.constant 48 : i32
    %broadcast_in_dim3A_1499 = vector.broadcast %jit3A_1498 : i32 to vector<512x128xi32>
    %select_n3A_1500 = arith.select %lt3A_1496, %broadcast_in_dim3A_1499, %select_n3A_1481 : vector<512x128xi1>, vector<512x128xi32>
    %slice3A_1501 = vector.extract_strided_slice %get3A_1489 {offsets = [0, 128], sizes = [1, 128], strides = [1, 1]} : vector<1x512xf32> to vector<1x128xf32>
    %add3A_1502 = vector.broadcast %slice3A_853 : vector<512x1xf32> to vector<512x128xf32>
    %add3A_1503 = vector.broadcast %slice3A_1501 : vector<1x128xf32> to vector<512x128xf32>
    %add3A_1504 = arith.addf %add3A_1502, %add3A_1503 : vector<512x128xf32>
    %slice3A_1505 = vector.extract_strided_slice %dot_general3A_1486 {offsets = [0, 128], sizes = [512, 128], strides = [1, 1]} : vector<512x512xf32> to vector<512x128xf32>
    %add3A_1506 = arith.addf %add3A_1504, %slice3A_1505 : vector<512x128xf32>
    %lt3A_1507 = arith.cmpf olt, %add3A_1506, %min3A_1497 : vector<512x128xf32>
    %min3A_1508 = arith.minimumf %add3A_1506, %min3A_1497 : vector<512x128xf32>
    %jit3A_1509 = arith.constant 49 : i32
    %broadcast_in_dim3A_1510 = vector.broadcast %jit3A_1509 : i32 to vector<512x128xi32>
    %select_n3A_1511 = arith.select %lt3A_1507, %broadcast_in_dim3A_1510, %select_n3A_1500 : vector<512x128xi1>, vector<512x128xi32>
    %slice3A_1512 = vector.extract_strided_slice %get3A_1489 {offsets = [0, 256], sizes = [1, 128], strides = [1, 1]} : vector<1x512xf32> to vector<1x128xf32>
    %add3A_1513 = vector.broadcast %slice3A_853 : vector<512x1xf32> to vector<512x128xf32>
    %add3A_1514 = vector.broadcast %slice3A_1512 : vector<1x128xf32> to vector<512x128xf32>
    %add3A_1515 = arith.addf %add3A_1513, %add3A_1514 : vector<512x128xf32>
    %slice3A_1516 = vector.extract_strided_slice %dot_general3A_1486 {offsets = [0, 256], sizes = [512, 128], strides = [1, 1]} : vector<512x512xf32> to vector<512x128xf32>
    %add3A_1517 = arith.addf %add3A_1515, %slice3A_1516 : vector<512x128xf32>
    %lt3A_1518 = arith.cmpf olt, %add3A_1517, %min3A_1508 : vector<512x128xf32>
    %min3A_1519 = arith.minimumf %add3A_1517, %min3A_1508 : vector<512x128xf32>
    %jit3A_1520 = arith.constant 50 : i32
    %broadcast_in_dim3A_1521 = vector.broadcast %jit3A_1520 : i32 to vector<512x128xi32>
    %select_n3A_1522 = arith.select %lt3A_1518, %broadcast_in_dim3A_1521, %select_n3A_1511 : vector<512x128xi1>, vector<512x128xi32>
    %slice3A_1523 = vector.extract_strided_slice %get3A_1489 {offsets = [0, 384], sizes = [1, 128], strides = [1, 1]} : vector<1x512xf32> to vector<1x128xf32>
    %add3A_1524 = vector.broadcast %slice3A_853 : vector<512x1xf32> to vector<512x128xf32>
    %add3A_1525 = vector.broadcast %slice3A_1523 : vector<1x128xf32> to vector<512x128xf32>
    %add3A_1526 = arith.addf %add3A_1524, %add3A_1525 : vector<512x128xf32>
    %slice3A_1527 = vector.extract_strided_slice %dot_general3A_1486 {offsets = [0, 384], sizes = [512, 128], strides = [1, 1]} : vector<512x512xf32> to vector<512x128xf32>
    %add3A_1528 = arith.addf %add3A_1526, %slice3A_1527 : vector<512x128xf32>
    %lt3A_1529 = arith.cmpf olt, %add3A_1528, %min3A_1519 : vector<512x128xf32>
    %min3A_1530 = arith.minimumf %add3A_1528, %min3A_1519 : vector<512x128xf32>
    %jit3A_1531 = arith.constant 51 : i32
    %broadcast_in_dim3A_1532 = vector.broadcast %jit3A_1531 : i32 to vector<512x128xi32>
    %select_n3A_1533 = arith.select %lt3A_1529, %broadcast_in_dim3A_1532, %select_n3A_1522 : vector<512x128xi1>, vector<512x128xi32>
    %get3A_1534 = arith.constant 0 : index
    %get3A_1535 = arith.constant 6656 : index
    %get3A_1536 = vector.load %arg4[%get3A_1534, %get3A_1535] : memref<64x8192xf32, #tpu.memory_space<vmem>>, vector<64x512xf32>
    %dot_general3A_1537 = arith.constant dense<0.000000e+00> : vector<512x512xf32>
    %dot_general3A_1538 = tpu.matmul %slice3A_852, %get3A_1536, %dot_general3A_1537 {dimension_numbers = #tpu.dot_dimension_numbers<[1], [0], [0], [1], [0, 0, 1, 1], [], []>, transpose_lhs_hint = false} : vector<512x64xf32>, vector<64x512xf32>, vector<512x512xf32> -> vector<512x512xf32>
    %get3A_1539 = arith.constant 0 : index
    %get3A_1540 = arith.constant 6656 : index
    %get3A_1541 = vector.load %arg5[%get3A_1539, %get3A_1540] : memref<8x8192xf32, #tpu.memory_space<vmem>>, vector<1x512xf32>
    %slice3A_1542 = vector.extract_strided_slice %get3A_1541 {offsets = [0, 0], sizes = [1, 128], strides = [1, 1]} : vector<1x512xf32> to vector<1x128xf32>
    %add3A_1543 = vector.broadcast %slice3A_853 : vector<512x1xf32> to vector<512x128xf32>
    %add3A_1544 = vector.broadcast %slice3A_1542 : vector<1x128xf32> to vector<512x128xf32>
    %add3A_1545 = arith.addf %add3A_1543, %add3A_1544 : vector<512x128xf32>
    %slice3A_1546 = vector.extract_strided_slice %dot_general3A_1538 {offsets = [0, 0], sizes = [512, 128], strides = [1, 1]} : vector<512x512xf32> to vector<512x128xf32>
    %add3A_1547 = arith.addf %add3A_1545, %slice3A_1546 : vector<512x128xf32>
    %lt3A_1548 = arith.cmpf olt, %add3A_1547, %min3A_1530 : vector<512x128xf32>
    %min3A_1549 = arith.minimumf %add3A_1547, %min3A_1530 : vector<512x128xf32>
    %jit3A_1550 = arith.constant 52 : i32
    %broadcast_in_dim3A_1551 = vector.broadcast %jit3A_1550 : i32 to vector<512x128xi32>
    %select_n3A_1552 = arith.select %lt3A_1548, %broadcast_in_dim3A_1551, %select_n3A_1533 : vector<512x128xi1>, vector<512x128xi32>
    %slice3A_1553 = vector.extract_strided_slice %get3A_1541 {offsets = [0, 128], sizes = [1, 128], strides = [1, 1]} : vector<1x512xf32> to vector<1x128xf32>
    %add3A_1554 = vector.broadcast %slice3A_853 : vector<512x1xf32> to vector<512x128xf32>
    %add3A_1555 = vector.broadcast %slice3A_1553 : vector<1x128xf32> to vector<512x128xf32>
    %add3A_1556 = arith.addf %add3A_1554, %add3A_1555 : vector<512x128xf32>
    %slice3A_1557 = vector.extract_strided_slice %dot_general3A_1538 {offsets = [0, 128], sizes = [512, 128], strides = [1, 1]} : vector<512x512xf32> to vector<512x128xf32>
    %add3A_1558 = arith.addf %add3A_1556, %slice3A_1557 : vector<512x128xf32>
    %lt3A_1559 = arith.cmpf olt, %add3A_1558, %min3A_1549 : vector<512x128xf32>
    %min3A_1560 = arith.minimumf %add3A_1558, %min3A_1549 : vector<512x128xf32>
    %jit3A_1561 = arith.constant 53 : i32
    %broadcast_in_dim3A_1562 = vector.broadcast %jit3A_1561 : i32 to vector<512x128xi32>
    %select_n3A_1563 = arith.select %lt3A_1559, %broadcast_in_dim3A_1562, %select_n3A_1552 : vector<512x128xi1>, vector<512x128xi32>
    %slice3A_1564 = vector.extract_strided_slice %get3A_1541 {offsets = [0, 256], sizes = [1, 128], strides = [1, 1]} : vector<1x512xf32> to vector<1x128xf32>
    %add3A_1565 = vector.broadcast %slice3A_853 : vector<512x1xf32> to vector<512x128xf32>
    %add3A_1566 = vector.broadcast %slice3A_1564 : vector<1x128xf32> to vector<512x128xf32>
    %add3A_1567 = arith.addf %add3A_1565, %add3A_1566 : vector<512x128xf32>
    %slice3A_1568 = vector.extract_strided_slice %dot_general3A_1538 {offsets = [0, 256], sizes = [512, 128], strides = [1, 1]} : vector<512x512xf32> to vector<512x128xf32>
    %add3A_1569 = arith.addf %add3A_1567, %slice3A_1568 : vector<512x128xf32>
    %lt3A_1570 = arith.cmpf olt, %add3A_1569, %min3A_1560 : vector<512x128xf32>
    %min3A_1571 = arith.minimumf %add3A_1569, %min3A_1560 : vector<512x128xf32>
    %jit3A_1572 = arith.constant 54 : i32
    %broadcast_in_dim3A_1573 = vector.broadcast %jit3A_1572 : i32 to vector<512x128xi32>
    %select_n3A_1574 = arith.select %lt3A_1570, %broadcast_in_dim3A_1573, %select_n3A_1563 : vector<512x128xi1>, vector<512x128xi32>
    %slice3A_1575 = vector.extract_strided_slice %get3A_1541 {offsets = [0, 384], sizes = [1, 128], strides = [1, 1]} : vector<1x512xf32> to vector<1x128xf32>
    %add3A_1576 = vector.broadcast %slice3A_853 : vector<512x1xf32> to vector<512x128xf32>
    %add3A_1577 = vector.broadcast %slice3A_1575 : vector<1x128xf32> to vector<512x128xf32>
    %add3A_1578 = arith.addf %add3A_1576, %add3A_1577 : vector<512x128xf32>
    %slice3A_1579 = vector.extract_strided_slice %dot_general3A_1538 {offsets = [0, 384], sizes = [512, 128], strides = [1, 1]} : vector<512x512xf32> to vector<512x128xf32>
    %add3A_1580 = arith.addf %add3A_1578, %slice3A_1579 : vector<512x128xf32>
    %lt3A_1581 = arith.cmpf olt, %add3A_1580, %min3A_1571 : vector<512x128xf32>
    %min3A_1582 = arith.minimumf %add3A_1580, %min3A_1571 : vector<512x128xf32>
    %jit3A_1583 = arith.constant 55 : i32
    %broadcast_in_dim3A_1584 = vector.broadcast %jit3A_1583 : i32 to vector<512x128xi32>
    %select_n3A_1585 = arith.select %lt3A_1581, %broadcast_in_dim3A_1584, %select_n3A_1574 : vector<512x128xi1>, vector<512x128xi32>
    %get3A_1586 = arith.constant 0 : index
    %get3A_1587 = arith.constant 7168 : index
    %get3A_1588 = vector.load %arg4[%get3A_1586, %get3A_1587] : memref<64x8192xf32, #tpu.memory_space<vmem>>, vector<64x512xf32>
    %dot_general3A_1589 = arith.constant dense<0.000000e+00> : vector<512x512xf32>
    %dot_general3A_1590 = tpu.matmul %slice3A_852, %get3A_1588, %dot_general3A_1589 {dimension_numbers = #tpu.dot_dimension_numbers<[1], [0], [0], [1], [0, 0, 1, 1], [], []>, transpose_lhs_hint = false} : vector<512x64xf32>, vector<64x512xf32>, vector<512x512xf32> -> vector<512x512xf32>
    %get3A_1591 = arith.constant 0 : index
    %get3A_1592 = arith.constant 7168 : index
    %get3A_1593 = vector.load %arg5[%get3A_1591, %get3A_1592] : memref<8x8192xf32, #tpu.memory_space<vmem>>, vector<1x512xf32>
    %slice3A_1594 = vector.extract_strided_slice %get3A_1593 {offsets = [0, 0], sizes = [1, 128], strides = [1, 1]} : vector<1x512xf32> to vector<1x128xf32>
    %add3A_1595 = vector.broadcast %slice3A_853 : vector<512x1xf32> to vector<512x128xf32>
    %add3A_1596 = vector.broadcast %slice3A_1594 : vector<1x128xf32> to vector<512x128xf32>
    %add3A_1597 = arith.addf %add3A_1595, %add3A_1596 : vector<512x128xf32>
    %slice3A_1598 = vector.extract_strided_slice %dot_general3A_1590 {offsets = [0, 0], sizes = [512, 128], strides = [1, 1]} : vector<512x512xf32> to vector<512x128xf32>
    %add3A_1599 = arith.addf %add3A_1597, %slice3A_1598 : vector<512x128xf32>
    %lt3A_1600 = arith.cmpf olt, %add3A_1599, %min3A_1582 : vector<512x128xf32>
    %min3A_1601 = arith.minimumf %add3A_1599, %min3A_1582 : vector<512x128xf32>
    %jit3A_1602 = arith.constant 56 : i32
    %broadcast_in_dim3A_1603 = vector.broadcast %jit3A_1602 : i32 to vector<512x128xi32>
    %select_n3A_1604 = arith.select %lt3A_1600, %broadcast_in_dim3A_1603, %select_n3A_1585 : vector<512x128xi1>, vector<512x128xi32>
    %slice3A_1605 = vector.extract_strided_slice %get3A_1593 {offsets = [0, 128], sizes = [1, 128], strides = [1, 1]} : vector<1x512xf32> to vector<1x128xf32>
    %add3A_1606 = vector.broadcast %slice3A_853 : vector<512x1xf32> to vector<512x128xf32>
    %add3A_1607 = vector.broadcast %slice3A_1605 : vector<1x128xf32> to vector<512x128xf32>
    %add3A_1608 = arith.addf %add3A_1606, %add3A_1607 : vector<512x128xf32>
    %slice3A_1609 = vector.extract_strided_slice %dot_general3A_1590 {offsets = [0, 128], sizes = [512, 128], strides = [1, 1]} : vector<512x512xf32> to vector<512x128xf32>
    %add3A_1610 = arith.addf %add3A_1608, %slice3A_1609 : vector<512x128xf32>
    %lt3A_1611 = arith.cmpf olt, %add3A_1610, %min3A_1601 : vector<512x128xf32>
    %min3A_1612 = arith.minimumf %add3A_1610, %min3A_1601 : vector<512x128xf32>
    %jit3A_1613 = arith.constant 57 : i32
    %broadcast_in_dim3A_1614 = vector.broadcast %jit3A_1613 : i32 to vector<512x128xi32>
    %select_n3A_1615 = arith.select %lt3A_1611, %broadcast_in_dim3A_1614, %select_n3A_1604 : vector<512x128xi1>, vector<512x128xi32>
    %slice3A_1616 = vector.extract_strided_slice %get3A_1593 {offsets = [0, 256], sizes = [1, 128], strides = [1, 1]} : vector<1x512xf32> to vector<1x128xf32>
    %add3A_1617 = vector.broadcast %slice3A_853 : vector<512x1xf32> to vector<512x128xf32>
    %add3A_1618 = vector.broadcast %slice3A_1616 : vector<1x128xf32> to vector<512x128xf32>
    %add3A_1619 = arith.addf %add3A_1617, %add3A_1618 : vector<512x128xf32>
    %slice3A_1620 = vector.extract_strided_slice %dot_general3A_1590 {offsets = [0, 256], sizes = [512, 128], strides = [1, 1]} : vector<512x512xf32> to vector<512x128xf32>
    %add3A_1621 = arith.addf %add3A_1619, %slice3A_1620 : vector<512x128xf32>
    %lt3A_1622 = arith.cmpf olt, %add3A_1621, %min3A_1612 : vector<512x128xf32>
    %min3A_1623 = arith.minimumf %add3A_1621, %min3A_1612 : vector<512x128xf32>
    %jit3A_1624 = arith.constant 58 : i32
    %broadcast_in_dim3A_1625 = vector.broadcast %jit3A_1624 : i32 to vector<512x128xi32>
    %select_n3A_1626 = arith.select %lt3A_1622, %broadcast_in_dim3A_1625, %select_n3A_1615 : vector<512x128xi1>, vector<512x128xi32>
    %slice3A_1627 = vector.extract_strided_slice %get3A_1593 {offsets = [0, 384], sizes = [1, 128], strides = [1, 1]} : vector<1x512xf32> to vector<1x128xf32>
    %add3A_1628 = vector.broadcast %slice3A_853 : vector<512x1xf32> to vector<512x128xf32>
    %add3A_1629 = vector.broadcast %slice3A_1627 : vector<1x128xf32> to vector<512x128xf32>
    %add3A_1630 = arith.addf %add3A_1628, %add3A_1629 : vector<512x128xf32>
    %slice3A_1631 = vector.extract_strided_slice %dot_general3A_1590 {offsets = [0, 384], sizes = [512, 128], strides = [1, 1]} : vector<512x512xf32> to vector<512x128xf32>
    %add3A_1632 = arith.addf %add3A_1630, %slice3A_1631 : vector<512x128xf32>
    %lt3A_1633 = arith.cmpf olt, %add3A_1632, %min3A_1623 : vector<512x128xf32>
    %min3A_1634 = arith.minimumf %add3A_1632, %min3A_1623 : vector<512x128xf32>
    %jit3A_1635 = arith.constant 59 : i32
    %broadcast_in_dim3A_1636 = vector.broadcast %jit3A_1635 : i32 to vector<512x128xi32>
    %select_n3A_1637 = arith.select %lt3A_1633, %broadcast_in_dim3A_1636, %select_n3A_1626 : vector<512x128xi1>, vector<512x128xi32>
    %get3A_1638 = arith.constant 0 : index
    %get3A_1639 = arith.constant 7680 : index
    %get3A_1640 = vector.load %arg4[%get3A_1638, %get3A_1639] : memref<64x8192xf32, #tpu.memory_space<vmem>>, vector<64x512xf32>
    %dot_general3A_1641 = arith.constant dense<0.000000e+00> : vector<512x512xf32>
    %dot_general3A_1642 = tpu.matmul %slice3A_852, %get3A_1640, %dot_general3A_1641 {dimension_numbers = #tpu.dot_dimension_numbers<[1], [0], [0], [1], [0, 0, 1, 1], [], []>, transpose_lhs_hint = false} : vector<512x64xf32>, vector<64x512xf32>, vector<512x512xf32> -> vector<512x512xf32>
    %get3A_1643 = arith.constant 0 : index
    %get3A_1644 = arith.constant 7680 : index
    %get3A_1645 = vector.load %arg5[%get3A_1643, %get3A_1644] : memref<8x8192xf32, #tpu.memory_space<vmem>>, vector<1x512xf32>
    %slice3A_1646 = vector.extract_strided_slice %get3A_1645 {offsets = [0, 0], sizes = [1, 128], strides = [1, 1]} : vector<1x512xf32> to vector<1x128xf32>
    %add3A_1647 = vector.broadcast %slice3A_853 : vector<512x1xf32> to vector<512x128xf32>
    %add3A_1648 = vector.broadcast %slice3A_1646 : vector<1x128xf32> to vector<512x128xf32>
    %add3A_1649 = arith.addf %add3A_1647, %add3A_1648 : vector<512x128xf32>
    %slice3A_1650 = vector.extract_strided_slice %dot_general3A_1642 {offsets = [0, 0], sizes = [512, 128], strides = [1, 1]} : vector<512x512xf32> to vector<512x128xf32>
    %add3A_1651 = arith.addf %add3A_1649, %slice3A_1650 : vector<512x128xf32>
    %lt3A_1652 = arith.cmpf olt, %add3A_1651, %min3A_1634 : vector<512x128xf32>
    %min3A_1653 = arith.minimumf %add3A_1651, %min3A_1634 : vector<512x128xf32>
    %jit3A_1654 = arith.constant 60 : i32
    %broadcast_in_dim3A_1655 = vector.broadcast %jit3A_1654 : i32 to vector<512x128xi32>
    %select_n3A_1656 = arith.select %lt3A_1652, %broadcast_in_dim3A_1655, %select_n3A_1637 : vector<512x128xi1>, vector<512x128xi32>
    %slice3A_1657 = vector.extract_strided_slice %get3A_1645 {offsets = [0, 128], sizes = [1, 128], strides = [1, 1]} : vector<1x512xf32> to vector<1x128xf32>
    %add3A_1658 = vector.broadcast %slice3A_853 : vector<512x1xf32> to vector<512x128xf32>
    %add3A_1659 = vector.broadcast %slice3A_1657 : vector<1x128xf32> to vector<512x128xf32>
    %add3A_1660 = arith.addf %add3A_1658, %add3A_1659 : vector<512x128xf32>
    %slice3A_1661 = vector.extract_strided_slice %dot_general3A_1642 {offsets = [0, 128], sizes = [512, 128], strides = [1, 1]} : vector<512x512xf32> to vector<512x128xf32>
    %add3A_1662 = arith.addf %add3A_1660, %slice3A_1661 : vector<512x128xf32>
    %lt3A_1663 = arith.cmpf olt, %add3A_1662, %min3A_1653 : vector<512x128xf32>
    %min3A_1664 = arith.minimumf %add3A_1662, %min3A_1653 : vector<512x128xf32>
    %jit3A_1665 = arith.constant 61 : i32
    %broadcast_in_dim3A_1666 = vector.broadcast %jit3A_1665 : i32 to vector<512x128xi32>
    %select_n3A_1667 = arith.select %lt3A_1663, %broadcast_in_dim3A_1666, %select_n3A_1656 : vector<512x128xi1>, vector<512x128xi32>
    %slice3A_1668 = vector.extract_strided_slice %get3A_1645 {offsets = [0, 256], sizes = [1, 128], strides = [1, 1]} : vector<1x512xf32> to vector<1x128xf32>
    %add3A_1669 = vector.broadcast %slice3A_853 : vector<512x1xf32> to vector<512x128xf32>
    %add3A_1670 = vector.broadcast %slice3A_1668 : vector<1x128xf32> to vector<512x128xf32>
    %add3A_1671 = arith.addf %add3A_1669, %add3A_1670 : vector<512x128xf32>
    %slice3A_1672 = vector.extract_strided_slice %dot_general3A_1642 {offsets = [0, 256], sizes = [512, 128], strides = [1, 1]} : vector<512x512xf32> to vector<512x128xf32>
    %add3A_1673 = arith.addf %add3A_1671, %slice3A_1672 : vector<512x128xf32>
    %lt3A_1674 = arith.cmpf olt, %add3A_1673, %min3A_1664 : vector<512x128xf32>
    %min3A_1675 = arith.minimumf %add3A_1673, %min3A_1664 : vector<512x128xf32>
    %jit3A_1676 = arith.constant 62 : i32
    %broadcast_in_dim3A_1677 = vector.broadcast %jit3A_1676 : i32 to vector<512x128xi32>
    %select_n3A_1678 = arith.select %lt3A_1674, %broadcast_in_dim3A_1677, %select_n3A_1667 : vector<512x128xi1>, vector<512x128xi32>
    %slice3A_1679 = vector.extract_strided_slice %get3A_1645 {offsets = [0, 384], sizes = [1, 128], strides = [1, 1]} : vector<1x512xf32> to vector<1x128xf32>
    %add3A_1680 = vector.broadcast %slice3A_853 : vector<512x1xf32> to vector<512x128xf32>
    %add3A_1681 = vector.broadcast %slice3A_1679 : vector<1x128xf32> to vector<512x128xf32>
    %add3A_1682 = arith.addf %add3A_1680, %add3A_1681 : vector<512x128xf32>
    %slice3A_1683 = vector.extract_strided_slice %dot_general3A_1642 {offsets = [0, 384], sizes = [512, 128], strides = [1, 1]} : vector<512x512xf32> to vector<512x128xf32>
    %add3A_1684 = arith.addf %add3A_1682, %slice3A_1683 : vector<512x128xf32>
    %lt3A_1685 = arith.cmpf olt, %add3A_1684, %min3A_1675 : vector<512x128xf32>
    %min3A_1686 = arith.minimumf %add3A_1684, %min3A_1675 : vector<512x128xf32>
    %jit3A_1687 = arith.constant 63 : i32
    %broadcast_in_dim3A_1688 = vector.broadcast %jit3A_1687 : i32 to vector<512x128xi32>
    %select_n3A_1689 = arith.select %lt3A_1685, %broadcast_in_dim3A_1688, %select_n3A_1678 : vector<512x128xi1>, vector<512x128xi32>
    %reduce_min3A_1690 = arith.constant dense<0x7F800000> : vector<512xf32>
    %reduce_min3A_1691 = vector.multi_reduction <minimumf>, %min3A_1686, %reduce_min3A_1690 [1] : vector<512x128xf32> to vector<512xf32>
    %broadcast_in_dim3A_1692 = vector.shape_cast %reduce_min3A_1691 : vector<512xf32> to vector<512x1xf32>
    %iota3A_1693 = tpu.iota {dimensions = array<i32: 1>} : vector<512x128xi32>
    %mul3A_1694 = arith.constant 128 : i32
    %mul3A_1695 = vector.broadcast %mul3A_1694 : i32 to vector<512x128xi32>
    %mul3A_1696 = arith.muli %select_n3A_1689, %mul3A_1695 : vector<512x128xi32>
    %add3A_1697 = arith.addi %mul3A_1696, %iota3A_1693 : vector<512x128xi32>
    %eq3A_1698 = vector.broadcast %broadcast_in_dim3A_1692 : vector<512x1xf32> to vector<512x128xf32>
    %eq3A_1699 = arith.cmpf oeq, %min3A_1686, %eq3A_1698 : vector<512x128xf32>
    %jit3A_1700 = arith.constant 1073741824 : i32
    %broadcast_in_dim3A_1701 = vector.broadcast %jit3A_1700 : i32 to vector<512x128xi32>
    %select_n3A_1702 = arith.select %eq3A_1699, %add3A_1697, %broadcast_in_dim3A_1701 : vector<512x128xi1>, vector<512x128xi32>
    %reduce_min3A_1703 = arith.constant dense<2147483647> : vector<512xi32>
    %reduce_min3A_1704 = vector.multi_reduction <minsi>, %select_n3A_1702, %reduce_min3A_1703 [1] : vector<512x128xi32> to vector<512xi32>
    %broadcast_in_dim3A_1705 = vector.shape_cast %reduce_min3A_1704 : vector<512xi32> to vector<512x1xi32>
    %swap3A_1706 = arith.constant 512 : index
    %swap3A_1707 = arith.constant 0 : index
    %swap3A_1708 = vector.load %arg3[%swap3A_1706, %swap3A_1707] : memref<1536x1xi32, #tpu.memory_space<vmem>>, vector<512x1xi32>
    tpu.vector_store %arg3[%swap3A_1706, %swap3A_1707], %broadcast_in_dim3A_1705 {strides = array<i32>} : memref<1536x1xi32, #tpu.memory_space<vmem>>, vector<512x1xi32>,
    %slice3A_1709 = vector.extract_strided_slice %get3A_3 {offsets = [1024, 0], sizes = [512, 64], strides = [1, 1]} : vector<1536x64xf32> to vector<512x64xf32>
    %slice3A_1710 = vector.extract_strided_slice %broadcast_in_dim3A {offsets = [1024, 0], sizes = [512, 1], strides = [1, 1]} : vector<1536x1xf32> to vector<512x1xf32>
    %broadcast_in_dim3A_1711 = arith.constant 0x7F800000 : f32
    %broadcast_in_dim3A_1712 = vector.broadcast %broadcast_in_dim3A_1711 : f32 to vector<512x128xf32>
    %broadcast_in_dim3A_1713 = arith.constant 0 : i32
    %broadcast_in_dim3A_1714 = vector.broadcast %broadcast_in_dim3A_1713 : i32 to vector<512x128xi32>
    %get3A_1715 = arith.constant 0 : index
    %get3A_1716 = arith.constant 0 : index
    %get3A_1717 = vector.load %arg4[%get3A_1715, %get3A_1716] : memref<64x8192xf32, #tpu.memory_space<vmem>>, vector<64x512xf32>
    %dot_general3A_1718 = arith.constant dense<0.000000e+00> : vector<512x512xf32>
    %dot_general3A_1719 = tpu.matmul %slice3A_1709, %get3A_1717, %dot_general3A_1718 {dimension_numbers = #tpu.dot_dimension_numbers<[1], [0], [0], [1], [0, 0, 1, 1], [], []>, transpose_lhs_hint = false} : vector<512x64xf32>, vector<64x512xf32>, vector<512x512xf32> -> vector<512x512xf32>
    %get3A_1720 = arith.constant 0 : index
    %get3A_1721 = arith.constant 0 : index
    %get3A_1722 = vector.load %arg5[%get3A_1720, %get3A_1721] : memref<8x8192xf32, #tpu.memory_space<vmem>>, vector<1x512xf32>
    %slice3A_1723 = vector.extract_strided_slice %get3A_1722 {offsets = [0, 0], sizes = [1, 128], strides = [1, 1]} : vector<1x512xf32> to vector<1x128xf32>
    %add3A_1724 = vector.broadcast %slice3A_1710 : vector<512x1xf32> to vector<512x128xf32>
    %add3A_1725 = vector.broadcast %slice3A_1723 : vector<1x128xf32> to vector<512x128xf32>
    %add3A_1726 = arith.addf %add3A_1724, %add3A_1725 : vector<512x128xf32>
    %slice3A_1727 = vector.extract_strided_slice %dot_general3A_1719 {offsets = [0, 0], sizes = [512, 128], strides = [1, 1]} : vector<512x512xf32> to vector<512x128xf32>
    %add3A_1728 = arith.addf %add3A_1726, %slice3A_1727 : vector<512x128xf32>
    %lt3A_1729 = arith.cmpf olt, %add3A_1728, %broadcast_in_dim3A_1712 : vector<512x128xf32>
    %min3A_1730 = arith.minimumf %add3A_1728, %broadcast_in_dim3A_1712 : vector<512x128xf32>
    %jit3A_1731 = arith.constant 0 : i32
    %broadcast_in_dim3A_1732 = vector.broadcast %jit3A_1731 : i32 to vector<512x128xi32>
    %select_n3A_1733 = arith.select %lt3A_1729, %broadcast_in_dim3A_1732, %broadcast_in_dim3A_1714 : vector<512x128xi1>, vector<512x128xi32>
    %slice3A_1734 = vector.extract_strided_slice %get3A_1722 {offsets = [0, 128], sizes = [1, 128], strides = [1, 1]} : vector<1x512xf32> to vector<1x128xf32>
    %add3A_1735 = vector.broadcast %slice3A_1710 : vector<512x1xf32> to vector<512x128xf32>
    %add3A_1736 = vector.broadcast %slice3A_1734 : vector<1x128xf32> to vector<512x128xf32>
    %add3A_1737 = arith.addf %add3A_1735, %add3A_1736 : vector<512x128xf32>
    %slice3A_1738 = vector.extract_strided_slice %dot_general3A_1719 {offsets = [0, 128], sizes = [512, 128], strides = [1, 1]} : vector<512x512xf32> to vector<512x128xf32>
    %add3A_1739 = arith.addf %add3A_1737, %slice3A_1738 : vector<512x128xf32>
    %lt3A_1740 = arith.cmpf olt, %add3A_1739, %min3A_1730 : vector<512x128xf32>
    %min3A_1741 = arith.minimumf %add3A_1739, %min3A_1730 : vector<512x128xf32>
    %jit3A_1742 = arith.constant 1 : i32
    %broadcast_in_dim3A_1743 = vector.broadcast %jit3A_1742 : i32 to vector<512x128xi32>
    %select_n3A_1744 = arith.select %lt3A_1740, %broadcast_in_dim3A_1743, %select_n3A_1733 : vector<512x128xi1>, vector<512x128xi32>
    %slice3A_1745 = vector.extract_strided_slice %get3A_1722 {offsets = [0, 256], sizes = [1, 128], strides = [1, 1]} : vector<1x512xf32> to vector<1x128xf32>
    %add3A_1746 = vector.broadcast %slice3A_1710 : vector<512x1xf32> to vector<512x128xf32>
    %add3A_1747 = vector.broadcast %slice3A_1745 : vector<1x128xf32> to vector<512x128xf32>
    %add3A_1748 = arith.addf %add3A_1746, %add3A_1747 : vector<512x128xf32>
    %slice3A_1749 = vector.extract_strided_slice %dot_general3A_1719 {offsets = [0, 256], sizes = [512, 128], strides = [1, 1]} : vector<512x512xf32> to vector<512x128xf32>
    %add3A_1750 = arith.addf %add3A_1748, %slice3A_1749 : vector<512x128xf32>
    %lt3A_1751 = arith.cmpf olt, %add3A_1750, %min3A_1741 : vector<512x128xf32>
    %min3A_1752 = arith.minimumf %add3A_1750, %min3A_1741 : vector<512x128xf32>
    %jit3A_1753 = arith.constant 2 : i32
    %broadcast_in_dim3A_1754 = vector.broadcast %jit3A_1753 : i32 to vector<512x128xi32>
    %select_n3A_1755 = arith.select %lt3A_1751, %broadcast_in_dim3A_1754, %select_n3A_1744 : vector<512x128xi1>, vector<512x128xi32>
    %slice3A_1756 = vector.extract_strided_slice %get3A_1722 {offsets = [0, 384], sizes = [1, 128], strides = [1, 1]} : vector<1x512xf32> to vector<1x128xf32>
    %add3A_1757 = vector.broadcast %slice3A_1710 : vector<512x1xf32> to vector<512x128xf32>
    %add3A_1758 = vector.broadcast %slice3A_1756 : vector<1x128xf32> to vector<512x128xf32>
    %add3A_1759 = arith.addf %add3A_1757, %add3A_1758 : vector<512x128xf32>
    %slice3A_1760 = vector.extract_strided_slice %dot_general3A_1719 {offsets = [0, 384], sizes = [512, 128], strides = [1, 1]} : vector<512x512xf32> to vector<512x128xf32>
    %add3A_1761 = arith.addf %add3A_1759, %slice3A_1760 : vector<512x128xf32>
    %lt3A_1762 = arith.cmpf olt, %add3A_1761, %min3A_1752 : vector<512x128xf32>
    %min3A_1763 = arith.minimumf %add3A_1761, %min3A_1752 : vector<512x128xf32>
    %jit3A_1764 = arith.constant 3 : i32
    %broadcast_in_dim3A_1765 = vector.broadcast %jit3A_1764 : i32 to vector<512x128xi32>
    %select_n3A_1766 = arith.select %lt3A_1762, %broadcast_in_dim3A_1765, %select_n3A_1755 : vector<512x128xi1>, vector<512x128xi32>
    %get3A_1767 = arith.constant 0 : index
    %get3A_1768 = arith.constant 512 : index
    %get3A_1769 = vector.load %arg4[%get3A_1767, %get3A_1768] : memref<64x8192xf32, #tpu.memory_space<vmem>>, vector<64x512xf32>
    %dot_general3A_1770 = arith.constant dense<0.000000e+00> : vector<512x512xf32>
    %dot_general3A_1771 = tpu.matmul %slice3A_1709, %get3A_1769, %dot_general3A_1770 {dimension_numbers = #tpu.dot_dimension_numbers<[1], [0], [0], [1], [0, 0, 1, 1], [], []>, transpose_lhs_hint = false} : vector<512x64xf32>, vector<64x512xf32>, vector<512x512xf32> -> vector<512x512xf32>
    %get3A_1772 = arith.constant 0 : index
    %get3A_1773 = arith.constant 512 : index
    %get3A_1774 = vector.load %arg5[%get3A_1772, %get3A_1773] : memref<8x8192xf32, #tpu.memory_space<vmem>>, vector<1x512xf32>
    %slice3A_1775 = vector.extract_strided_slice %get3A_1774 {offsets = [0, 0], sizes = [1, 128], strides = [1, 1]} : vector<1x512xf32> to vector<1x128xf32>
    %add3A_1776 = vector.broadcast %slice3A_1710 : vector<512x1xf32> to vector<512x128xf32>
    %add3A_1777 = vector.broadcast %slice3A_1775 : vector<1x128xf32> to vector<512x128xf32>
    %add3A_1778 = arith.addf %add3A_1776, %add3A_1777 : vector<512x128xf32>
    %slice3A_1779 = vector.extract_strided_slice %dot_general3A_1771 {offsets = [0, 0], sizes = [512, 128], strides = [1, 1]} : vector<512x512xf32> to vector<512x128xf32>
    %add3A_1780 = arith.addf %add3A_1778, %slice3A_1779 : vector<512x128xf32>
    %lt3A_1781 = arith.cmpf olt, %add3A_1780, %min3A_1763 : vector<512x128xf32>
    %min3A_1782 = arith.minimumf %add3A_1780, %min3A_1763 : vector<512x128xf32>
    %jit3A_1783 = arith.constant 4 : i32
    %broadcast_in_dim3A_1784 = vector.broadcast %jit3A_1783 : i32 to vector<512x128xi32>
    %select_n3A_1785 = arith.select %lt3A_1781, %broadcast_in_dim3A_1784, %select_n3A_1766 : vector<512x128xi1>, vector<512x128xi32>
    %slice3A_1786 = vector.extract_strided_slice %get3A_1774 {offsets = [0, 128], sizes = [1, 128], strides = [1, 1]} : vector<1x512xf32> to vector<1x128xf32>
    %add3A_1787 = vector.broadcast %slice3A_1710 : vector<512x1xf32> to vector<512x128xf32>
    %add3A_1788 = vector.broadcast %slice3A_1786 : vector<1x128xf32> to vector<512x128xf32>
    %add3A_1789 = arith.addf %add3A_1787, %add3A_1788 : vector<512x128xf32>
    %slice3A_1790 = vector.extract_strided_slice %dot_general3A_1771 {offsets = [0, 128], sizes = [512, 128], strides = [1, 1]} : vector<512x512xf32> to vector<512x128xf32>
    %add3A_1791 = arith.addf %add3A_1789, %slice3A_1790 : vector<512x128xf32>
    %lt3A_1792 = arith.cmpf olt, %add3A_1791, %min3A_1782 : vector<512x128xf32>
    %min3A_1793 = arith.minimumf %add3A_1791, %min3A_1782 : vector<512x128xf32>
    %jit3A_1794 = arith.constant 5 : i32
    %broadcast_in_dim3A_1795 = vector.broadcast %jit3A_1794 : i32 to vector<512x128xi32>
    %select_n3A_1796 = arith.select %lt3A_1792, %broadcast_in_dim3A_1795, %select_n3A_1785 : vector<512x128xi1>, vector<512x128xi32>
    %slice3A_1797 = vector.extract_strided_slice %get3A_1774 {offsets = [0, 256], sizes = [1, 128], strides = [1, 1]} : vector<1x512xf32> to vector<1x128xf32>
    %add3A_1798 = vector.broadcast %slice3A_1710 : vector<512x1xf32> to vector<512x128xf32>
    %add3A_1799 = vector.broadcast %slice3A_1797 : vector<1x128xf32> to vector<512x128xf32>
    %add3A_1800 = arith.addf %add3A_1798, %add3A_1799 : vector<512x128xf32>
    %slice3A_1801 = vector.extract_strided_slice %dot_general3A_1771 {offsets = [0, 256], sizes = [512, 128], strides = [1, 1]} : vector<512x512xf32> to vector<512x128xf32>
    %add3A_1802 = arith.addf %add3A_1800, %slice3A_1801 : vector<512x128xf32>
    %lt3A_1803 = arith.cmpf olt, %add3A_1802, %min3A_1793 : vector<512x128xf32>
    %min3A_1804 = arith.minimumf %add3A_1802, %min3A_1793 : vector<512x128xf32>
    %jit3A_1805 = arith.constant 6 : i32
    %broadcast_in_dim3A_1806 = vector.broadcast %jit3A_1805 : i32 to vector<512x128xi32>
    %select_n3A_1807 = arith.select %lt3A_1803, %broadcast_in_dim3A_1806, %select_n3A_1796 : vector<512x128xi1>, vector<512x128xi32>
    %slice3A_1808 = vector.extract_strided_slice %get3A_1774 {offsets = [0, 384], sizes = [1, 128], strides = [1, 1]} : vector<1x512xf32> to vector<1x128xf32>
    %add3A_1809 = vector.broadcast %slice3A_1710 : vector<512x1xf32> to vector<512x128xf32>
    %add3A_1810 = vector.broadcast %slice3A_1808 : vector<1x128xf32> to vector<512x128xf32>
    %add3A_1811 = arith.addf %add3A_1809, %add3A_1810 : vector<512x128xf32>
    %slice3A_1812 = vector.extract_strided_slice %dot_general3A_1771 {offsets = [0, 384], sizes = [512, 128], strides = [1, 1]} : vector<512x512xf32> to vector<512x128xf32>
    %add3A_1813 = arith.addf %add3A_1811, %slice3A_1812 : vector<512x128xf32>
    %lt3A_1814 = arith.cmpf olt, %add3A_1813, %min3A_1804 : vector<512x128xf32>
    %min3A_1815 = arith.minimumf %add3A_1813, %min3A_1804 : vector<512x128xf32>
    %jit3A_1816 = arith.constant 7 : i32
    %broadcast_in_dim3A_1817 = vector.broadcast %jit3A_1816 : i32 to vector<512x128xi32>
    %select_n3A_1818 = arith.select %lt3A_1814, %broadcast_in_dim3A_1817, %select_n3A_1807 : vector<512x128xi1>, vector<512x128xi32>
    %get3A_1819 = arith.constant 0 : index
    %get3A_1820 = arith.constant 1024 : index
    %get3A_1821 = vector.load %arg4[%get3A_1819, %get3A_1820] : memref<64x8192xf32, #tpu.memory_space<vmem>>, vector<64x512xf32>
    %dot_general3A_1822 = arith.constant dense<0.000000e+00> : vector<512x512xf32>
    %dot_general3A_1823 = tpu.matmul %slice3A_1709, %get3A_1821, %dot_general3A_1822 {dimension_numbers = #tpu.dot_dimension_numbers<[1], [0], [0], [1], [0, 0, 1, 1], [], []>, transpose_lhs_hint = false} : vector<512x64xf32>, vector<64x512xf32>, vector<512x512xf32> -> vector<512x512xf32>
    %get3A_1824 = arith.constant 0 : index
    %get3A_1825 = arith.constant 1024 : index
    %get3A_1826 = vector.load %arg5[%get3A_1824, %get3A_1825] : memref<8x8192xf32, #tpu.memory_space<vmem>>, vector<1x512xf32>
    %slice3A_1827 = vector.extract_strided_slice %get3A_1826 {offsets = [0, 0], sizes = [1, 128], strides = [1, 1]} : vector<1x512xf32> to vector<1x128xf32>
    %add3A_1828 = vector.broadcast %slice3A_1710 : vector<512x1xf32> to vector<512x128xf32>
    %add3A_1829 = vector.broadcast %slice3A_1827 : vector<1x128xf32> to vector<512x128xf32>
    %add3A_1830 = arith.addf %add3A_1828, %add3A_1829 : vector<512x128xf32>
    %slice3A_1831 = vector.extract_strided_slice %dot_general3A_1823 {offsets = [0, 0], sizes = [512, 128], strides = [1, 1]} : vector<512x512xf32> to vector<512x128xf32>
    %add3A_1832 = arith.addf %add3A_1830, %slice3A_1831 : vector<512x128xf32>
    %lt3A_1833 = arith.cmpf olt, %add3A_1832, %min3A_1815 : vector<512x128xf32>
    %min3A_1834 = arith.minimumf %add3A_1832, %min3A_1815 : vector<512x128xf32>
    %jit3A_1835 = arith.constant 8 : i32
    %broadcast_in_dim3A_1836 = vector.broadcast %jit3A_1835 : i32 to vector<512x128xi32>
    %select_n3A_1837 = arith.select %lt3A_1833, %broadcast_in_dim3A_1836, %select_n3A_1818 : vector<512x128xi1>, vector<512x128xi32>
    %slice3A_1838 = vector.extract_strided_slice %get3A_1826 {offsets = [0, 128], sizes = [1, 128], strides = [1, 1]} : vector<1x512xf32> to vector<1x128xf32>
    %add3A_1839 = vector.broadcast %slice3A_1710 : vector<512x1xf32> to vector<512x128xf32>
    %add3A_1840 = vector.broadcast %slice3A_1838 : vector<1x128xf32> to vector<512x128xf32>
    %add3A_1841 = arith.addf %add3A_1839, %add3A_1840 : vector<512x128xf32>
    %slice3A_1842 = vector.extract_strided_slice %dot_general3A_1823 {offsets = [0, 128], sizes = [512, 128], strides = [1, 1]} : vector<512x512xf32> to vector<512x128xf32>
    %add3A_1843 = arith.addf %add3A_1841, %slice3A_1842 : vector<512x128xf32>
    %lt3A_1844 = arith.cmpf olt, %add3A_1843, %min3A_1834 : vector<512x128xf32>
    %min3A_1845 = arith.minimumf %add3A_1843, %min3A_1834 : vector<512x128xf32>
    %jit3A_1846 = arith.constant 9 : i32
    %broadcast_in_dim3A_1847 = vector.broadcast %jit3A_1846 : i32 to vector<512x128xi32>
    %select_n3A_1848 = arith.select %lt3A_1844, %broadcast_in_dim3A_1847, %select_n3A_1837 : vector<512x128xi1>, vector<512x128xi32>
    %slice3A_1849 = vector.extract_strided_slice %get3A_1826 {offsets = [0, 256], sizes = [1, 128], strides = [1, 1]} : vector<1x512xf32> to vector<1x128xf32>
    %add3A_1850 = vector.broadcast %slice3A_1710 : vector<512x1xf32> to vector<512x128xf32>
    %add3A_1851 = vector.broadcast %slice3A_1849 : vector<1x128xf32> to vector<512x128xf32>
    %add3A_1852 = arith.addf %add3A_1850, %add3A_1851 : vector<512x128xf32>
    %slice3A_1853 = vector.extract_strided_slice %dot_general3A_1823 {offsets = [0, 256], sizes = [512, 128], strides = [1, 1]} : vector<512x512xf32> to vector<512x128xf32>
    %add3A_1854 = arith.addf %add3A_1852, %slice3A_1853 : vector<512x128xf32>
    %lt3A_1855 = arith.cmpf olt, %add3A_1854, %min3A_1845 : vector<512x128xf32>
    %min3A_1856 = arith.minimumf %add3A_1854, %min3A_1845 : vector<512x128xf32>
    %jit3A_1857 = arith.constant 10 : i32
    %broadcast_in_dim3A_1858 = vector.broadcast %jit3A_1857 : i32 to vector<512x128xi32>
    %select_n3A_1859 = arith.select %lt3A_1855, %broadcast_in_dim3A_1858, %select_n3A_1848 : vector<512x128xi1>, vector<512x128xi32>
    %slice3A_1860 = vector.extract_strided_slice %get3A_1826 {offsets = [0, 384], sizes = [1, 128], strides = [1, 1]} : vector<1x512xf32> to vector<1x128xf32>
    %add3A_1861 = vector.broadcast %slice3A_1710 : vector<512x1xf32> to vector<512x128xf32>
    %add3A_1862 = vector.broadcast %slice3A_1860 : vector<1x128xf32> to vector<512x128xf32>
    %add3A_1863 = arith.addf %add3A_1861, %add3A_1862 : vector<512x128xf32>
    %slice3A_1864 = vector.extract_strided_slice %dot_general3A_1823 {offsets = [0, 384], sizes = [512, 128], strides = [1, 1]} : vector<512x512xf32> to vector<512x128xf32>
    %add3A_1865 = arith.addf %add3A_1863, %slice3A_1864 : vector<512x128xf32>
    %lt3A_1866 = arith.cmpf olt, %add3A_1865, %min3A_1856 : vector<512x128xf32>
    %min3A_1867 = arith.minimumf %add3A_1865, %min3A_1856 : vector<512x128xf32>
    %jit3A_1868 = arith.constant 11 : i32
    %broadcast_in_dim3A_1869 = vector.broadcast %jit3A_1868 : i32 to vector<512x128xi32>
    %select_n3A_1870 = arith.select %lt3A_1866, %broadcast_in_dim3A_1869, %select_n3A_1859 : vector<512x128xi1>, vector<512x128xi32>
    %get3A_1871 = arith.constant 0 : index
    %get3A_1872 = arith.constant 1536 : index
    %get3A_1873 = vector.load %arg4[%get3A_1871, %get3A_1872] : memref<64x8192xf32, #tpu.memory_space<vmem>>, vector<64x512xf32>
    %dot_general3A_1874 = arith.constant dense<0.000000e+00> : vector<512x512xf32>
    %dot_general3A_1875 = tpu.matmul %slice3A_1709, %get3A_1873, %dot_general3A_1874 {dimension_numbers = #tpu.dot_dimension_numbers<[1], [0], [0], [1], [0, 0, 1, 1], [], []>, transpose_lhs_hint = false} : vector<512x64xf32>, vector<64x512xf32>, vector<512x512xf32> -> vector<512x512xf32>
    %get3A_1876 = arith.constant 0 : index
    %get3A_1877 = arith.constant 1536 : index
    %get3A_1878 = vector.load %arg5[%get3A_1876, %get3A_1877] : memref<8x8192xf32, #tpu.memory_space<vmem>>, vector<1x512xf32>
    %slice3A_1879 = vector.extract_strided_slice %get3A_1878 {offsets = [0, 0], sizes = [1, 128], strides = [1, 1]} : vector<1x512xf32> to vector<1x128xf32>
    %add3A_1880 = vector.broadcast %slice3A_1710 : vector<512x1xf32> to vector<512x128xf32>
    %add3A_1881 = vector.broadcast %slice3A_1879 : vector<1x128xf32> to vector<512x128xf32>
    %add3A_1882 = arith.addf %add3A_1880, %add3A_1881 : vector<512x128xf32>
    %slice3A_1883 = vector.extract_strided_slice %dot_general3A_1875 {offsets = [0, 0], sizes = [512, 128], strides = [1, 1]} : vector<512x512xf32> to vector<512x128xf32>
    %add3A_1884 = arith.addf %add3A_1882, %slice3A_1883 : vector<512x128xf32>
    %lt3A_1885 = arith.cmpf olt, %add3A_1884, %min3A_1867 : vector<512x128xf32>
    %min3A_1886 = arith.minimumf %add3A_1884, %min3A_1867 : vector<512x128xf32>
    %jit3A_1887 = arith.constant 12 : i32
    %broadcast_in_dim3A_1888 = vector.broadcast %jit3A_1887 : i32 to vector<512x128xi32>
    %select_n3A_1889 = arith.select %lt3A_1885, %broadcast_in_dim3A_1888, %select_n3A_1870 : vector<512x128xi1>, vector<512x128xi32>
    %slice3A_1890 = vector.extract_strided_slice %get3A_1878 {offsets = [0, 128], sizes = [1, 128], strides = [1, 1]} : vector<1x512xf32> to vector<1x128xf32>
    %add3A_1891 = vector.broadcast %slice3A_1710 : vector<512x1xf32> to vector<512x128xf32>
    %add3A_1892 = vector.broadcast %slice3A_1890 : vector<1x128xf32> to vector<512x128xf32>
    %add3A_1893 = arith.addf %add3A_1891, %add3A_1892 : vector<512x128xf32>
    %slice3A_1894 = vector.extract_strided_slice %dot_general3A_1875 {offsets = [0, 128], sizes = [512, 128], strides = [1, 1]} : vector<512x512xf32> to vector<512x128xf32>
    %add3A_1895 = arith.addf %add3A_1893, %slice3A_1894 : vector<512x128xf32>
    %lt3A_1896 = arith.cmpf olt, %add3A_1895, %min3A_1886 : vector<512x128xf32>
    %min3A_1897 = arith.minimumf %add3A_1895, %min3A_1886 : vector<512x128xf32>
    %jit3A_1898 = arith.constant 13 : i32
    %broadcast_in_dim3A_1899 = vector.broadcast %jit3A_1898 : i32 to vector<512x128xi32>
    %select_n3A_1900 = arith.select %lt3A_1896, %broadcast_in_dim3A_1899, %select_n3A_1889 : vector<512x128xi1>, vector<512x128xi32>
    %slice3A_1901 = vector.extract_strided_slice %get3A_1878 {offsets = [0, 256], sizes = [1, 128], strides = [1, 1]} : vector<1x512xf32> to vector<1x128xf32>
    %add3A_1902 = vector.broadcast %slice3A_1710 : vector<512x1xf32> to vector<512x128xf32>
    %add3A_1903 = vector.broadcast %slice3A_1901 : vector<1x128xf32> to vector<512x128xf32>
    %add3A_1904 = arith.addf %add3A_1902, %add3A_1903 : vector<512x128xf32>
    %slice3A_1905 = vector.extract_strided_slice %dot_general3A_1875 {offsets = [0, 256], sizes = [512, 128], strides = [1, 1]} : vector<512x512xf32> to vector<512x128xf32>
    %add3A_1906 = arith.addf %add3A_1904, %slice3A_1905 : vector<512x128xf32>
    %lt3A_1907 = arith.cmpf olt, %add3A_1906, %min3A_1897 : vector<512x128xf32>
    %min3A_1908 = arith.minimumf %add3A_1906, %min3A_1897 : vector<512x128xf32>
    %jit3A_1909 = arith.constant 14 : i32
    %broadcast_in_dim3A_1910 = vector.broadcast %jit3A_1909 : i32 to vector<512x128xi32>
    %select_n3A_1911 = arith.select %lt3A_1907, %broadcast_in_dim3A_1910, %select_n3A_1900 : vector<512x128xi1>, vector<512x128xi32>
    %slice3A_1912 = vector.extract_strided_slice %get3A_1878 {offsets = [0, 384], sizes = [1, 128], strides = [1, 1]} : vector<1x512xf32> to vector<1x128xf32>
    %add3A_1913 = vector.broadcast %slice3A_1710 : vector<512x1xf32> to vector<512x128xf32>
    %add3A_1914 = vector.broadcast %slice3A_1912 : vector<1x128xf32> to vector<512x128xf32>
    %add3A_1915 = arith.addf %add3A_1913, %add3A_1914 : vector<512x128xf32>
    %slice3A_1916 = vector.extract_strided_slice %dot_general3A_1875 {offsets = [0, 384], sizes = [512, 128], strides = [1, 1]} : vector<512x512xf32> to vector<512x128xf32>
    %add3A_1917 = arith.addf %add3A_1915, %slice3A_1916 : vector<512x128xf32>
    %lt3A_1918 = arith.cmpf olt, %add3A_1917, %min3A_1908 : vector<512x128xf32>
    %min3A_1919 = arith.minimumf %add3A_1917, %min3A_1908 : vector<512x128xf32>
    %jit3A_1920 = arith.constant 15 : i32
    %broadcast_in_dim3A_1921 = vector.broadcast %jit3A_1920 : i32 to vector<512x128xi32>
    %select_n3A_1922 = arith.select %lt3A_1918, %broadcast_in_dim3A_1921, %select_n3A_1911 : vector<512x128xi1>, vector<512x128xi32>
    %get3A_1923 = arith.constant 0 : index
    %get3A_1924 = arith.constant 2048 : index
    %get3A_1925 = vector.load %arg4[%get3A_1923, %get3A_1924] : memref<64x8192xf32, #tpu.memory_space<vmem>>, vector<64x512xf32>
    %dot_general3A_1926 = arith.constant dense<0.000000e+00> : vector<512x512xf32>
    %dot_general3A_1927 = tpu.matmul %slice3A_1709, %get3A_1925, %dot_general3A_1926 {dimension_numbers = #tpu.dot_dimension_numbers<[1], [0], [0], [1], [0, 0, 1, 1], [], []>, transpose_lhs_hint = false} : vector<512x64xf32>, vector<64x512xf32>, vector<512x512xf32> -> vector<512x512xf32>
    %get3A_1928 = arith.constant 0 : index
    %get3A_1929 = arith.constant 2048 : index
    %get3A_1930 = vector.load %arg5[%get3A_1928, %get3A_1929] : memref<8x8192xf32, #tpu.memory_space<vmem>>, vector<1x512xf32>
    %slice3A_1931 = vector.extract_strided_slice %get3A_1930 {offsets = [0, 0], sizes = [1, 128], strides = [1, 1]} : vector<1x512xf32> to vector<1x128xf32>
    %add3A_1932 = vector.broadcast %slice3A_1710 : vector<512x1xf32> to vector<512x128xf32>
    %add3A_1933 = vector.broadcast %slice3A_1931 : vector<1x128xf32> to vector<512x128xf32>
    %add3A_1934 = arith.addf %add3A_1932, %add3A_1933 : vector<512x128xf32>
    %slice3A_1935 = vector.extract_strided_slice %dot_general3A_1927 {offsets = [0, 0], sizes = [512, 128], strides = [1, 1]} : vector<512x512xf32> to vector<512x128xf32>
    %add3A_1936 = arith.addf %add3A_1934, %slice3A_1935 : vector<512x128xf32>
    %lt3A_1937 = arith.cmpf olt, %add3A_1936, %min3A_1919 : vector<512x128xf32>
    %min3A_1938 = arith.minimumf %add3A_1936, %min3A_1919 : vector<512x128xf32>
    %jit3A_1939 = arith.constant 16 : i32
    %broadcast_in_dim3A_1940 = vector.broadcast %jit3A_1939 : i32 to vector<512x128xi32>
    %select_n3A_1941 = arith.select %lt3A_1937, %broadcast_in_dim3A_1940, %select_n3A_1922 : vector<512x128xi1>, vector<512x128xi32>
    %slice3A_1942 = vector.extract_strided_slice %get3A_1930 {offsets = [0, 128], sizes = [1, 128], strides = [1, 1]} : vector<1x512xf32> to vector<1x128xf32>
    %add3A_1943 = vector.broadcast %slice3A_1710 : vector<512x1xf32> to vector<512x128xf32>
    %add3A_1944 = vector.broadcast %slice3A_1942 : vector<1x128xf32> to vector<512x128xf32>
    %add3A_1945 = arith.addf %add3A_1943, %add3A_1944 : vector<512x128xf32>
    %slice3A_1946 = vector.extract_strided_slice %dot_general3A_1927 {offsets = [0, 128], sizes = [512, 128], strides = [1, 1]} : vector<512x512xf32> to vector<512x128xf32>
    %add3A_1947 = arith.addf %add3A_1945, %slice3A_1946 : vector<512x128xf32>
    %lt3A_1948 = arith.cmpf olt, %add3A_1947, %min3A_1938 : vector<512x128xf32>
    %min3A_1949 = arith.minimumf %add3A_1947, %min3A_1938 : vector<512x128xf32>
    %jit3A_1950 = arith.constant 17 : i32
    %broadcast_in_dim3A_1951 = vector.broadcast %jit3A_1950 : i32 to vector<512x128xi32>
    %select_n3A_1952 = arith.select %lt3A_1948, %broadcast_in_dim3A_1951, %select_n3A_1941 : vector<512x128xi1>, vector<512x128xi32>
    %slice3A_1953 = vector.extract_strided_slice %get3A_1930 {offsets = [0, 256], sizes = [1, 128], strides = [1, 1]} : vector<1x512xf32> to vector<1x128xf32>
    %add3A_1954 = vector.broadcast %slice3A_1710 : vector<512x1xf32> to vector<512x128xf32>
    %add3A_1955 = vector.broadcast %slice3A_1953 : vector<1x128xf32> to vector<512x128xf32>
    %add3A_1956 = arith.addf %add3A_1954, %add3A_1955 : vector<512x128xf32>
    %slice3A_1957 = vector.extract_strided_slice %dot_general3A_1927 {offsets = [0, 256], sizes = [512, 128], strides = [1, 1]} : vector<512x512xf32> to vector<512x128xf32>
    %add3A_1958 = arith.addf %add3A_1956, %slice3A_1957 : vector<512x128xf32>
    %lt3A_1959 = arith.cmpf olt, %add3A_1958, %min3A_1949 : vector<512x128xf32>
    %min3A_1960 = arith.minimumf %add3A_1958, %min3A_1949 : vector<512x128xf32>
    %jit3A_1961 = arith.constant 18 : i32
    %broadcast_in_dim3A_1962 = vector.broadcast %jit3A_1961 : i32 to vector<512x128xi32>
    %select_n3A_1963 = arith.select %lt3A_1959, %broadcast_in_dim3A_1962, %select_n3A_1952 : vector<512x128xi1>, vector<512x128xi32>
    %slice3A_1964 = vector.extract_strided_slice %get3A_1930 {offsets = [0, 384], sizes = [1, 128], strides = [1, 1]} : vector<1x512xf32> to vector<1x128xf32>
    %add3A_1965 = vector.broadcast %slice3A_1710 : vector<512x1xf32> to vector<512x128xf32>
    %add3A_1966 = vector.broadcast %slice3A_1964 : vector<1x128xf32> to vector<512x128xf32>
    %add3A_1967 = arith.addf %add3A_1965, %add3A_1966 : vector<512x128xf32>
    %slice3A_1968 = vector.extract_strided_slice %dot_general3A_1927 {offsets = [0, 384], sizes = [512, 128], strides = [1, 1]} : vector<512x512xf32> to vector<512x128xf32>
    %add3A_1969 = arith.addf %add3A_1967, %slice3A_1968 : vector<512x128xf32>
    %lt3A_1970 = arith.cmpf olt, %add3A_1969, %min3A_1960 : vector<512x128xf32>
    %min3A_1971 = arith.minimumf %add3A_1969, %min3A_1960 : vector<512x128xf32>
    %jit3A_1972 = arith.constant 19 : i32
    %broadcast_in_dim3A_1973 = vector.broadcast %jit3A_1972 : i32 to vector<512x128xi32>
    %select_n3A_1974 = arith.select %lt3A_1970, %broadcast_in_dim3A_1973, %select_n3A_1963 : vector<512x128xi1>, vector<512x128xi32>
    %get3A_1975 = arith.constant 0 : index
    %get3A_1976 = arith.constant 2560 : index
    %get3A_1977 = vector.load %arg4[%get3A_1975, %get3A_1976] : memref<64x8192xf32, #tpu.memory_space<vmem>>, vector<64x512xf32>
    %dot_general3A_1978 = arith.constant dense<0.000000e+00> : vector<512x512xf32>
    %dot_general3A_1979 = tpu.matmul %slice3A_1709, %get3A_1977, %dot_general3A_1978 {dimension_numbers = #tpu.dot_dimension_numbers<[1], [0], [0], [1], [0, 0, 1, 1], [], []>, transpose_lhs_hint = false} : vector<512x64xf32>, vector<64x512xf32>, vector<512x512xf32> -> vector<512x512xf32>
    %get3A_1980 = arith.constant 0 : index
    %get3A_1981 = arith.constant 2560 : index
    %get3A_1982 = vector.load %arg5[%get3A_1980, %get3A_1981] : memref<8x8192xf32, #tpu.memory_space<vmem>>, vector<1x512xf32>
    %slice3A_1983 = vector.extract_strided_slice %get3A_1982 {offsets = [0, 0], sizes = [1, 128], strides = [1, 1]} : vector<1x512xf32> to vector<1x128xf32>
    %add3A_1984 = vector.broadcast %slice3A_1710 : vector<512x1xf32> to vector<512x128xf32>
    %add3A_1985 = vector.broadcast %slice3A_1983 : vector<1x128xf32> to vector<512x128xf32>
    %add3A_1986 = arith.addf %add3A_1984, %add3A_1985 : vector<512x128xf32>
    %slice3A_1987 = vector.extract_strided_slice %dot_general3A_1979 {offsets = [0, 0], sizes = [512, 128], strides = [1, 1]} : vector<512x512xf32> to vector<512x128xf32>
    %add3A_1988 = arith.addf %add3A_1986, %slice3A_1987 : vector<512x128xf32>
    %lt3A_1989 = arith.cmpf olt, %add3A_1988, %min3A_1971 : vector<512x128xf32>
    %min3A_1990 = arith.minimumf %add3A_1988, %min3A_1971 : vector<512x128xf32>
    %jit3A_1991 = arith.constant 20 : i32
    %broadcast_in_dim3A_1992 = vector.broadcast %jit3A_1991 : i32 to vector<512x128xi32>
    %select_n3A_1993 = arith.select %lt3A_1989, %broadcast_in_dim3A_1992, %select_n3A_1974 : vector<512x128xi1>, vector<512x128xi32>
    %slice3A_1994 = vector.extract_strided_slice %get3A_1982 {offsets = [0, 128], sizes = [1, 128], strides = [1, 1]} : vector<1x512xf32> to vector<1x128xf32>
    %add3A_1995 = vector.broadcast %slice3A_1710 : vector<512x1xf32> to vector<512x128xf32>
    %add3A_1996 = vector.broadcast %slice3A_1994 : vector<1x128xf32> to vector<512x128xf32>
    %add3A_1997 = arith.addf %add3A_1995, %add3A_1996 : vector<512x128xf32>
    %slice3A_1998 = vector.extract_strided_slice %dot_general3A_1979 {offsets = [0, 128], sizes = [512, 128], strides = [1, 1]} : vector<512x512xf32> to vector<512x128xf32>
    %add3A_1999 = arith.addf %add3A_1997, %slice3A_1998 : vector<512x128xf32>
    %lt3A_2000 = arith.cmpf olt, %add3A_1999, %min3A_1990 : vector<512x128xf32>
    %min3A_2001 = arith.minimumf %add3A_1999, %min3A_1990 : vector<512x128xf32>
    %jit3A_2002 = arith.constant 21 : i32
    %broadcast_in_dim3A_2003 = vector.broadcast %jit3A_2002 : i32 to vector<512x128xi32>
    %select_n3A_2004 = arith.select %lt3A_2000, %broadcast_in_dim3A_2003, %select_n3A_1993 : vector<512x128xi1>, vector<512x128xi32>
    %slice3A_2005 = vector.extract_strided_slice %get3A_1982 {offsets = [0, 256], sizes = [1, 128], strides = [1, 1]} : vector<1x512xf32> to vector<1x128xf32>
    %add3A_2006 = vector.broadcast %slice3A_1710 : vector<512x1xf32> to vector<512x128xf32>
    %add3A_2007 = vector.broadcast %slice3A_2005 : vector<1x128xf32> to vector<512x128xf32>
    %add3A_2008 = arith.addf %add3A_2006, %add3A_2007 : vector<512x128xf32>
    %slice3A_2009 = vector.extract_strided_slice %dot_general3A_1979 {offsets = [0, 256], sizes = [512, 128], strides = [1, 1]} : vector<512x512xf32> to vector<512x128xf32>
    %add3A_2010 = arith.addf %add3A_2008, %slice3A_2009 : vector<512x128xf32>
    %lt3A_2011 = arith.cmpf olt, %add3A_2010, %min3A_2001 : vector<512x128xf32>
    %min3A_2012 = arith.minimumf %add3A_2010, %min3A_2001 : vector<512x128xf32>
    %jit3A_2013 = arith.constant 22 : i32
    %broadcast_in_dim3A_2014 = vector.broadcast %jit3A_2013 : i32 to vector<512x128xi32>
    %select_n3A_2015 = arith.select %lt3A_2011, %broadcast_in_dim3A_2014, %select_n3A_2004 : vector<512x128xi1>, vector<512x128xi32>
    %slice3A_2016 = vector.extract_strided_slice %get3A_1982 {offsets = [0, 384], sizes = [1, 128], strides = [1, 1]} : vector<1x512xf32> to vector<1x128xf32>
    %add3A_2017 = vector.broadcast %slice3A_1710 : vector<512x1xf32> to vector<512x128xf32>
    %add3A_2018 = vector.broadcast %slice3A_2016 : vector<1x128xf32> to vector<512x128xf32>
    %add3A_2019 = arith.addf %add3A_2017, %add3A_2018 : vector<512x128xf32>
    %slice3A_2020 = vector.extract_strided_slice %dot_general3A_1979 {offsets = [0, 384], sizes = [512, 128], strides = [1, 1]} : vector<512x512xf32> to vector<512x128xf32>
    %add3A_2021 = arith.addf %add3A_2019, %slice3A_2020 : vector<512x128xf32>
    %lt3A_2022 = arith.cmpf olt, %add3A_2021, %min3A_2012 : vector<512x128xf32>
    %min3A_2023 = arith.minimumf %add3A_2021, %min3A_2012 : vector<512x128xf32>
    %jit3A_2024 = arith.constant 23 : i32
    %broadcast_in_dim3A_2025 = vector.broadcast %jit3A_2024 : i32 to vector<512x128xi32>
    %select_n3A_2026 = arith.select %lt3A_2022, %broadcast_in_dim3A_2025, %select_n3A_2015 : vector<512x128xi1>, vector<512x128xi32>
    %get3A_2027 = arith.constant 0 : index
    %get3A_2028 = arith.constant 3072 : index
    %get3A_2029 = vector.load %arg4[%get3A_2027, %get3A_2028] : memref<64x8192xf32, #tpu.memory_space<vmem>>, vector<64x512xf32>
    %dot_general3A_2030 = arith.constant dense<0.000000e+00> : vector<512x512xf32>
    %dot_general3A_2031 = tpu.matmul %slice3A_1709, %get3A_2029, %dot_general3A_2030 {dimension_numbers = #tpu.dot_dimension_numbers<[1], [0], [0], [1], [0, 0, 1, 1], [], []>, transpose_lhs_hint = false} : vector<512x64xf32>, vector<64x512xf32>, vector<512x512xf32> -> vector<512x512xf32>
    %get3A_2032 = arith.constant 0 : index
    %get3A_2033 = arith.constant 3072 : index
    %get3A_2034 = vector.load %arg5[%get3A_2032, %get3A_2033] : memref<8x8192xf32, #tpu.memory_space<vmem>>, vector<1x512xf32>
    %slice3A_2035 = vector.extract_strided_slice %get3A_2034 {offsets = [0, 0], sizes = [1, 128], strides = [1, 1]} : vector<1x512xf32> to vector<1x128xf32>
    %add3A_2036 = vector.broadcast %slice3A_1710 : vector<512x1xf32> to vector<512x128xf32>
    %add3A_2037 = vector.broadcast %slice3A_2035 : vector<1x128xf32> to vector<512x128xf32>
    %add3A_2038 = arith.addf %add3A_2036, %add3A_2037 : vector<512x128xf32>
    %slice3A_2039 = vector.extract_strided_slice %dot_general3A_2031 {offsets = [0, 0], sizes = [512, 128], strides = [1, 1]} : vector<512x512xf32> to vector<512x128xf32>
    %add3A_2040 = arith.addf %add3A_2038, %slice3A_2039 : vector<512x128xf32>
    %lt3A_2041 = arith.cmpf olt, %add3A_2040, %min3A_2023 : vector<512x128xf32>
    %min3A_2042 = arith.minimumf %add3A_2040, %min3A_2023 : vector<512x128xf32>
    %jit3A_2043 = arith.constant 24 : i32
    %broadcast_in_dim3A_2044 = vector.broadcast %jit3A_2043 : i32 to vector<512x128xi32>
    %select_n3A_2045 = arith.select %lt3A_2041, %broadcast_in_dim3A_2044, %select_n3A_2026 : vector<512x128xi1>, vector<512x128xi32>
    %slice3A_2046 = vector.extract_strided_slice %get3A_2034 {offsets = [0, 128], sizes = [1, 128], strides = [1, 1]} : vector<1x512xf32> to vector<1x128xf32>
    %add3A_2047 = vector.broadcast %slice3A_1710 : vector<512x1xf32> to vector<512x128xf32>
    %add3A_2048 = vector.broadcast %slice3A_2046 : vector<1x128xf32> to vector<512x128xf32>
    %add3A_2049 = arith.addf %add3A_2047, %add3A_2048 : vector<512x128xf32>
    %slice3A_2050 = vector.extract_strided_slice %dot_general3A_2031 {offsets = [0, 128], sizes = [512, 128], strides = [1, 1]} : vector<512x512xf32> to vector<512x128xf32>
    %add3A_2051 = arith.addf %add3A_2049, %slice3A_2050 : vector<512x128xf32>
    %lt3A_2052 = arith.cmpf olt, %add3A_2051, %min3A_2042 : vector<512x128xf32>
    %min3A_2053 = arith.minimumf %add3A_2051, %min3A_2042 : vector<512x128xf32>
    %jit3A_2054 = arith.constant 25 : i32
    %broadcast_in_dim3A_2055 = vector.broadcast %jit3A_2054 : i32 to vector<512x128xi32>
    %select_n3A_2056 = arith.select %lt3A_2052, %broadcast_in_dim3A_2055, %select_n3A_2045 : vector<512x128xi1>, vector<512x128xi32>
    %slice3A_2057 = vector.extract_strided_slice %get3A_2034 {offsets = [0, 256], sizes = [1, 128], strides = [1, 1]} : vector<1x512xf32> to vector<1x128xf32>
    %add3A_2058 = vector.broadcast %slice3A_1710 : vector<512x1xf32> to vector<512x128xf32>
    %add3A_2059 = vector.broadcast %slice3A_2057 : vector<1x128xf32> to vector<512x128xf32>
    %add3A_2060 = arith.addf %add3A_2058, %add3A_2059 : vector<512x128xf32>
    %slice3A_2061 = vector.extract_strided_slice %dot_general3A_2031 {offsets = [0, 256], sizes = [512, 128], strides = [1, 1]} : vector<512x512xf32> to vector<512x128xf32>
    %add3A_2062 = arith.addf %add3A_2060, %slice3A_2061 : vector<512x128xf32>
    %lt3A_2063 = arith.cmpf olt, %add3A_2062, %min3A_2053 : vector<512x128xf32>
    %min3A_2064 = arith.minimumf %add3A_2062, %min3A_2053 : vector<512x128xf32>
    %jit3A_2065 = arith.constant 26 : i32
    %broadcast_in_dim3A_2066 = vector.broadcast %jit3A_2065 : i32 to vector<512x128xi32>
    %select_n3A_2067 = arith.select %lt3A_2063, %broadcast_in_dim3A_2066, %select_n3A_2056 : vector<512x128xi1>, vector<512x128xi32>
    %slice3A_2068 = vector.extract_strided_slice %get3A_2034 {offsets = [0, 384], sizes = [1, 128], strides = [1, 1]} : vector<1x512xf32> to vector<1x128xf32>
    %add3A_2069 = vector.broadcast %slice3A_1710 : vector<512x1xf32> to vector<512x128xf32>
    %add3A_2070 = vector.broadcast %slice3A_2068 : vector<1x128xf32> to vector<512x128xf32>
    %add3A_2071 = arith.addf %add3A_2069, %add3A_2070 : vector<512x128xf32>
    %slice3A_2072 = vector.extract_strided_slice %dot_general3A_2031 {offsets = [0, 384], sizes = [512, 128], strides = [1, 1]} : vector<512x512xf32> to vector<512x128xf32>
    %add3A_2073 = arith.addf %add3A_2071, %slice3A_2072 : vector<512x128xf32>
    %lt3A_2074 = arith.cmpf olt, %add3A_2073, %min3A_2064 : vector<512x128xf32>
    %min3A_2075 = arith.minimumf %add3A_2073, %min3A_2064 : vector<512x128xf32>
    %jit3A_2076 = arith.constant 27 : i32
    %broadcast_in_dim3A_2077 = vector.broadcast %jit3A_2076 : i32 to vector<512x128xi32>
    %select_n3A_2078 = arith.select %lt3A_2074, %broadcast_in_dim3A_2077, %select_n3A_2067 : vector<512x128xi1>, vector<512x128xi32>
    %get3A_2079 = arith.constant 0 : index
    %get3A_2080 = arith.constant 3584 : index
    %get3A_2081 = vector.load %arg4[%get3A_2079, %get3A_2080] : memref<64x8192xf32, #tpu.memory_space<vmem>>, vector<64x512xf32>
    %dot_general3A_2082 = arith.constant dense<0.000000e+00> : vector<512x512xf32>
    %dot_general3A_2083 = tpu.matmul %slice3A_1709, %get3A_2081, %dot_general3A_2082 {dimension_numbers = #tpu.dot_dimension_numbers<[1], [0], [0], [1], [0, 0, 1, 1], [], []>, transpose_lhs_hint = false} : vector<512x64xf32>, vector<64x512xf32>, vector<512x512xf32> -> vector<512x512xf32>
    %get3A_2084 = arith.constant 0 : index
    %get3A_2085 = arith.constant 3584 : index
    %get3A_2086 = vector.load %arg5[%get3A_2084, %get3A_2085] : memref<8x8192xf32, #tpu.memory_space<vmem>>, vector<1x512xf32>
    %slice3A_2087 = vector.extract_strided_slice %get3A_2086 {offsets = [0, 0], sizes = [1, 128], strides = [1, 1]} : vector<1x512xf32> to vector<1x128xf32>
    %add3A_2088 = vector.broadcast %slice3A_1710 : vector<512x1xf32> to vector<512x128xf32>
    %add3A_2089 = vector.broadcast %slice3A_2087 : vector<1x128xf32> to vector<512x128xf32>
    %add3A_2090 = arith.addf %add3A_2088, %add3A_2089 : vector<512x128xf32>
    %slice3A_2091 = vector.extract_strided_slice %dot_general3A_2083 {offsets = [0, 0], sizes = [512, 128], strides = [1, 1]} : vector<512x512xf32> to vector<512x128xf32>
    %add3A_2092 = arith.addf %add3A_2090, %slice3A_2091 : vector<512x128xf32>
    %lt3A_2093 = arith.cmpf olt, %add3A_2092, %min3A_2075 : vector<512x128xf32>
    %min3A_2094 = arith.minimumf %add3A_2092, %min3A_2075 : vector<512x128xf32>
    %jit3A_2095 = arith.constant 28 : i32
    %broadcast_in_dim3A_2096 = vector.broadcast %jit3A_2095 : i32 to vector<512x128xi32>
    %select_n3A_2097 = arith.select %lt3A_2093, %broadcast_in_dim3A_2096, %select_n3A_2078 : vector<512x128xi1>, vector<512x128xi32>
    %slice3A_2098 = vector.extract_strided_slice %get3A_2086 {offsets = [0, 128], sizes = [1, 128], strides = [1, 1]} : vector<1x512xf32> to vector<1x128xf32>
    %add3A_2099 = vector.broadcast %slice3A_1710 : vector<512x1xf32> to vector<512x128xf32>
    %add3A_2100 = vector.broadcast %slice3A_2098 : vector<1x128xf32> to vector<512x128xf32>
    %add3A_2101 = arith.addf %add3A_2099, %add3A_2100 : vector<512x128xf32>
    %slice3A_2102 = vector.extract_strided_slice %dot_general3A_2083 {offsets = [0, 128], sizes = [512, 128], strides = [1, 1]} : vector<512x512xf32> to vector<512x128xf32>
    %add3A_2103 = arith.addf %add3A_2101, %slice3A_2102 : vector<512x128xf32>
    %lt3A_2104 = arith.cmpf olt, %add3A_2103, %min3A_2094 : vector<512x128xf32>
    %min3A_2105 = arith.minimumf %add3A_2103, %min3A_2094 : vector<512x128xf32>
    %jit3A_2106 = arith.constant 29 : i32
    %broadcast_in_dim3A_2107 = vector.broadcast %jit3A_2106 : i32 to vector<512x128xi32>
    %select_n3A_2108 = arith.select %lt3A_2104, %broadcast_in_dim3A_2107, %select_n3A_2097 : vector<512x128xi1>, vector<512x128xi32>
    %slice3A_2109 = vector.extract_strided_slice %get3A_2086 {offsets = [0, 256], sizes = [1, 128], strides = [1, 1]} : vector<1x512xf32> to vector<1x128xf32>
    %add3A_2110 = vector.broadcast %slice3A_1710 : vector<512x1xf32> to vector<512x128xf32>
    %add3A_2111 = vector.broadcast %slice3A_2109 : vector<1x128xf32> to vector<512x128xf32>
    %add3A_2112 = arith.addf %add3A_2110, %add3A_2111 : vector<512x128xf32>
    %slice3A_2113 = vector.extract_strided_slice %dot_general3A_2083 {offsets = [0, 256], sizes = [512, 128], strides = [1, 1]} : vector<512x512xf32> to vector<512x128xf32>
    %add3A_2114 = arith.addf %add3A_2112, %slice3A_2113 : vector<512x128xf32>
    %lt3A_2115 = arith.cmpf olt, %add3A_2114, %min3A_2105 : vector<512x128xf32>
    %min3A_2116 = arith.minimumf %add3A_2114, %min3A_2105 : vector<512x128xf32>
    %jit3A_2117 = arith.constant 30 : i32
    %broadcast_in_dim3A_2118 = vector.broadcast %jit3A_2117 : i32 to vector<512x128xi32>
    %select_n3A_2119 = arith.select %lt3A_2115, %broadcast_in_dim3A_2118, %select_n3A_2108 : vector<512x128xi1>, vector<512x128xi32>
    %slice3A_2120 = vector.extract_strided_slice %get3A_2086 {offsets = [0, 384], sizes = [1, 128], strides = [1, 1]} : vector<1x512xf32> to vector<1x128xf32>
    %add3A_2121 = vector.broadcast %slice3A_1710 : vector<512x1xf32> to vector<512x128xf32>
    %add3A_2122 = vector.broadcast %slice3A_2120 : vector<1x128xf32> to vector<512x128xf32>
    %add3A_2123 = arith.addf %add3A_2121, %add3A_2122 : vector<512x128xf32>
    %slice3A_2124 = vector.extract_strided_slice %dot_general3A_2083 {offsets = [0, 384], sizes = [512, 128], strides = [1, 1]} : vector<512x512xf32> to vector<512x128xf32>
    %add3A_2125 = arith.addf %add3A_2123, %slice3A_2124 : vector<512x128xf32>
    %lt3A_2126 = arith.cmpf olt, %add3A_2125, %min3A_2116 : vector<512x128xf32>
    %min3A_2127 = arith.minimumf %add3A_2125, %min3A_2116 : vector<512x128xf32>
    %jit3A_2128 = arith.constant 31 : i32
    %broadcast_in_dim3A_2129 = vector.broadcast %jit3A_2128 : i32 to vector<512x128xi32>
    %select_n3A_2130 = arith.select %lt3A_2126, %broadcast_in_dim3A_2129, %select_n3A_2119 : vector<512x128xi1>, vector<512x128xi32>
    %get3A_2131 = arith.constant 0 : index
    %get3A_2132 = arith.constant 4096 : index
    %get3A_2133 = vector.load %arg4[%get3A_2131, %get3A_2132] : memref<64x8192xf32, #tpu.memory_space<vmem>>, vector<64x512xf32>
    %dot_general3A_2134 = arith.constant dense<0.000000e+00> : vector<512x512xf32>
    %dot_general3A_2135 = tpu.matmul %slice3A_1709, %get3A_2133, %dot_general3A_2134 {dimension_numbers = #tpu.dot_dimension_numbers<[1], [0], [0], [1], [0, 0, 1, 1], [], []>, transpose_lhs_hint = false} : vector<512x64xf32>, vector<64x512xf32>, vector<512x512xf32> -> vector<512x512xf32>
    %get3A_2136 = arith.constant 0 : index
    %get3A_2137 = arith.constant 4096 : index
    %get3A_2138 = vector.load %arg5[%get3A_2136, %get3A_2137] : memref<8x8192xf32, #tpu.memory_space<vmem>>, vector<1x512xf32>
    %slice3A_2139 = vector.extract_strided_slice %get3A_2138 {offsets = [0, 0], sizes = [1, 128], strides = [1, 1]} : vector<1x512xf32> to vector<1x128xf32>
    %add3A_2140 = vector.broadcast %slice3A_1710 : vector<512x1xf32> to vector<512x128xf32>
    %add3A_2141 = vector.broadcast %slice3A_2139 : vector<1x128xf32> to vector<512x128xf32>
    %add3A_2142 = arith.addf %add3A_2140, %add3A_2141 : vector<512x128xf32>
    %slice3A_2143 = vector.extract_strided_slice %dot_general3A_2135 {offsets = [0, 0], sizes = [512, 128], strides = [1, 1]} : vector<512x512xf32> to vector<512x128xf32>
    %add3A_2144 = arith.addf %add3A_2142, %slice3A_2143 : vector<512x128xf32>
    %lt3A_2145 = arith.cmpf olt, %add3A_2144, %min3A_2127 : vector<512x128xf32>
    %min3A_2146 = arith.minimumf %add3A_2144, %min3A_2127 : vector<512x128xf32>
    %jit3A_2147 = arith.constant 32 : i32
    %broadcast_in_dim3A_2148 = vector.broadcast %jit3A_2147 : i32 to vector<512x128xi32>
    %select_n3A_2149 = arith.select %lt3A_2145, %broadcast_in_dim3A_2148, %select_n3A_2130 : vector<512x128xi1>, vector<512x128xi32>
    %slice3A_2150 = vector.extract_strided_slice %get3A_2138 {offsets = [0, 128], sizes = [1, 128], strides = [1, 1]} : vector<1x512xf32> to vector<1x128xf32>
    %add3A_2151 = vector.broadcast %slice3A_1710 : vector<512x1xf32> to vector<512x128xf32>
    %add3A_2152 = vector.broadcast %slice3A_2150 : vector<1x128xf32> to vector<512x128xf32>
    %add3A_2153 = arith.addf %add3A_2151, %add3A_2152 : vector<512x128xf32>
    %slice3A_2154 = vector.extract_strided_slice %dot_general3A_2135 {offsets = [0, 128], sizes = [512, 128], strides = [1, 1]} : vector<512x512xf32> to vector<512x128xf32>
    %add3A_2155 = arith.addf %add3A_2153, %slice3A_2154 : vector<512x128xf32>
    %lt3A_2156 = arith.cmpf olt, %add3A_2155, %min3A_2146 : vector<512x128xf32>
    %min3A_2157 = arith.minimumf %add3A_2155, %min3A_2146 : vector<512x128xf32>
    %jit3A_2158 = arith.constant 33 : i32
    %broadcast_in_dim3A_2159 = vector.broadcast %jit3A_2158 : i32 to vector<512x128xi32>
    %select_n3A_2160 = arith.select %lt3A_2156, %broadcast_in_dim3A_2159, %select_n3A_2149 : vector<512x128xi1>, vector<512x128xi32>
    %slice3A_2161 = vector.extract_strided_slice %get3A_2138 {offsets = [0, 256], sizes = [1, 128], strides = [1, 1]} : vector<1x512xf32> to vector<1x128xf32>
    %add3A_2162 = vector.broadcast %slice3A_1710 : vector<512x1xf32> to vector<512x128xf32>
    %add3A_2163 = vector.broadcast %slice3A_2161 : vector<1x128xf32> to vector<512x128xf32>
    %add3A_2164 = arith.addf %add3A_2162, %add3A_2163 : vector<512x128xf32>
    %slice3A_2165 = vector.extract_strided_slice %dot_general3A_2135 {offsets = [0, 256], sizes = [512, 128], strides = [1, 1]} : vector<512x512xf32> to vector<512x128xf32>
    %add3A_2166 = arith.addf %add3A_2164, %slice3A_2165 : vector<512x128xf32>
    %lt3A_2167 = arith.cmpf olt, %add3A_2166, %min3A_2157 : vector<512x128xf32>
    %min3A_2168 = arith.minimumf %add3A_2166, %min3A_2157 : vector<512x128xf32>
    %jit3A_2169 = arith.constant 34 : i32
    %broadcast_in_dim3A_2170 = vector.broadcast %jit3A_2169 : i32 to vector<512x128xi32>
    %select_n3A_2171 = arith.select %lt3A_2167, %broadcast_in_dim3A_2170, %select_n3A_2160 : vector<512x128xi1>, vector<512x128xi32>
    %slice3A_2172 = vector.extract_strided_slice %get3A_2138 {offsets = [0, 384], sizes = [1, 128], strides = [1, 1]} : vector<1x512xf32> to vector<1x128xf32>
    %add3A_2173 = vector.broadcast %slice3A_1710 : vector<512x1xf32> to vector<512x128xf32>
    %add3A_2174 = vector.broadcast %slice3A_2172 : vector<1x128xf32> to vector<512x128xf32>
    %add3A_2175 = arith.addf %add3A_2173, %add3A_2174 : vector<512x128xf32>
    %slice3A_2176 = vector.extract_strided_slice %dot_general3A_2135 {offsets = [0, 384], sizes = [512, 128], strides = [1, 1]} : vector<512x512xf32> to vector<512x128xf32>
    %add3A_2177 = arith.addf %add3A_2175, %slice3A_2176 : vector<512x128xf32>
    %lt3A_2178 = arith.cmpf olt, %add3A_2177, %min3A_2168 : vector<512x128xf32>
    %min3A_2179 = arith.minimumf %add3A_2177, %min3A_2168 : vector<512x128xf32>
    %jit3A_2180 = arith.constant 35 : i32
    %broadcast_in_dim3A_2181 = vector.broadcast %jit3A_2180 : i32 to vector<512x128xi32>
    %select_n3A_2182 = arith.select %lt3A_2178, %broadcast_in_dim3A_2181, %select_n3A_2171 : vector<512x128xi1>, vector<512x128xi32>
    %get3A_2183 = arith.constant 0 : index
    %get3A_2184 = arith.constant 4608 : index
    %get3A_2185 = vector.load %arg4[%get3A_2183, %get3A_2184] : memref<64x8192xf32, #tpu.memory_space<vmem>>, vector<64x512xf32>
    %dot_general3A_2186 = arith.constant dense<0.000000e+00> : vector<512x512xf32>
    %dot_general3A_2187 = tpu.matmul %slice3A_1709, %get3A_2185, %dot_general3A_2186 {dimension_numbers = #tpu.dot_dimension_numbers<[1], [0], [0], [1], [0, 0, 1, 1], [], []>, transpose_lhs_hint = false} : vector<512x64xf32>, vector<64x512xf32>, vector<512x512xf32> -> vector<512x512xf32>
    %get3A_2188 = arith.constant 0 : index
    %get3A_2189 = arith.constant 4608 : index
    %get3A_2190 = vector.load %arg5[%get3A_2188, %get3A_2189] : memref<8x8192xf32, #tpu.memory_space<vmem>>, vector<1x512xf32>
    %slice3A_2191 = vector.extract_strided_slice %get3A_2190 {offsets = [0, 0], sizes = [1, 128], strides = [1, 1]} : vector<1x512xf32> to vector<1x128xf32>
    %add3A_2192 = vector.broadcast %slice3A_1710 : vector<512x1xf32> to vector<512x128xf32>
    %add3A_2193 = vector.broadcast %slice3A_2191 : vector<1x128xf32> to vector<512x128xf32>
    %add3A_2194 = arith.addf %add3A_2192, %add3A_2193 : vector<512x128xf32>
    %slice3A_2195 = vector.extract_strided_slice %dot_general3A_2187 {offsets = [0, 0], sizes = [512, 128], strides = [1, 1]} : vector<512x512xf32> to vector<512x128xf32>
    %add3A_2196 = arith.addf %add3A_2194, %slice3A_2195 : vector<512x128xf32>
    %lt3A_2197 = arith.cmpf olt, %add3A_2196, %min3A_2179 : vector<512x128xf32>
    %min3A_2198 = arith.minimumf %add3A_2196, %min3A_2179 : vector<512x128xf32>
    %jit3A_2199 = arith.constant 36 : i32
    %broadcast_in_dim3A_2200 = vector.broadcast %jit3A_2199 : i32 to vector<512x128xi32>
    %select_n3A_2201 = arith.select %lt3A_2197, %broadcast_in_dim3A_2200, %select_n3A_2182 : vector<512x128xi1>, vector<512x128xi32>
    %slice3A_2202 = vector.extract_strided_slice %get3A_2190 {offsets = [0, 128], sizes = [1, 128], strides = [1, 1]} : vector<1x512xf32> to vector<1x128xf32>
    %add3A_2203 = vector.broadcast %slice3A_1710 : vector<512x1xf32> to vector<512x128xf32>
    %add3A_2204 = vector.broadcast %slice3A_2202 : vector<1x128xf32> to vector<512x128xf32>
    %add3A_2205 = arith.addf %add3A_2203, %add3A_2204 : vector<512x128xf32>
    %slice3A_2206 = vector.extract_strided_slice %dot_general3A_2187 {offsets = [0, 128], sizes = [512, 128], strides = [1, 1]} : vector<512x512xf32> to vector<512x128xf32>
    %add3A_2207 = arith.addf %add3A_2205, %slice3A_2206 : vector<512x128xf32>
    %lt3A_2208 = arith.cmpf olt, %add3A_2207, %min3A_2198 : vector<512x128xf32>
    %min3A_2209 = arith.minimumf %add3A_2207, %min3A_2198 : vector<512x128xf32>
    %jit3A_2210 = arith.constant 37 : i32
    %broadcast_in_dim3A_2211 = vector.broadcast %jit3A_2210 : i32 to vector<512x128xi32>
    %select_n3A_2212 = arith.select %lt3A_2208, %broadcast_in_dim3A_2211, %select_n3A_2201 : vector<512x128xi1>, vector<512x128xi32>
    %slice3A_2213 = vector.extract_strided_slice %get3A_2190 {offsets = [0, 256], sizes = [1, 128], strides = [1, 1]} : vector<1x512xf32> to vector<1x128xf32>
    %add3A_2214 = vector.broadcast %slice3A_1710 : vector<512x1xf32> to vector<512x128xf32>
    %add3A_2215 = vector.broadcast %slice3A_2213 : vector<1x128xf32> to vector<512x128xf32>
    %add3A_2216 = arith.addf %add3A_2214, %add3A_2215 : vector<512x128xf32>
    %slice3A_2217 = vector.extract_strided_slice %dot_general3A_2187 {offsets = [0, 256], sizes = [512, 128], strides = [1, 1]} : vector<512x512xf32> to vector<512x128xf32>
    %add3A_2218 = arith.addf %add3A_2216, %slice3A_2217 : vector<512x128xf32>
    %lt3A_2219 = arith.cmpf olt, %add3A_2218, %min3A_2209 : vector<512x128xf32>
    %min3A_2220 = arith.minimumf %add3A_2218, %min3A_2209 : vector<512x128xf32>
    %jit3A_2221 = arith.constant 38 : i32
    %broadcast_in_dim3A_2222 = vector.broadcast %jit3A_2221 : i32 to vector<512x128xi32>
    %select_n3A_2223 = arith.select %lt3A_2219, %broadcast_in_dim3A_2222, %select_n3A_2212 : vector<512x128xi1>, vector<512x128xi32>
    %slice3A_2224 = vector.extract_strided_slice %get3A_2190 {offsets = [0, 384], sizes = [1, 128], strides = [1, 1]} : vector<1x512xf32> to vector<1x128xf32>
    %add3A_2225 = vector.broadcast %slice3A_1710 : vector<512x1xf32> to vector<512x128xf32>
    %add3A_2226 = vector.broadcast %slice3A_2224 : vector<1x128xf32> to vector<512x128xf32>
    %add3A_2227 = arith.addf %add3A_2225, %add3A_2226 : vector<512x128xf32>
    %slice3A_2228 = vector.extract_strided_slice %dot_general3A_2187 {offsets = [0, 384], sizes = [512, 128], strides = [1, 1]} : vector<512x512xf32> to vector<512x128xf32>
    %add3A_2229 = arith.addf %add3A_2227, %slice3A_2228 : vector<512x128xf32>
    %lt3A_2230 = arith.cmpf olt, %add3A_2229, %min3A_2220 : vector<512x128xf32>
    %min3A_2231 = arith.minimumf %add3A_2229, %min3A_2220 : vector<512x128xf32>
    %jit3A_2232 = arith.constant 39 : i32
    %broadcast_in_dim3A_2233 = vector.broadcast %jit3A_2232 : i32 to vector<512x128xi32>
    %select_n3A_2234 = arith.select %lt3A_2230, %broadcast_in_dim3A_2233, %select_n3A_2223 : vector<512x128xi1>, vector<512x128xi32>
    %get3A_2235 = arith.constant 0 : index
    %get3A_2236 = arith.constant 5120 : index
    %get3A_2237 = vector.load %arg4[%get3A_2235, %get3A_2236] : memref<64x8192xf32, #tpu.memory_space<vmem>>, vector<64x512xf32>
    %dot_general3A_2238 = arith.constant dense<0.000000e+00> : vector<512x512xf32>
    %dot_general3A_2239 = tpu.matmul %slice3A_1709, %get3A_2237, %dot_general3A_2238 {dimension_numbers = #tpu.dot_dimension_numbers<[1], [0], [0], [1], [0, 0, 1, 1], [], []>, transpose_lhs_hint = false} : vector<512x64xf32>, vector<64x512xf32>, vector<512x512xf32> -> vector<512x512xf32>
    %get3A_2240 = arith.constant 0 : index
    %get3A_2241 = arith.constant 5120 : index
    %get3A_2242 = vector.load %arg5[%get3A_2240, %get3A_2241] : memref<8x8192xf32, #tpu.memory_space<vmem>>, vector<1x512xf32>
    %slice3A_2243 = vector.extract_strided_slice %get3A_2242 {offsets = [0, 0], sizes = [1, 128], strides = [1, 1]} : vector<1x512xf32> to vector<1x128xf32>
    %add3A_2244 = vector.broadcast %slice3A_1710 : vector<512x1xf32> to vector<512x128xf32>
    %add3A_2245 = vector.broadcast %slice3A_2243 : vector<1x128xf32> to vector<512x128xf32>
    %add3A_2246 = arith.addf %add3A_2244, %add3A_2245 : vector<512x128xf32>
    %slice3A_2247 = vector.extract_strided_slice %dot_general3A_2239 {offsets = [0, 0], sizes = [512, 128], strides = [1, 1]} : vector<512x512xf32> to vector<512x128xf32>
    %add3A_2248 = arith.addf %add3A_2246, %slice3A_2247 : vector<512x128xf32>
    %lt3A_2249 = arith.cmpf olt, %add3A_2248, %min3A_2231 : vector<512x128xf32>
    %min3A_2250 = arith.minimumf %add3A_2248, %min3A_2231 : vector<512x128xf32>
    %jit3A_2251 = arith.constant 40 : i32
    %broadcast_in_dim3A_2252 = vector.broadcast %jit3A_2251 : i32 to vector<512x128xi32>
    %select_n3A_2253 = arith.select %lt3A_2249, %broadcast_in_dim3A_2252, %select_n3A_2234 : vector<512x128xi1>, vector<512x128xi32>
    %slice3A_2254 = vector.extract_strided_slice %get3A_2242 {offsets = [0, 128], sizes = [1, 128], strides = [1, 1]} : vector<1x512xf32> to vector<1x128xf32>
    %add3A_2255 = vector.broadcast %slice3A_1710 : vector<512x1xf32> to vector<512x128xf32>
    %add3A_2256 = vector.broadcast %slice3A_2254 : vector<1x128xf32> to vector<512x128xf32>
    %add3A_2257 = arith.addf %add3A_2255, %add3A_2256 : vector<512x128xf32>
    %slice3A_2258 = vector.extract_strided_slice %dot_general3A_2239 {offsets = [0, 128], sizes = [512, 128], strides = [1, 1]} : vector<512x512xf32> to vector<512x128xf32>
    %add3A_2259 = arith.addf %add3A_2257, %slice3A_2258 : vector<512x128xf32>
    %lt3A_2260 = arith.cmpf olt, %add3A_2259, %min3A_2250 : vector<512x128xf32>
    %min3A_2261 = arith.minimumf %add3A_2259, %min3A_2250 : vector<512x128xf32>
    %jit3A_2262 = arith.constant 41 : i32
    %broadcast_in_dim3A_2263 = vector.broadcast %jit3A_2262 : i32 to vector<512x128xi32>
    %select_n3A_2264 = arith.select %lt3A_2260, %broadcast_in_dim3A_2263, %select_n3A_2253 : vector<512x128xi1>, vector<512x128xi32>
    %slice3A_2265 = vector.extract_strided_slice %get3A_2242 {offsets = [0, 256], sizes = [1, 128], strides = [1, 1]} : vector<1x512xf32> to vector<1x128xf32>
    %add3A_2266 = vector.broadcast %slice3A_1710 : vector<512x1xf32> to vector<512x128xf32>
    %add3A_2267 = vector.broadcast %slice3A_2265 : vector<1x128xf32> to vector<512x128xf32>
    %add3A_2268 = arith.addf %add3A_2266, %add3A_2267 : vector<512x128xf32>
    %slice3A_2269 = vector.extract_strided_slice %dot_general3A_2239 {offsets = [0, 256], sizes = [512, 128], strides = [1, 1]} : vector<512x512xf32> to vector<512x128xf32>
    %add3A_2270 = arith.addf %add3A_2268, %slice3A_2269 : vector<512x128xf32>
    %lt3A_2271 = arith.cmpf olt, %add3A_2270, %min3A_2261 : vector<512x128xf32>
    %min3A_2272 = arith.minimumf %add3A_2270, %min3A_2261 : vector<512x128xf32>
    %jit3A_2273 = arith.constant 42 : i32
    %broadcast_in_dim3A_2274 = vector.broadcast %jit3A_2273 : i32 to vector<512x128xi32>
    %select_n3A_2275 = arith.select %lt3A_2271, %broadcast_in_dim3A_2274, %select_n3A_2264 : vector<512x128xi1>, vector<512x128xi32>
    %slice3A_2276 = vector.extract_strided_slice %get3A_2242 {offsets = [0, 384], sizes = [1, 128], strides = [1, 1]} : vector<1x512xf32> to vector<1x128xf32>
    %add3A_2277 = vector.broadcast %slice3A_1710 : vector<512x1xf32> to vector<512x128xf32>
    %add3A_2278 = vector.broadcast %slice3A_2276 : vector<1x128xf32> to vector<512x128xf32>
    %add3A_2279 = arith.addf %add3A_2277, %add3A_2278 : vector<512x128xf32>
    %slice3A_2280 = vector.extract_strided_slice %dot_general3A_2239 {offsets = [0, 384], sizes = [512, 128], strides = [1, 1]} : vector<512x512xf32> to vector<512x128xf32>
    %add3A_2281 = arith.addf %add3A_2279, %slice3A_2280 : vector<512x128xf32>
    %lt3A_2282 = arith.cmpf olt, %add3A_2281, %min3A_2272 : vector<512x128xf32>
    %min3A_2283 = arith.minimumf %add3A_2281, %min3A_2272 : vector<512x128xf32>
    %jit3A_2284 = arith.constant 43 : i32
    %broadcast_in_dim3A_2285 = vector.broadcast %jit3A_2284 : i32 to vector<512x128xi32>
    %select_n3A_2286 = arith.select %lt3A_2282, %broadcast_in_dim3A_2285, %select_n3A_2275 : vector<512x128xi1>, vector<512x128xi32>
    %get3A_2287 = arith.constant 0 : index
    %get3A_2288 = arith.constant 5632 : index
    %get3A_2289 = vector.load %arg4[%get3A_2287, %get3A_2288] : memref<64x8192xf32, #tpu.memory_space<vmem>>, vector<64x512xf32>
    %dot_general3A_2290 = arith.constant dense<0.000000e+00> : vector<512x512xf32>
    %dot_general3A_2291 = tpu.matmul %slice3A_1709, %get3A_2289, %dot_general3A_2290 {dimension_numbers = #tpu.dot_dimension_numbers<[1], [0], [0], [1], [0, 0, 1, 1], [], []>, transpose_lhs_hint = false} : vector<512x64xf32>, vector<64x512xf32>, vector<512x512xf32> -> vector<512x512xf32>
    %get3A_2292 = arith.constant 0 : index
    %get3A_2293 = arith.constant 5632 : index
    %get3A_2294 = vector.load %arg5[%get3A_2292, %get3A_2293] : memref<8x8192xf32, #tpu.memory_space<vmem>>, vector<1x512xf32>
    %slice3A_2295 = vector.extract_strided_slice %get3A_2294 {offsets = [0, 0], sizes = [1, 128], strides = [1, 1]} : vector<1x512xf32> to vector<1x128xf32>
    %add3A_2296 = vector.broadcast %slice3A_1710 : vector<512x1xf32> to vector<512x128xf32>
    %add3A_2297 = vector.broadcast %slice3A_2295 : vector<1x128xf32> to vector<512x128xf32>
    %add3A_2298 = arith.addf %add3A_2296, %add3A_2297 : vector<512x128xf32>
    %slice3A_2299 = vector.extract_strided_slice %dot_general3A_2291 {offsets = [0, 0], sizes = [512, 128], strides = [1, 1]} : vector<512x512xf32> to vector<512x128xf32>
    %add3A_2300 = arith.addf %add3A_2298, %slice3A_2299 : vector<512x128xf32>
    %lt3A_2301 = arith.cmpf olt, %add3A_2300, %min3A_2283 : vector<512x128xf32>
    %min3A_2302 = arith.minimumf %add3A_2300, %min3A_2283 : vector<512x128xf32>
    %jit3A_2303 = arith.constant 44 : i32
    %broadcast_in_dim3A_2304 = vector.broadcast %jit3A_2303 : i32 to vector<512x128xi32>
    %select_n3A_2305 = arith.select %lt3A_2301, %broadcast_in_dim3A_2304, %select_n3A_2286 : vector<512x128xi1>, vector<512x128xi32>
    %slice3A_2306 = vector.extract_strided_slice %get3A_2294 {offsets = [0, 128], sizes = [1, 128], strides = [1, 1]} : vector<1x512xf32> to vector<1x128xf32>
    %add3A_2307 = vector.broadcast %slice3A_1710 : vector<512x1xf32> to vector<512x128xf32>
    %add3A_2308 = vector.broadcast %slice3A_2306 : vector<1x128xf32> to vector<512x128xf32>
    %add3A_2309 = arith.addf %add3A_2307, %add3A_2308 : vector<512x128xf32>
    %slice3A_2310 = vector.extract_strided_slice %dot_general3A_2291 {offsets = [0, 128], sizes = [512, 128], strides = [1, 1]} : vector<512x512xf32> to vector<512x128xf32>
    %add3A_2311 = arith.addf %add3A_2309, %slice3A_2310 : vector<512x128xf32>
    %lt3A_2312 = arith.cmpf olt, %add3A_2311, %min3A_2302 : vector<512x128xf32>
    %min3A_2313 = arith.minimumf %add3A_2311, %min3A_2302 : vector<512x128xf32>
    %jit3A_2314 = arith.constant 45 : i32
    %broadcast_in_dim3A_2315 = vector.broadcast %jit3A_2314 : i32 to vector<512x128xi32>
    %select_n3A_2316 = arith.select %lt3A_2312, %broadcast_in_dim3A_2315, %select_n3A_2305 : vector<512x128xi1>, vector<512x128xi32>
    %slice3A_2317 = vector.extract_strided_slice %get3A_2294 {offsets = [0, 256], sizes = [1, 128], strides = [1, 1]} : vector<1x512xf32> to vector<1x128xf32>
    %add3A_2318 = vector.broadcast %slice3A_1710 : vector<512x1xf32> to vector<512x128xf32>
    %add3A_2319 = vector.broadcast %slice3A_2317 : vector<1x128xf32> to vector<512x128xf32>
    %add3A_2320 = arith.addf %add3A_2318, %add3A_2319 : vector<512x128xf32>
    %slice3A_2321 = vector.extract_strided_slice %dot_general3A_2291 {offsets = [0, 256], sizes = [512, 128], strides = [1, 1]} : vector<512x512xf32> to vector<512x128xf32>
    %add3A_2322 = arith.addf %add3A_2320, %slice3A_2321 : vector<512x128xf32>
    %lt3A_2323 = arith.cmpf olt, %add3A_2322, %min3A_2313 : vector<512x128xf32>
    %min3A_2324 = arith.minimumf %add3A_2322, %min3A_2313 : vector<512x128xf32>
    %jit3A_2325 = arith.constant 46 : i32
    %broadcast_in_dim3A_2326 = vector.broadcast %jit3A_2325 : i32 to vector<512x128xi32>
    %select_n3A_2327 = arith.select %lt3A_2323, %broadcast_in_dim3A_2326, %select_n3A_2316 : vector<512x128xi1>, vector<512x128xi32>
    %slice3A_2328 = vector.extract_strided_slice %get3A_2294 {offsets = [0, 384], sizes = [1, 128], strides = [1, 1]} : vector<1x512xf32> to vector<1x128xf32>
    %add3A_2329 = vector.broadcast %slice3A_1710 : vector<512x1xf32> to vector<512x128xf32>
    %add3A_2330 = vector.broadcast %slice3A_2328 : vector<1x128xf32> to vector<512x128xf32>
    %add3A_2331 = arith.addf %add3A_2329, %add3A_2330 : vector<512x128xf32>
    %slice3A_2332 = vector.extract_strided_slice %dot_general3A_2291 {offsets = [0, 384], sizes = [512, 128], strides = [1, 1]} : vector<512x512xf32> to vector<512x128xf32>
    %add3A_2333 = arith.addf %add3A_2331, %slice3A_2332 : vector<512x128xf32>
    %lt3A_2334 = arith.cmpf olt, %add3A_2333, %min3A_2324 : vector<512x128xf32>
    %min3A_2335 = arith.minimumf %add3A_2333, %min3A_2324 : vector<512x128xf32>
    %jit3A_2336 = arith.constant 47 : i32
    %broadcast_in_dim3A_2337 = vector.broadcast %jit3A_2336 : i32 to vector<512x128xi32>
    %select_n3A_2338 = arith.select %lt3A_2334, %broadcast_in_dim3A_2337, %select_n3A_2327 : vector<512x128xi1>, vector<512x128xi32>
    %get3A_2339 = arith.constant 0 : index
    %get3A_2340 = arith.constant 6144 : index
    %get3A_2341 = vector.load %arg4[%get3A_2339, %get3A_2340] : memref<64x8192xf32, #tpu.memory_space<vmem>>, vector<64x512xf32>
    %dot_general3A_2342 = arith.constant dense<0.000000e+00> : vector<512x512xf32>
    %dot_general3A_2343 = tpu.matmul %slice3A_1709, %get3A_2341, %dot_general3A_2342 {dimension_numbers = #tpu.dot_dimension_numbers<[1], [0], [0], [1], [0, 0, 1, 1], [], []>, transpose_lhs_hint = false} : vector<512x64xf32>, vector<64x512xf32>, vector<512x512xf32> -> vector<512x512xf32>
    %get3A_2344 = arith.constant 0 : index
    %get3A_2345 = arith.constant 6144 : index
    %get3A_2346 = vector.load %arg5[%get3A_2344, %get3A_2345] : memref<8x8192xf32, #tpu.memory_space<vmem>>, vector<1x512xf32>
    %slice3A_2347 = vector.extract_strided_slice %get3A_2346 {offsets = [0, 0], sizes = [1, 128], strides = [1, 1]} : vector<1x512xf32> to vector<1x128xf32>
    %add3A_2348 = vector.broadcast %slice3A_1710 : vector<512x1xf32> to vector<512x128xf32>
    %add3A_2349 = vector.broadcast %slice3A_2347 : vector<1x128xf32> to vector<512x128xf32>
    %add3A_2350 = arith.addf %add3A_2348, %add3A_2349 : vector<512x128xf32>
    %slice3A_2351 = vector.extract_strided_slice %dot_general3A_2343 {offsets = [0, 0], sizes = [512, 128], strides = [1, 1]} : vector<512x512xf32> to vector<512x128xf32>
    %add3A_2352 = arith.addf %add3A_2350, %slice3A_2351 : vector<512x128xf32>
    %lt3A_2353 = arith.cmpf olt, %add3A_2352, %min3A_2335 : vector<512x128xf32>
    %min3A_2354 = arith.minimumf %add3A_2352, %min3A_2335 : vector<512x128xf32>
    %jit3A_2355 = arith.constant 48 : i32
    %broadcast_in_dim3A_2356 = vector.broadcast %jit3A_2355 : i32 to vector<512x128xi32>
    %select_n3A_2357 = arith.select %lt3A_2353, %broadcast_in_dim3A_2356, %select_n3A_2338 : vector<512x128xi1>, vector<512x128xi32>
    %slice3A_2358 = vector.extract_strided_slice %get3A_2346 {offsets = [0, 128], sizes = [1, 128], strides = [1, 1]} : vector<1x512xf32> to vector<1x128xf32>
    %add3A_2359 = vector.broadcast %slice3A_1710 : vector<512x1xf32> to vector<512x128xf32>
    %add3A_2360 = vector.broadcast %slice3A_2358 : vector<1x128xf32> to vector<512x128xf32>
    %add3A_2361 = arith.addf %add3A_2359, %add3A_2360 : vector<512x128xf32>
    %slice3A_2362 = vector.extract_strided_slice %dot_general3A_2343 {offsets = [0, 128], sizes = [512, 128], strides = [1, 1]} : vector<512x512xf32> to vector<512x128xf32>
    %add3A_2363 = arith.addf %add3A_2361, %slice3A_2362 : vector<512x128xf32>
    %lt3A_2364 = arith.cmpf olt, %add3A_2363, %min3A_2354 : vector<512x128xf32>
    %min3A_2365 = arith.minimumf %add3A_2363, %min3A_2354 : vector<512x128xf32>
    %jit3A_2366 = arith.constant 49 : i32
    %broadcast_in_dim3A_2367 = vector.broadcast %jit3A_2366 : i32 to vector<512x128xi32>
    %select_n3A_2368 = arith.select %lt3A_2364, %broadcast_in_dim3A_2367, %select_n3A_2357 : vector<512x128xi1>, vector<512x128xi32>
    %slice3A_2369 = vector.extract_strided_slice %get3A_2346 {offsets = [0, 256], sizes = [1, 128], strides = [1, 1]} : vector<1x512xf32> to vector<1x128xf32>
    %add3A_2370 = vector.broadcast %slice3A_1710 : vector<512x1xf32> to vector<512x128xf32>
    %add3A_2371 = vector.broadcast %slice3A_2369 : vector<1x128xf32> to vector<512x128xf32>
    %add3A_2372 = arith.addf %add3A_2370, %add3A_2371 : vector<512x128xf32>
    %slice3A_2373 = vector.extract_strided_slice %dot_general3A_2343 {offsets = [0, 256], sizes = [512, 128], strides = [1, 1]} : vector<512x512xf32> to vector<512x128xf32>
    %add3A_2374 = arith.addf %add3A_2372, %slice3A_2373 : vector<512x128xf32>
    %lt3A_2375 = arith.cmpf olt, %add3A_2374, %min3A_2365 : vector<512x128xf32>
    %min3A_2376 = arith.minimumf %add3A_2374, %min3A_2365 : vector<512x128xf32>
    %jit3A_2377 = arith.constant 50 : i32
    %broadcast_in_dim3A_2378 = vector.broadcast %jit3A_2377 : i32 to vector<512x128xi32>
    %select_n3A_2379 = arith.select %lt3A_2375, %broadcast_in_dim3A_2378, %select_n3A_2368 : vector<512x128xi1>, vector<512x128xi32>
    %slice3A_2380 = vector.extract_strided_slice %get3A_2346 {offsets = [0, 384], sizes = [1, 128], strides = [1, 1]} : vector<1x512xf32> to vector<1x128xf32>
    %add3A_2381 = vector.broadcast %slice3A_1710 : vector<512x1xf32> to vector<512x128xf32>
    %add3A_2382 = vector.broadcast %slice3A_2380 : vector<1x128xf32> to vector<512x128xf32>
    %add3A_2383 = arith.addf %add3A_2381, %add3A_2382 : vector<512x128xf32>
    %slice3A_2384 = vector.extract_strided_slice %dot_general3A_2343 {offsets = [0, 384], sizes = [512, 128], strides = [1, 1]} : vector<512x512xf32> to vector<512x128xf32>
    %add3A_2385 = arith.addf %add3A_2383, %slice3A_2384 : vector<512x128xf32>
    %lt3A_2386 = arith.cmpf olt, %add3A_2385, %min3A_2376 : vector<512x128xf32>
    %min3A_2387 = arith.minimumf %add3A_2385, %min3A_2376 : vector<512x128xf32>
    %jit3A_2388 = arith.constant 51 : i32
    %broadcast_in_dim3A_2389 = vector.broadcast %jit3A_2388 : i32 to vector<512x128xi32>
    %select_n3A_2390 = arith.select %lt3A_2386, %broadcast_in_dim3A_2389, %select_n3A_2379 : vector<512x128xi1>, vector<512x128xi32>
    %get3A_2391 = arith.constant 0 : index
    %get3A_2392 = arith.constant 6656 : index
    %get3A_2393 = vector.load %arg4[%get3A_2391, %get3A_2392] : memref<64x8192xf32, #tpu.memory_space<vmem>>, vector<64x512xf32>
    %dot_general3A_2394 = arith.constant dense<0.000000e+00> : vector<512x512xf32>
    %dot_general3A_2395 = tpu.matmul %slice3A_1709, %get3A_2393, %dot_general3A_2394 {dimension_numbers = #tpu.dot_dimension_numbers<[1], [0], [0], [1], [0, 0, 1, 1], [], []>, transpose_lhs_hint = false} : vector<512x64xf32>, vector<64x512xf32>, vector<512x512xf32> -> vector<512x512xf32>
    %get3A_2396 = arith.constant 0 : index
    %get3A_2397 = arith.constant 6656 : index
    %get3A_2398 = vector.load %arg5[%get3A_2396, %get3A_2397] : memref<8x8192xf32, #tpu.memory_space<vmem>>, vector<1x512xf32>
    %slice3A_2399 = vector.extract_strided_slice %get3A_2398 {offsets = [0, 0], sizes = [1, 128], strides = [1, 1]} : vector<1x512xf32> to vector<1x128xf32>
    %add3A_2400 = vector.broadcast %slice3A_1710 : vector<512x1xf32> to vector<512x128xf32>
    %add3A_2401 = vector.broadcast %slice3A_2399 : vector<1x128xf32> to vector<512x128xf32>
    %add3A_2402 = arith.addf %add3A_2400, %add3A_2401 : vector<512x128xf32>
    %slice3A_2403 = vector.extract_strided_slice %dot_general3A_2395 {offsets = [0, 0], sizes = [512, 128], strides = [1, 1]} : vector<512x512xf32> to vector<512x128xf32>
    %add3A_2404 = arith.addf %add3A_2402, %slice3A_2403 : vector<512x128xf32>
    %lt3A_2405 = arith.cmpf olt, %add3A_2404, %min3A_2387 : vector<512x128xf32>
    %min3A_2406 = arith.minimumf %add3A_2404, %min3A_2387 : vector<512x128xf32>
    %jit3A_2407 = arith.constant 52 : i32
    %broadcast_in_dim3A_2408 = vector.broadcast %jit3A_2407 : i32 to vector<512x128xi32>
    %select_n3A_2409 = arith.select %lt3A_2405, %broadcast_in_dim3A_2408, %select_n3A_2390 : vector<512x128xi1>, vector<512x128xi32>
    %slice3A_2410 = vector.extract_strided_slice %get3A_2398 {offsets = [0, 128], sizes = [1, 128], strides = [1, 1]} : vector<1x512xf32> to vector<1x128xf32>
    %add3A_2411 = vector.broadcast %slice3A_1710 : vector<512x1xf32> to vector<512x128xf32>
    %add3A_2412 = vector.broadcast %slice3A_2410 : vector<1x128xf32> to vector<512x128xf32>
    %add3A_2413 = arith.addf %add3A_2411, %add3A_2412 : vector<512x128xf32>
    %slice3A_2414 = vector.extract_strided_slice %dot_general3A_2395 {offsets = [0, 128], sizes = [512, 128], strides = [1, 1]} : vector<512x512xf32> to vector<512x128xf32>
    %add3A_2415 = arith.addf %add3A_2413, %slice3A_2414 : vector<512x128xf32>
    %lt3A_2416 = arith.cmpf olt, %add3A_2415, %min3A_2406 : vector<512x128xf32>
    %min3A_2417 = arith.minimumf %add3A_2415, %min3A_2406 : vector<512x128xf32>
    %jit3A_2418 = arith.constant 53 : i32
    %broadcast_in_dim3A_2419 = vector.broadcast %jit3A_2418 : i32 to vector<512x128xi32>
    %select_n3A_2420 = arith.select %lt3A_2416, %broadcast_in_dim3A_2419, %select_n3A_2409 : vector<512x128xi1>, vector<512x128xi32>
    %slice3A_2421 = vector.extract_strided_slice %get3A_2398 {offsets = [0, 256], sizes = [1, 128], strides = [1, 1]} : vector<1x512xf32> to vector<1x128xf32>
    %add3A_2422 = vector.broadcast %slice3A_1710 : vector<512x1xf32> to vector<512x128xf32>
    %add3A_2423 = vector.broadcast %slice3A_2421 : vector<1x128xf32> to vector<512x128xf32>
    %add3A_2424 = arith.addf %add3A_2422, %add3A_2423 : vector<512x128xf32>
    %slice3A_2425 = vector.extract_strided_slice %dot_general3A_2395 {offsets = [0, 256], sizes = [512, 128], strides = [1, 1]} : vector<512x512xf32> to vector<512x128xf32>
    %add3A_2426 = arith.addf %add3A_2424, %slice3A_2425 : vector<512x128xf32>
    %lt3A_2427 = arith.cmpf olt, %add3A_2426, %min3A_2417 : vector<512x128xf32>
    %min3A_2428 = arith.minimumf %add3A_2426, %min3A_2417 : vector<512x128xf32>
    %jit3A_2429 = arith.constant 54 : i32
    %broadcast_in_dim3A_2430 = vector.broadcast %jit3A_2429 : i32 to vector<512x128xi32>
    %select_n3A_2431 = arith.select %lt3A_2427, %broadcast_in_dim3A_2430, %select_n3A_2420 : vector<512x128xi1>, vector<512x128xi32>
    %slice3A_2432 = vector.extract_strided_slice %get3A_2398 {offsets = [0, 384], sizes = [1, 128], strides = [1, 1]} : vector<1x512xf32> to vector<1x128xf32>
    %add3A_2433 = vector.broadcast %slice3A_1710 : vector<512x1xf32> to vector<512x128xf32>
    %add3A_2434 = vector.broadcast %slice3A_2432 : vector<1x128xf32> to vector<512x128xf32>
    %add3A_2435 = arith.addf %add3A_2433, %add3A_2434 : vector<512x128xf32>
    %slice3A_2436 = vector.extract_strided_slice %dot_general3A_2395 {offsets = [0, 384], sizes = [512, 128], strides = [1, 1]} : vector<512x512xf32> to vector<512x128xf32>
    %add3A_2437 = arith.addf %add3A_2435, %slice3A_2436 : vector<512x128xf32>
    %lt3A_2438 = arith.cmpf olt, %add3A_2437, %min3A_2428 : vector<512x128xf32>
    %min3A_2439 = arith.minimumf %add3A_2437, %min3A_2428 : vector<512x128xf32>
    %jit3A_2440 = arith.constant 55 : i32
    %broadcast_in_dim3A_2441 = vector.broadcast %jit3A_2440 : i32 to vector<512x128xi32>
    %select_n3A_2442 = arith.select %lt3A_2438, %broadcast_in_dim3A_2441, %select_n3A_2431 : vector<512x128xi1>, vector<512x128xi32>
    %get3A_2443 = arith.constant 0 : index
    %get3A_2444 = arith.constant 7168 : index
    %get3A_2445 = vector.load %arg4[%get3A_2443, %get3A_2444] : memref<64x8192xf32, #tpu.memory_space<vmem>>, vector<64x512xf32>
    %dot_general3A_2446 = arith.constant dense<0.000000e+00> : vector<512x512xf32>
    %dot_general3A_2447 = tpu.matmul %slice3A_1709, %get3A_2445, %dot_general3A_2446 {dimension_numbers = #tpu.dot_dimension_numbers<[1], [0], [0], [1], [0, 0, 1, 1], [], []>, transpose_lhs_hint = false} : vector<512x64xf32>, vector<64x512xf32>, vector<512x512xf32> -> vector<512x512xf32>
    %get3A_2448 = arith.constant 0 : index
    %get3A_2449 = arith.constant 7168 : index
    %get3A_2450 = vector.load %arg5[%get3A_2448, %get3A_2449] : memref<8x8192xf32, #tpu.memory_space<vmem>>, vector<1x512xf32>
    %slice3A_2451 = vector.extract_strided_slice %get3A_2450 {offsets = [0, 0], sizes = [1, 128], strides = [1, 1]} : vector<1x512xf32> to vector<1x128xf32>
    %add3A_2452 = vector.broadcast %slice3A_1710 : vector<512x1xf32> to vector<512x128xf32>
    %add3A_2453 = vector.broadcast %slice3A_2451 : vector<1x128xf32> to vector<512x128xf32>
    %add3A_2454 = arith.addf %add3A_2452, %add3A_2453 : vector<512x128xf32>
    %slice3A_2455 = vector.extract_strided_slice %dot_general3A_2447 {offsets = [0, 0], sizes = [512, 128], strides = [1, 1]} : vector<512x512xf32> to vector<512x128xf32>
    %add3A_2456 = arith.addf %add3A_2454, %slice3A_2455 : vector<512x128xf32>
    %lt3A_2457 = arith.cmpf olt, %add3A_2456, %min3A_2439 : vector<512x128xf32>
    %min3A_2458 = arith.minimumf %add3A_2456, %min3A_2439 : vector<512x128xf32>
    %jit3A_2459 = arith.constant 56 : i32
    %broadcast_in_dim3A_2460 = vector.broadcast %jit3A_2459 : i32 to vector<512x128xi32>
    %select_n3A_2461 = arith.select %lt3A_2457, %broadcast_in_dim3A_2460, %select_n3A_2442 : vector<512x128xi1>, vector<512x128xi32>
    %slice3A_2462 = vector.extract_strided_slice %get3A_2450 {offsets = [0, 128], sizes = [1, 128], strides = [1, 1]} : vector<1x512xf32> to vector<1x128xf32>
    %add3A_2463 = vector.broadcast %slice3A_1710 : vector<512x1xf32> to vector<512x128xf32>
    %add3A_2464 = vector.broadcast %slice3A_2462 : vector<1x128xf32> to vector<512x128xf32>
    %add3A_2465 = arith.addf %add3A_2463, %add3A_2464 : vector<512x128xf32>
    %slice3A_2466 = vector.extract_strided_slice %dot_general3A_2447 {offsets = [0, 128], sizes = [512, 128], strides = [1, 1]} : vector<512x512xf32> to vector<512x128xf32>
    %add3A_2467 = arith.addf %add3A_2465, %slice3A_2466 : vector<512x128xf32>
    %lt3A_2468 = arith.cmpf olt, %add3A_2467, %min3A_2458 : vector<512x128xf32>
    %min3A_2469 = arith.minimumf %add3A_2467, %min3A_2458 : vector<512x128xf32>
    %jit3A_2470 = arith.constant 57 : i32
    %broadcast_in_dim3A_2471 = vector.broadcast %jit3A_2470 : i32 to vector<512x128xi32>
    %select_n3A_2472 = arith.select %lt3A_2468, %broadcast_in_dim3A_2471, %select_n3A_2461 : vector<512x128xi1>, vector<512x128xi32>
    %slice3A_2473 = vector.extract_strided_slice %get3A_2450 {offsets = [0, 256], sizes = [1, 128], strides = [1, 1]} : vector<1x512xf32> to vector<1x128xf32>
    %add3A_2474 = vector.broadcast %slice3A_1710 : vector<512x1xf32> to vector<512x128xf32>
    %add3A_2475 = vector.broadcast %slice3A_2473 : vector<1x128xf32> to vector<512x128xf32>
    %add3A_2476 = arith.addf %add3A_2474, %add3A_2475 : vector<512x128xf32>
    %slice3A_2477 = vector.extract_strided_slice %dot_general3A_2447 {offsets = [0, 256], sizes = [512, 128], strides = [1, 1]} : vector<512x512xf32> to vector<512x128xf32>
    %add3A_2478 = arith.addf %add3A_2476, %slice3A_2477 : vector<512x128xf32>
    %lt3A_2479 = arith.cmpf olt, %add3A_2478, %min3A_2469 : vector<512x128xf32>
    %min3A_2480 = arith.minimumf %add3A_2478, %min3A_2469 : vector<512x128xf32>
    %jit3A_2481 = arith.constant 58 : i32
    %broadcast_in_dim3A_2482 = vector.broadcast %jit3A_2481 : i32 to vector<512x128xi32>
    %select_n3A_2483 = arith.select %lt3A_2479, %broadcast_in_dim3A_2482, %select_n3A_2472 : vector<512x128xi1>, vector<512x128xi32>
    %slice3A_2484 = vector.extract_strided_slice %get3A_2450 {offsets = [0, 384], sizes = [1, 128], strides = [1, 1]} : vector<1x512xf32> to vector<1x128xf32>
    %add3A_2485 = vector.broadcast %slice3A_1710 : vector<512x1xf32> to vector<512x128xf32>
    %add3A_2486 = vector.broadcast %slice3A_2484 : vector<1x128xf32> to vector<512x128xf32>
    %add3A_2487 = arith.addf %add3A_2485, %add3A_2486 : vector<512x128xf32>
    %slice3A_2488 = vector.extract_strided_slice %dot_general3A_2447 {offsets = [0, 384], sizes = [512, 128], strides = [1, 1]} : vector<512x512xf32> to vector<512x128xf32>
    %add3A_2489 = arith.addf %add3A_2487, %slice3A_2488 : vector<512x128xf32>
    %lt3A_2490 = arith.cmpf olt, %add3A_2489, %min3A_2480 : vector<512x128xf32>
    %min3A_2491 = arith.minimumf %add3A_2489, %min3A_2480 : vector<512x128xf32>
    %jit3A_2492 = arith.constant 59 : i32
    %broadcast_in_dim3A_2493 = vector.broadcast %jit3A_2492 : i32 to vector<512x128xi32>
    %select_n3A_2494 = arith.select %lt3A_2490, %broadcast_in_dim3A_2493, %select_n3A_2483 : vector<512x128xi1>, vector<512x128xi32>
    %get3A_2495 = arith.constant 0 : index
    %get3A_2496 = arith.constant 7680 : index
    %get3A_2497 = vector.load %arg4[%get3A_2495, %get3A_2496] : memref<64x8192xf32, #tpu.memory_space<vmem>>, vector<64x512xf32>
    %dot_general3A_2498 = arith.constant dense<0.000000e+00> : vector<512x512xf32>
    %dot_general3A_2499 = tpu.matmul %slice3A_1709, %get3A_2497, %dot_general3A_2498 {dimension_numbers = #tpu.dot_dimension_numbers<[1], [0], [0], [1], [0, 0, 1, 1], [], []>, transpose_lhs_hint = false} : vector<512x64xf32>, vector<64x512xf32>, vector<512x512xf32> -> vector<512x512xf32>
    %get3A_2500 = arith.constant 0 : index
    %get3A_2501 = arith.constant 7680 : index
    %get3A_2502 = vector.load %arg5[%get3A_2500, %get3A_2501] : memref<8x8192xf32, #tpu.memory_space<vmem>>, vector<1x512xf32>
    %slice3A_2503 = vector.extract_strided_slice %get3A_2502 {offsets = [0, 0], sizes = [1, 128], strides = [1, 1]} : vector<1x512xf32> to vector<1x128xf32>
    %add3A_2504 = vector.broadcast %slice3A_1710 : vector<512x1xf32> to vector<512x128xf32>
    %add3A_2505 = vector.broadcast %slice3A_2503 : vector<1x128xf32> to vector<512x128xf32>
    %add3A_2506 = arith.addf %add3A_2504, %add3A_2505 : vector<512x128xf32>
    %slice3A_2507 = vector.extract_strided_slice %dot_general3A_2499 {offsets = [0, 0], sizes = [512, 128], strides = [1, 1]} : vector<512x512xf32> to vector<512x128xf32>
    %add3A_2508 = arith.addf %add3A_2506, %slice3A_2507 : vector<512x128xf32>
    %lt3A_2509 = arith.cmpf olt, %add3A_2508, %min3A_2491 : vector<512x128xf32>
    %min3A_2510 = arith.minimumf %add3A_2508, %min3A_2491 : vector<512x128xf32>
    %jit3A_2511 = arith.constant 60 : i32
    %broadcast_in_dim3A_2512 = vector.broadcast %jit3A_2511 : i32 to vector<512x128xi32>
    %select_n3A_2513 = arith.select %lt3A_2509, %broadcast_in_dim3A_2512, %select_n3A_2494 : vector<512x128xi1>, vector<512x128xi32>
    %slice3A_2514 = vector.extract_strided_slice %get3A_2502 {offsets = [0, 128], sizes = [1, 128], strides = [1, 1]} : vector<1x512xf32> to vector<1x128xf32>
    %add3A_2515 = vector.broadcast %slice3A_1710 : vector<512x1xf32> to vector<512x128xf32>
    %add3A_2516 = vector.broadcast %slice3A_2514 : vector<1x128xf32> to vector<512x128xf32>
    %add3A_2517 = arith.addf %add3A_2515, %add3A_2516 : vector<512x128xf32>
    %slice3A_2518 = vector.extract_strided_slice %dot_general3A_2499 {offsets = [0, 128], sizes = [512, 128], strides = [1, 1]} : vector<512x512xf32> to vector<512x128xf32>
    %add3A_2519 = arith.addf %add3A_2517, %slice3A_2518 : vector<512x128xf32>
    %lt3A_2520 = arith.cmpf olt, %add3A_2519, %min3A_2510 : vector<512x128xf32>
    %min3A_2521 = arith.minimumf %add3A_2519, %min3A_2510 : vector<512x128xf32>
    %jit3A_2522 = arith.constant 61 : i32
    %broadcast_in_dim3A_2523 = vector.broadcast %jit3A_2522 : i32 to vector<512x128xi32>
    %select_n3A_2524 = arith.select %lt3A_2520, %broadcast_in_dim3A_2523, %select_n3A_2513 : vector<512x128xi1>, vector<512x128xi32>
    %slice3A_2525 = vector.extract_strided_slice %get3A_2502 {offsets = [0, 256], sizes = [1, 128], strides = [1, 1]} : vector<1x512xf32> to vector<1x128xf32>
    %add3A_2526 = vector.broadcast %slice3A_1710 : vector<512x1xf32> to vector<512x128xf32>
    %add3A_2527 = vector.broadcast %slice3A_2525 : vector<1x128xf32> to vector<512x128xf32>
    %add3A_2528 = arith.addf %add3A_2526, %add3A_2527 : vector<512x128xf32>
    %slice3A_2529 = vector.extract_strided_slice %dot_general3A_2499 {offsets = [0, 256], sizes = [512, 128], strides = [1, 1]} : vector<512x512xf32> to vector<512x128xf32>
    %add3A_2530 = arith.addf %add3A_2528, %slice3A_2529 : vector<512x128xf32>
    %lt3A_2531 = arith.cmpf olt, %add3A_2530, %min3A_2521 : vector<512x128xf32>
    %min3A_2532 = arith.minimumf %add3A_2530, %min3A_2521 : vector<512x128xf32>
    %jit3A_2533 = arith.constant 62 : i32
    %broadcast_in_dim3A_2534 = vector.broadcast %jit3A_2533 : i32 to vector<512x128xi32>
    %select_n3A_2535 = arith.select %lt3A_2531, %broadcast_in_dim3A_2534, %select_n3A_2524 : vector<512x128xi1>, vector<512x128xi32>
    %slice3A_2536 = vector.extract_strided_slice %get3A_2502 {offsets = [0, 384], sizes = [1, 128], strides = [1, 1]} : vector<1x512xf32> to vector<1x128xf32>
    %add3A_2537 = vector.broadcast %slice3A_1710 : vector<512x1xf32> to vector<512x128xf32>
    %add3A_2538 = vector.broadcast %slice3A_2536 : vector<1x128xf32> to vector<512x128xf32>
    %add3A_2539 = arith.addf %add3A_2537, %add3A_2538 : vector<512x128xf32>
    %slice3A_2540 = vector.extract_strided_slice %dot_general3A_2499 {offsets = [0, 384], sizes = [512, 128], strides = [1, 1]} : vector<512x512xf32> to vector<512x128xf32>
    %add3A_2541 = arith.addf %add3A_2539, %slice3A_2540 : vector<512x128xf32>
    %lt3A_2542 = arith.cmpf olt, %add3A_2541, %min3A_2532 : vector<512x128xf32>
    %min3A_2543 = arith.minimumf %add3A_2541, %min3A_2532 : vector<512x128xf32>
    %jit3A_2544 = arith.constant 63 : i32
    %broadcast_in_dim3A_2545 = vector.broadcast %jit3A_2544 : i32 to vector<512x128xi32>
    %select_n3A_2546 = arith.select %lt3A_2542, %broadcast_in_dim3A_2545, %select_n3A_2535 : vector<512x128xi1>, vector<512x128xi32>
    %reduce_min3A_2547 = arith.constant dense<0x7F800000> : vector<512xf32>
    %reduce_min3A_2548 = vector.multi_reduction <minimumf>, %min3A_2543, %reduce_min3A_2547 [1] : vector<512x128xf32> to vector<512xf32>
    %broadcast_in_dim3A_2549 = vector.shape_cast %reduce_min3A_2548 : vector<512xf32> to vector<512x1xf32>
    %iota3A_2550 = tpu.iota {dimensions = array<i32: 1>} : vector<512x128xi32>
    %mul3A_2551 = arith.constant 128 : i32
    %mul3A_2552 = vector.broadcast %mul3A_2551 : i32 to vector<512x128xi32>
    %mul3A_2553 = arith.muli %select_n3A_2546, %mul3A_2552 : vector<512x128xi32>
    %add3A_2554 = arith.addi %mul3A_2553, %iota3A_2550 : vector<512x128xi32>
    %eq3A_2555 = vector.broadcast %broadcast_in_dim3A_2549 : vector<512x1xf32> to vector<512x128xf32>
    %eq3A_2556 = arith.cmpf oeq, %min3A_2543, %eq3A_2555 : vector<512x128xf32>
    %jit3A_2557 = arith.constant 1073741824 : i32
    %broadcast_in_dim3A_2558 = vector.broadcast %jit3A_2557 : i32 to vector<512x128xi32>
    %select_n3A_2559 = arith.select %eq3A_2556, %add3A_2554, %broadcast_in_dim3A_2558 : vector<512x128xi1>, vector<512x128xi32>
    %reduce_min3A_2560 = arith.constant dense<2147483647> : vector<512xi32>
    %reduce_min3A_2561 = vector.multi_reduction <minsi>, %select_n3A_2559, %reduce_min3A_2560 [1] : vector<512x128xi32> to vector<512xi32>
    %broadcast_in_dim3A_2562 = vector.shape_cast %reduce_min3A_2561 : vector<512xi32> to vector<512x1xi32>
    %swap3A_2563 = arith.constant 1024 : index
    %swap3A_2564 = arith.constant 0 : index
    %swap3A_2565 = vector.load %arg3[%swap3A_2563, %swap3A_2564] : memref<1536x1xi32, #tpu.memory_space<vmem>>, vector<512x1xi32>
    tpu.vector_store %arg3[%swap3A_2563, %swap3A_2564], %broadcast_in_dim3A_2562 {strides = array<i32>} : memref<1536x1xi32, #tpu.memory_space<vmem>>, vector<512x1xi32>,
    return
  }
  func.func @transform_0(%arg0: i32) -> (i32, i32) {
    %c0_i32 = arith.constant 0 : i32
    %c0_i32_0 = arith.constant 0 : i32
    return %arg0, %c0_i32 : i32, i32
  }
  func.func @transform_1(%arg0: i32) -> (i32, i32) {
    %c0_i32 = arith.constant 0 : i32
    %c0_i32_0 = arith.constant 0 : i32
    %c0_i32_1 = arith.constant 0 : i32
    return %c0_i32, %c0_i32_0 : i32, i32
  }
  func.func @transform_2(%arg0: i32) -> (i32, i32) {
    %c0_i32 = arith.constant 0 : i32
    %c0_i32_0 = arith.constant 0 : i32
    return %arg0, %c0_i32 : i32, i32
  }
}

</mosaic_0001>

<sc_bundles>
// kernel: kernel.4.cloned.1.call-start
scs
__scs_entry_jumppad:
0x0: {  	(pc) =	sbr.rel $0x88, $3  }
0x1: {  	(tag) =	ssettag $0x0;
	lr =	simm.s32 $0x1  }
0x2: {  	[smem:$0x3F9F] =	sst lr;
	_ =	strace $0xD0000000  }
0x3: {  	_ = 	snop  }
0x4: {  	_ = 	snop  }
0x5: {  	_ = 	snop  }
0x6: {  	_ = 	snop  }
0x7: {  	_ = 	snop  }
__scs_overlays_trampoline_lowered:
0x8: {  	[smem:$0x3FAE] =	sst s0  }
0x9: {  	[smem:$0x3FAF] =	sst s1  }
0xa: {  	[smem:$0x3FB0] =	sst s2  }
0xb: {  	[smem:$0x3FB1] =	sst s3  }
0xc: {  	[smem:$0x3FB2] =	sst s4  }
0xd: {  	[smem:$0x3FB3] =	sst s5  }
0xe: {  	[smem:$0x3FB4] =	sst s6  }
0xf: {  	[smem:$0x3FB5] =	sst s7  }
0x10: {  	[smem:$0x3FB6] =	sst s8  }
0x11: {  	[smem:$0x3FB7] =	sst s9;
	s0 =	simm.s32 @!p0 $0x0  }
0x12: {  	s1 =	sld [smem:$0x3F9D];
	s0 =	simm.s32 @p0 $0x1  }
0x13: {  	[smem:$0x3FB8] =	sst s0;
	s0 =	simm.s32 @!p1 $0x0  }
0x14: {  	s2 =	sld [smem:$0x3F9C];
	s0 =	simm.s32 @p1 $0x1  }
0x15: {  	[smem:$0x3FB9] =	sst s0;
	s0 =	simm.s32 @!p2 $0x0  }
0x16: {  	s3 =	sld [smem:$0x3FDB];
	s0 =	simm.s32 @p2 $0x1  }
0x17: {  	s4 =	simm.s32 $0x1BF5;
	[smem:$0x3FBB] =	sst s0  }
0x18: {  	s0 =	sld [smem:$0x3F9E];
	_ =	swait.ge [sflag:s4], $0x0  }
0x19: {  	s7 =	sld [smem:$0x3F9F]  }
0x1a: {  	s8 =	sadd.s32 $0xFFFFE003, lr  }
0x1b: {  	s9 =	sadd.s32 $0xFFFFFEF7, lr;
	s5 =	simm.s32 $0xFFFFFFFF;
	p2 =	slt.u32 s8, $0xFFFFF086  }
0x1c: {  	p1 =	slt.u32 s9, $0xF7A;
	s5 =	simm.s32 @!p2 $0x0  }
0x1d: {  	s5 =	simm.s32 @p1 $0x1;
	p0 =	seq.s32 s7, s2  }
0x1e: {  	s7 =	smul.u32 @!p0 $0xF7A, s2;
	p2 =	seq.s32 @!p0 s5, $0x0  }
0x1f: {  	s9 =	smul.u32 $0xF7A, s1;
	s8 =	simm.s32 @!p0 $0x1BF5;
	p2 =	por !p2, p0  }
0x20: {  	[sflag:s8] =	ssyncset.s32 @!p0 $0xFFFFF086;
	s6 =	sadd.s32 @!p0 s3, s7;
	s7 =	simm.s32 @!p0 $0x108  }
0x21: {  	s3 =	sadd.s32 s3, s9;
	s6 =	sadd.s32 @!p0 $0x88, s6;
	s7 =	simm.s32 @p2 $0x1082  }
0x22: {  	[simem:s7], [sflag:s8] =	dma.local @!p0 [hbm:s6], $0xF7A  }
0x23: {  	s9 =	sor.u32 $0xD0000000, s2;
	s6 =	simm.s32 $0x108;
	_ =	swait.ge @!p0 [sflag:s8], $0x0  }
0x24: {  	s3 =	sadd.s32 $0x88, s3;
	s6 =	simm.s32 @!p1 $0x1082;
	[sflag:s4] =	ssyncset.s32 $0xFFFFF086  }
0x25: {  	[simem:s6], [sflag:s4] =	dma.local [hbm:s3], $0xF7A  }
0x26: {  	[smem:$0x3F9F] =	sst s1;
	(tag) =	ssettag s2;
	_ =	strace s9  }
0x27: {  	s1 =	sld [smem:$0x3FAF]  }
0x28: {  	s2 =	sld [smem:$0x3FB0]  }
0x29: {  	s4 =	sld [smem:$0x3FB2]  }
0x2a: {  	p0 =	seq.s32 s5, $0x0;
	s5 =	sld [smem:$0x3FB3]  }
0x2b: {  	s6 =	sld [smem:$0x3FB4]  }
0x2c: {  	s7 =	sld [smem:$0x3FB5]  }
0x2d: {  	s3 =	simm.s32 $0x108;
	s8 =	sld [smem:$0x3FB6]  }
0x2e: {  	s3 =	simm.s32 @!p0 $0x1082;
	s9 =	sld [smem:$0x3FB7]  }
0x2f: {  	lr =	sadd.s32 s0, s3;
	s0 =	sld [smem:$0x3FAE]  }
0x30: {  	s3 =	sld [smem:$0x3FB1]  }
0x31: {  	[smem:$0x3FBA] =	sst s10  }
0x32: {  	s10 =	sld [smem:$0x3FB8];
	_ =	sdelay $0x3  }
0x33: {  	p0 =	seq.s32 s10, $0x1;
	s10 =	sld [smem:$0x3FBA];
	_ =	sdelay $0x3  }
0x34: {  	[smem:$0x3FBA] =	sst s10  }
0x35: {  	s10 =	sld [smem:$0x3FB9];
	_ =	sdelay $0x3  }
0x36: {  	p1 =	seq.s32 s10, $0x1;
	s10 =	sld [smem:$0x3FBA];
	_ =	sdelay $0x3  }
0x37: {  	[smem:$0x3FBA] =	sst s10  }
0x38: {  	s10 =	sld [smem:$0x3FBB]  }
0x39: {  	_ = 	snop;
	(pc) =	sbr.ind lr, $3  }
0x3a: {  	_ = 	snop  }
0x3b: {  	_ = 	snop  }
0x3c: {  	p2 =	seq.s32 s10, $0x1;
	s10 =	sld [smem:$0x3FBA]  }
0x3d: {  	_ =	shalt  }
0x3e: {  	_ =	shalt  }
0x3f: {  	_ =	shalt  }
0x40: {  	_ =	shalt  }
0x41: {  	_ =	shalt  }
0x42: {  	_ =	shalt  }
0x43: {  	_ =	shalt  }
0x44: {  	_ =	shalt  }
0x45: {  	_ =	shalt  }
0x46: {  	_ =	shalt  }
0x47: {  	_ =	shalt  }
0x48: {  	_ =	shalt  }
0x49: {  	_ =	shalt  }
0x4a: {  	_ =	shalt  }
0x4b: {  	_ =	shalt  }
0x4c: {  	_ =	shalt  }
0x4d: {  	_ =	shalt  }
0x4e: {  	_ =	shalt  }
0x4f: {  	_ =	shalt  }
0x50: {  	_ =	shalt  }
0x51: {  	_ =	shalt  }
0x52: {  	_ =	shalt  }
0x53: {  	_ =	shalt  }
0x54: {  	_ =	shalt  }
0x55: {  	_ =	shalt  }
0x56: {  	_ =	shalt  }
0x57: {  	_ =	shalt  }
0x58: {  	_ =	shalt  }
0x59: {  	_ =	shalt  }
0x5a: {  	_ =	shalt  }
0x5b: {  	_ =	shalt  }
0x5c: {  	_ =	shalt  }
0x5d: {  	_ =	shalt  }
0x5e: {  	_ =	shalt  }
0x5f: {  	_ =	shalt  }
0x60: {  	_ =	shalt  }
0x61: {  	_ =	shalt  }
0x62: {  	_ =	shalt  }
0x63: {  	_ =	shalt  }
0x64: {  	_ =	shalt  }
0x65: {  	_ =	shalt  }
0x66: {  	_ =	shalt  }
0x67: {  	_ =	shalt  }
0x68: {  	_ =	shalt  }
0x69: {  	_ =	shalt  }
0x6a: {  	_ =	shalt  }
0x6b: {  	_ =	shalt  }
0x6c: {  	_ =	shalt  }
0x6d: {  	_ =	shalt  }
0x6e: {  	_ =	shalt  }
0x6f: {  	_ =	shalt  }
0x70: {  	_ =	shalt  }
0x71: {  	_ =	shalt  }
0x72: {  	_ =	shalt  }
0x73: {  	_ =	shalt  }
0x74: {  	_ =	shalt  }
0x75: {  	_ =	shalt  }
0x76: {  	_ =	shalt  }
0x77: {  	_ =	shalt  }
0x78: {  	_ =	shalt  }
0x79: {  	_ =	shalt  }
0x7a: {  	_ =	shalt  }
0x7b: {  	_ =	shalt  }
0x7c: {  	_ =	shalt  }
0x7d: {  	_ =	shalt  }
0x7e: {  	_ =	shalt  }
0x7f: {  	_ =	shalt  }
0x80: {  	_ =	shalt  }
0x81: {  	_ =	shalt  }
0x82: {  	_ =	shalt  }
0x83: {  	_ =	shalt  }
0x84: {  	_ =	shalt  }
0x85: {  	_ =	shalt  }
0x86: {  	_ =	shalt  }
0x87: {  	_ =	shalt  }
.Lfunc_end0:
.L_simem_size_0:
called_computation_lowered:
.L_overlay_start_0:
0x88: {  	s2 =	sld [smem:$0x3FD9]  }
0x89: {  	s3 =	sld [smem:$0x3FFE];
	_ =	sdelay $0x1  }
0x8a: {  	s1 =	srdreg.scid  }
0x8b: {  	s0 =	sand.u32 $0x1, s1  }
0x8c: {  	s17 =	sshll.u32 s0, $0xA;
	s2 =	sadd.s32 s3, s2  }
0x8d: {  	s2 =	sadd.s32 s2, s17  }
0x8e: {  	[smem:$0x3FC6] =	sst s2  }
0x8f: {  	_ = 	snop  }
0x90: {  	s2 =	sld [smem:$0x3FD0];
	(tm) =	ssettm $0x1  }
0x91: {  	s18 =	sld [smem:$0x3FFB];
	_ =	sdelay $0x3  }
0x92: {  	_ =	strace s18  }
0x93: {  	s3 =	sld [smem:$0x3FFC];
	_ =	sdelay $0x3  }
0x94: {  	_ =	strace s3  }
0x95: {  	s3 =	sld [smem:$0x3FFD];
	_ =	sdelay $0x3  }
0x96: {  	_ =	strace s3  }
0x97: {  	_ =	strace $0x8FFFFFFF  }
0x98: {  	s19 =	sld [smem:$0x3FDB];
	_ =	sdelay $0x1  }
0x99: {  	s4 =	simm.s32 $_scs_section_size  }
0x9a: {  	s5 =	simm.s32 $_size__tile_overlayer_lowered;
	s6 =	simm.s32 $_tile_overlayer_lowered  }
0x9b: {  	s22 =	simm.s32 $0x1BFF;
	s21 =	sshll.u32 s6, $0x1;
	s3 =	sadd.s32 s4, s19  }
0x9c: {  	s7 =	simm.s32 $0x0;
	s20 =	sshll.u32 s5, $0x1;
	s5 =	sadd.s32 s21, s3  }
0x9d: {  	[timem:s7], [sflag:s22] =	dma.local [hbm:s5], s20  }
0x9e: {  	_ =	swait.ge [sflag:s22], s20  }
0x9f: {  	s4 =	ssub.s32 $0x0, s20;
	[sflag:s22] =	ssyncset.done $0x0  }
0xa0: {  	[sflag:s22] =	ssyncadd.s32 s4;
	_ =	sdelay $0x1  }
0xa1: {  	s23 =	simm.s32 $0x1B8B  }
0xa2: {  	_ =	swait.ge [sflag:s23], $0x1  }
0xa3: {  	[sflag:s23] =	ssyncset.done $0x0  }
0xa4: {  	s25 =	simm.s32 $0x1B8E;
	s24 =	sld [smem:$0x3FFE];
	[sflag:s23] =	ssyncadd.s32 $0xFFFFFFFF  }
0xa5: {  	s26 =	simm.s32 $execute0_lowered;
	[smem:$0x3FD2] =	sst s25  }
0xa6: {  	s5 =	sshll.u32 s26, $0x1;
	_ =	strace $0x80000046;
	[dreg:$0x1] =	wrdreg $0xFFFFFFFF  }
0xa7: {  	s28 =	simm.s32 $_size_execute0_lowered;
	s3 =	sadd.s32 s3, s5;
	[dreg:$0x0] =	wrdreg $0x0  }
0xa8: {  	s5 =	sshll.u32 s28, $0x1;
	[dreg:$0x2] =	wrdreg s3  }
0xa9: {  	[dreg:$0x3] =	wrdreg s5  }
0xaa: {  	[dreg:$0x4] =	wrdreg $0xC0  }
0xab: {  	_ =	task [dreg:s7], $0x5FFFF  }
0xac: {  	[dreg:$0x1] =	wrdreg $0xFFFFFFFF  }
0xad: {  	[dreg:$0x0] =	wrdreg $0x60  }
0xae: {  	[dreg:$0x2] =	wrdreg s24  }
0xaf: {  	[dreg:$0x3] =	wrdreg s2  }
0xb0: {  	[dreg:$0x4] =	wrdreg $0x9  }
0xb1: {  	_ =	task.clear_ibuf [dreg:s7], $0x5FFFF;
	_ =	strace $0x90000046  }
0xb2: {  	s29 =	simm.s32 $0x9;
	_ =	strace $0x80000048  }
0xb3: {  	_ =	swait.ge [sflag:s29], $0x1  }
0xb4: {  	[sflag:s29] =	ssyncadd.s32 $0xFFFFFFFF  }
0xb5: {  	_ =	strace $0x90000048  }
0xb6: {  	_ =	sfence  }
0xb7: {  	s30 =	sld [smem:$0x0];
	_ =	sdelay $0x2  }
0xb8: {  	s31 =	sshll.u32 s1, $0xD;
	s1 =	sshrl.u32 s1, $0x2  }
0xb9: {  	s3 =	sand.u32 $0x4000, s31;
	s1 =	sadd.s32 s1, s30  }
0xba: {  	s0 =	sor.u32 s3, s0;
	s1 =	sshll.u32 s1, $0x11  }
0xbb: {  	s0 =	sor.u32 s1, s0  }
0xbc: {  	s0 =	sadd.s32 $0x8F2B, s0  }
0xbd: {  	[sflag:s0] =	ssyncadd.remote.s32 $0x1  }
0xbe: {  	_ =	sfence.sel $0xFFFF  }
0xbf: {  	[dreg:$0x0] =	wrdreg $0xFFFFFFFF;
	(pc) =	sbr.abs _section_cstart, $3  }
0xc0: {  	[dreg:$0x1] =	wrdreg $0xFFFFFFFF  }
0xc1: {  	_ =	task.clear_ibuf [dreg:s7], $0x2FFFF;
	_ =	strace $0x9FFFFFFF  }
0xc2: {  	(tm) =	ssettm $0x7FFFFFFF  }
0xc3: {  	_ =	shalt  }
tec
execute0_lowered:
.L_overlay_start_1:
0x0: {  	(tag) =	ssettag $0x1  }
0x1: {  	s1 =	srdreg.scid;
	s0 =	stileid.u32  }
0x2: {  	s25 =	sand.u32 $0x1, s1;
	s31 =	sshll.u32 s0, $0x1  }
0x3: {  	s5 =	rddreg [dreg:$0x0];
	s26 =	sor.u32 s25, s31  }
0x4: {  	s24 =	rddreg [dreg:$0x1];
	s3 =	smul.u32 $0x90, s26  }
0x5: {  	s2 =	simm.s32 $0x0;
	s1 =	rddreg [dreg:$0x2]  }
0x6: {  	[smem:$0x7FF] =	sst s2;
	s3 =	sadd.s32 s3, s5  }
0x7: {  	_ =	strace $0x80000047;
	s4 =	sadd.s32 $0x200, s3;
	s3 =	simm.s32 $0x2  }
0x8: {  	[tilespmem:s2], [sflag:$0x2] =	stream.linear.gather [hbm4b:s4+s2], $0x480, $0x38;
	[tilespmem:$0x12480] =	vst v63  }
0x9: {  	_ =	swait.ge [sflag:s3], $0x480  }
0xa: {  	s6 =	simm.s32 $0x80;
	[sflag:s3] =	ssyncset.done $0x0  }
0xb: {  	s7 =	simm.s32 $0x480;
	s5 =	sadd.s32 $0x90200, s5;
	[sflag:s3] =	ssyncadd.s32 $0xFFFFFB80  }
0xc: {  	[tilespmem:s7], [sflag:$0x1] =	stream.indirect.gather [hbm4b:s5+s6], $0x40, s2, s6, $0xb8;
	[tilespmem:$0x12480] =	vst v63  }
0xd: {  	s8 =	simm.s32 $0x2480  }
0xe: {  	[tilespmem:s8], [sflag:$0x1] =	stream.indirect.gather [hbm4b:s5+s6], $0x40, s6, s6, $0xb8;
	[tilespmem:$0x12480] =	vst v63  }
0xf: {  	s9 =	simm.s32 $0x100;
	s10 =	simm.s32 $0x4480  }
0x10: {  	[tilespmem:s10], [sflag:$0x1] =	stream.indirect.gather [hbm4b:s5+s6], $0x40, s9, s6, $0xb8;
	[tilespmem:$0x12480] =	vst v63  }
0x11: {  	s11 =	simm.s32 $0x180;
	s12 =	simm.s32 $0x6480  }
0x12: {  	[tilespmem:s12], [sflag:$0x1] =	stream.indirect.gather [hbm4b:s5+s6], $0x40, s11, s6, $0xb8;
	[tilespmem:$0x12480] =	vst v63  }
0x13: {  	s13 =	simm.s32 $0x200;
	s14 =	simm.s32 $0x8480  }
0x14: {  	[tilespmem:s14], [sflag:$0x1] =	stream.indirect.gather [hbm4b:s5+s6], $0x40, s13, s6, $0xb8;
	[tilespmem:$0x12480] =	vst v63  }
0x15: {  	s15 =	simm.s32 $0x280;
	s16 =	simm.s32 $0xA480  }
0x16: {  	[tilespmem:s16], [sflag:$0x1] =	stream.indirect.gather [hbm4b:s5+s6], $0x40, s15, s6, $0xb8;
	[tilespmem:$0x12480] =	vst v63  }
0x17: {  	s17 =	simm.s32 $0x300;
	s18 =	simm.s32 $0xC480  }
0x18: {  	[tilespmem:s18], [sflag:$0x1] =	stream.indirect.gather [hbm4b:s5+s6], $0x40, s17, s6, $0xb8;
	[tilespmem:$0x12480] =	vst v63  }
0x19: {  	s19 =	simm.s32 $0x380;
	s20 =	simm.s32 $0xE480  }
0x1a: {  	[tilespmem:s20], [sflag:$0x1] =	stream.indirect.gather [hbm4b:s5+s6], $0x40, s19, s6, $0xb8;
	[tilespmem:$0x12480] =	vst v63  }
0x1b: {  	s21 =	simm.s32 $0x400;
	s22 =	simm.s32 $0x10480;
	s23 =	simm.s32 $0x1  }
0x1c: {  	[tilespmem:s22], [sflag:$0x1] =	stream.indirect.gather [hbm4b:s5+s6], $0x40, s21, s6, $0xb8;
	[tilespmem:$0x12480] =	vst v63  }
0x1d: {  	_ =	swait.ge [sflag:s23], $0x2000  }
0x1e: {  	[sflag:s23] =	ssyncset.done $0x0  }
0x1f: {  	[sflag:s23] =	ssyncadd.s32 $0xFFFFE000  }
0x20: {  	_ =	swait.ge [sflag:s23], $0x2000  }
0x21: {  	[sflag:s23] =	ssyncset.done $0x0  }
0x22: {  	[sflag:s23] =	ssyncadd.s32 $0xFFFFE000  }
0x23: {  	_ =	swait.ge [sflag:s23], $0x2000  }
0x24: {  	[sflag:s23] =	ssyncset.done $0x0  }
0x25: {  	[sflag:s23] =	ssyncadd.s32 $0xFFFFE000  }
0x26: {  	_ =	swait.ge [sflag:s23], $0x2000  }
0x27: {  	[sflag:s23] =	ssyncset.done $0x0  }
0x28: {  	[sflag:s23] =	ssyncadd.s32 $0xFFFFE000  }
0x29: {  	_ =	swait.ge [sflag:s23], $0x2000  }
0x2a: {  	[sflag:s23] =	ssyncset.done $0x0  }
0x2b: {  	[sflag:s23] =	ssyncadd.s32 $0xFFFFE000  }
0x2c: {  	_ =	swait.ge [sflag:s23], $0x2000  }
0x2d: {  	[sflag:s23] =	ssyncset.done $0x0  }
0x2e: {  	[sflag:s23] =	ssyncadd.s32 $0xFFFFE000  }
0x2f: {  	_ =	swait.ge [sflag:s23], $0x2000  }
0x30: {  	[sflag:s23] =	ssyncset.done $0x0  }
0x31: {  	s25 =	ssub.s32 $0x2, s25;
	[sflag:s23] =	ssyncadd.s32 $0xFFFFE000  }
0x32: {  	s28 =	sshrl.u32 s25, $0x1;
	_ =	swait.ge [sflag:s23], $0x2000  }
0x33: {  	s25 =	ssub.s32 s25, s28;
	[sflag:s23] =	ssyncset.done $0x0  }
0x34: {  	s25 =	smax.u32 s25, $0x1;
	[sflag:s23] =	ssyncadd.s32 $0xFFFFE000  }
0x35: {  	s26 =	smul.u32 $0x2400, s26;
	p0 =	sne.s32 s25, $0x1;
	_ =	swait.ge [sflag:s23], $0x2000  }
.Ltmp0:
0x36: {  	[sflag:s23] =	ssyncset.done $0x0;
	(pc) =	sbr.rel @!p0 .LBB2_2-.Ltmp0, $4  }
0x37: {  	s24 =	sadd.s32 s24, s26;
	[sflag:s23] =	ssyncadd.s32 $0xFFFFE000  }
0x38: {  	[hbm4b:s24+s2] =	stream.linear.scatter [tilespmem:s7], [sflag:$0x2], $0x12000, $0x38;
	[tilespmem:$0x12480] =	vst v63  }
0x39: {  	_ =	swait.ge [sflag:s3], $0x12000  }
0x3a: {  	s25 =	sadd.s32 $0xFFFFFFFF, s25;
	[sflag:s3] =	ssyncset.done $0x0  }
.LBB2_1:
0x3b: {  	p0 =	sne.s32 s25, $0x1;
	s25 =	sadd.s32 $0xFFFFFFFF, s25;
	[sflag:s3] =	ssyncadd.s32 $0xFFFEE000  }
0x3c: {  	[tilespmem:s2], [sflag:$0x2] =	stream.linear.gather [hbm4b:s4+s2], $0x480, $0x38;
	[tilespmem:$0x12480] =	vst v63  }
0x3d: {  	_ =	swait.ge [sflag:s3], $0x480  }
0x3e: {  	[sflag:s3] =	ssyncset.done $0x0  }
0x3f: {  	[sflag:s3] =	ssyncadd.s32 $0xFFFFFB80  }
0x40: {  	[tilespmem:s7], [sflag:$0x1] =	stream.indirect.gather [hbm4b:s5+s6], $0x40, s2, s6, $0xb8;
	[tilespmem:$0x12480] =	vst v63  }
0x41: {  	_ = 	snop  }
0x42: {  	[tilespmem:s8], [sflag:$0x1] =	stream.indirect.gather [hbm4b:s5+s6], $0x40, s6, s6, $0xb8;
	[tilespmem:$0x12480] =	vst v63  }
0x43: {  	_ = 	snop  }
0x44: {  	[tilespmem:s10], [sflag:$0x1] =	stream.indirect.gather [hbm4b:s5+s6], $0x40, s9, s6, $0xb8;
	[tilespmem:$0x12480] =	vst v63  }
0x45: {  	_ = 	snop  }
0x46: {  	[tilespmem:s12], [sflag:$0x1] =	stream.indirect.gather [hbm4b:s5+s6], $0x40, s11, s6, $0xb8;
	[tilespmem:$0x12480] =	vst v63  }
0x47: {  	_ = 	snop  }
0x48: {  	[tilespmem:s14], [sflag:$0x1] =	stream.indirect.gather [hbm4b:s5+s6], $0x40, s13, s6, $0xb8;
	[tilespmem:$0x12480] =	vst v63  }
0x49: {  	_ = 	snop  }
0x4a: {  	[tilespmem:s16], [sflag:$0x1] =	stream.indirect.gather [hbm4b:s5+s6], $0x40, s15, s6, $0xb8;
	[tilespmem:$0x12480] =	vst v63  }
0x4b: {  	_ = 	snop  }
0x4c: {  	[tilespmem:s18], [sflag:$0x1] =	stream.indirect.gather [hbm4b:s5+s6], $0x40, s17, s6, $0xb8;
	[tilespmem:$0x12480] =	vst v63  }
0x4d: {  	_ = 	snop  }
0x4e: {  	[tilespmem:s20], [sflag:$0x1] =	stream.indirect.gather [hbm4b:s5+s6], $0x40, s19, s6, $0xb8;
	[tilespmem:$0x12480] =	vst v63  }
0x4f: {  	_ = 	snop  }
0x50: {  	[tilespmem:s22], [sflag:$0x1] =	stream.indirect.gather [hbm4b:s5+s6], $0x40, s21, s6, $0xb8;
	[tilespmem:$0x12480] =	vst v63  }
0x51: {  	_ =	swait.ge [sflag:s23], $0x2000  }
0x52: {  	[sflag:s23] =	ssyncset.done $0x0  }
0x53: {  	[sflag:s23] =	ssyncadd.s32 $0xFFFFE000  }
0x54: {  	_ =	swait.ge [sflag:s23], $0x2000  }
0x55: {  	[sflag:s23] =	ssyncset.done $0x0  }
0x56: {  	[sflag:s23] =	ssyncadd.s32 $0xFFFFE000  }
0x57: {  	_ =	swait.ge [sflag:s23], $0x2000  }
0x58: {  	[sflag:s23] =	ssyncset.done $0x0  }
0x59: {  	[sflag:s23] =	ssyncadd.s32 $0xFFFFE000  }
0x5a: {  	_ =	swait.ge [sflag:s23], $0x2000  }
0x5b: {  	[sflag:s23] =	ssyncset.done $0x0  }
0x5c: {  	[sflag:s23] =	ssyncadd.s32 $0xFFFFE000  }
0x5d: {  	_ =	swait.ge [sflag:s23], $0x2000  }
0x5e: {  	[sflag:s23] =	ssyncset.done $0x0  }
0x5f: {  	[sflag:s23] =	ssyncadd.s32 $0xFFFFE000  }
0x60: {  	_ =	swait.ge [sflag:s23], $0x2000  }
0x61: {  	[sflag:s23] =	ssyncset.done $0x0  }
0x62: {  	[sflag:s23] =	ssyncadd.s32 $0xFFFFE000  }
0x63: {  	_ =	swait.ge [sflag:s23], $0x2000  }
0x64: {  	[sflag:s23] =	ssyncset.done $0x0  }
0x65: {  	[sflag:s23] =	ssyncadd.s32 $0xFFFFE000  }
0x66: {  	_ =	swait.ge [sflag:s23], $0x2000  }
0x67: {  	[sflag:s23] =	ssyncset.done $0x0  }
0x68: {  	[sflag:s23] =	ssyncadd.s32 $0xFFFFE000  }
0x69: {  	_ =	swait.ge [sflag:s23], $0x2000  }
.Ltmp1:
0x6a: {  	[sflag:s23] =	ssyncset.done $0x0;
	(pc) =	sbr.rel @p0 .LBB2_1-.Ltmp1, $4  }
0x6b: {  	[sflag:s23] =	ssyncadd.s32 $0xFFFFE000  }
0x6c: {  	[hbm4b:s24+s2] =	stream.linear.scatter [tilespmem:s7], [sflag:$0x2], $0x12000, $0x38;
	[tilespmem:$0x12480] =	vst v63  }
0x6d: {  	_ =	swait.ge [sflag:s3], $0x12000  }
0x6e: {  	[sflag:s3] =	ssyncset.done $0x0  }
.LBB2_2:
0x6f: {  	[sflag:s3] =	ssyncadd.s32 $0xFFFEE000  }
0x70: {  	_ =	sfence.sel $0x180000  }
0x71: {  	[bflag:$0x0] =	sbarrier.arrive $0xFFFF  }
0x72: {  	p0 =	sne.s32 s0, $0x0;
	_ =	strace $0x90000047  }
0x73: {  	s0 =	sadd.s32 @!p0 $0x100000, s1;
	[bflag:$0x2] =	sbarrier.arrive $0xFFFF  }
0x74: {  	[sflag:s0] =	ssyncadd.tile.s32 @!p0 $0x1;
	_ =	shalt  }
.Lfunc_end2:
_tile_overlayer_lowered:
.L_overlay_start_2:
0x75: {  	(tag) =	ssettag $0x2  }
0x76: {  	s0 =	rddreg [dreg:$0x0];
	s2 =	stileid.u32  }
0x77: {  	s1 =	rddreg [dreg:$0x1];
	p0 =	sne.s32 s2, $0x0  }
0x78: {  	s3 =	rddreg [dreg:$0x2];
	[bflag:$0x3] =	sbarrier.arrive $0xFFFF;
	s2 =	simm.s32 @!p0 $0x1C02  }
0x79: {  	[timem:s3], [sflag:s2] =	dma.local @!p0 [hbm:s0], s1  }
0x7a: {  	s0 =	simm.s32 @!p0 $0x2  }
0x7b: {  	_ =	swait.ge @!p0 [sflag:s0], s1  }
0x7c: {  	s1 =	ssub.s32 @!p0 $0x0, s1;
	[sflag:s0] =	ssyncset.done @!p0 $0x0  }
0x7d: {  	[sflag:s0] =	ssyncadd.s32 @!p0 s1  }
0x7e: {  	[bflag:$0x3] =	sbarrier.arrive $0xFFFF  }
0x7f: {  	_ =	shalt  }

</sc_bundles>
